<compile_context>
chip_gen: v7x
topology: tpu7x:2x2x1
jax: 0.10.2.dev20260603
libtpu: 0.0.44.dev20260713+nightly
codegen_flags: <defaults>
</compile_context>

<pallas_src>
import functools

import jax
import jax.numpy as jnp
from jax import lax
from jax.experimental import pallas as pl
from jax.experimental.pallas import tpu as pltpu
from jax.experimental.pallas import tpu_sc as plsc

N = 200000
C = 81
BG = 80
EXCL = 79
NC = 2
NS = 16
NW = NC * NS
CHUNK = N // NW
SPAN = 6400
BLK = 640
NBLK = SPAN // BLK
GRP = BLK // 16
IMAX = 2**31 - 1
NEG_INF = float("-inf")


def _merge_top3(cv, ci, bv, bi):
    lanes = lax.iota(jnp.int32, 16)
    nv = jnp.full((16,), NEG_INF, jnp.float32)
    ni = jnp.full((16,), IMAX, jnp.int32)
    av, ai = bv, bi
    t3 = NEG_INF
    for k in range(3):
        m = jnp.maximum(jnp.max(av), jnp.max(cv))
        ia = jnp.min(jnp.where(av == m, ai, IMAX))
        ic = jnp.min(jnp.where(cv == m, ci, IMAX))
        i = jnp.minimum(ia, ic)
        nv = jnp.where(lanes == k, m, nv)
        ni = jnp.where(lanes == k, i, ni)
        hit_a = ai == i
        av = jnp.where(hit_a, NEG_INF, av)
        ai = jnp.where(hit_a, IMAX, ai)
        hit_c = ci == i
        cv = jnp.where(hit_c, NEG_INF, cv)
        ci = jnp.where(hit_c, IMAX, ci)
        t3 = m
    return nv, ni, t3


def _col_max(buf, o):
    m = jnp.full((16,), NEG_INF, jnp.float32)
    for c in range(C):
        if c == EXCL:
            continue
        m = jnp.maximum(m, buf[c, pl.ds(o, 16)])
    return m


def _phase1_body(scores_hbm, labels_hbm, out_v, out_i, out_lab, out_cnt,
                 buf0, buf1, labv, ov, oi, ol, oc, sem0, sem1):
    w = lax.axis_index("s") * NC + lax.axis_index("c")
    lo = w * CHUNK
    astart = pl.multiple_of(lo - (lo % 128), 128)
    lanes = lax.iota(jnp.int32, 16)

    def start_blk(b, buf, sem):
        pltpu.async_copy(scores_hbm.at[:, pl.ds(astart + b * BLK, BLK)],
                         buf, sem)

    def wait_blk(b, buf, sem):
        pltpu.make_async_copy(scores_hbm.at[:, pl.ds(astart + b * BLK, BLK)],
                              buf, sem).wait()

    start_blk(0, buf0, sem0)
    pltpu.sync_copy(labels_hbm.at[pl.ds(astart, SPAN)], labv)

    def half(buf, g_off, blk_base):
        mcls = _col_max(buf, g_off)
        lv = labv[pl.ds(blk_base + g_off, 16)]
        gidx = astart + blk_base + g_off + lanes
        win = (gidx >= lo) & (gidx < lo + CHUNK)
        fg = (lv != BG) & win
        metric = jnp.where(fg, -mcls, NEG_INF)
        gidx_m = jnp.where(win, gidx, IMAX)
        return metric, gidx_m, fg

    def group_step(buf, g_off, carry):
        v1, i1, v2, i2, v3, i3, acc, blk_base = carry
        metric, gidx, fg = half(buf, g_off, blk_base)
        acc = acc + jnp.where(fg, 1, 0).astype(jnp.int32)
        gt1 = metric > v1
        gt2 = metric > v2
        gt3 = metric > v3
        v3 = jnp.where(gt2, v2, jnp.where(gt3, metric, v3))
        i3 = jnp.where(gt2, i2, jnp.where(gt3, gidx, i3))
        v2 = jnp.where(gt1, v1, jnp.where(gt2, metric, v2))
        i2 = jnp.where(gt1, i1, jnp.where(gt2, gidx, i2))
        v1 = jnp.where(gt1, metric, v1)
        i1 = jnp.where(gt1, gidx, i1)
        return v1, i1, v2, i2, v3, i3, acc, blk_base

    def compute_blk(buf, b, carry):
        def grp(g, c):
            return group_step(buf, g * 16, c)

        out = lax.fori_loop(0, GRP, grp, carry[:7] + (b * BLK,))
        return out[:7]

    def pair_step(i, carry):
        b0 = i * 2
        wait_blk(b0, buf0, sem0)
        start_blk(b0 + 1, buf1, sem1)
        carry = compute_blk(buf0, b0, carry)
        wait_blk(b0 + 1, buf1, sem1)

        @pl.when(i < NBLK // 2 - 1)
        def _():
            start_blk(b0 + 2, buf0, sem0)

        return compute_blk(buf1, b0 + 1, carry)

    nv0 = jnp.full((16,), NEG_INF, jnp.float32)
    ni0 = jnp.full((16,), IMAX, jnp.int32)
    acc0 = jnp.zeros((16,), jnp.int32)
    v1, i1, v2, i2, v3, i3, acc = lax.fori_loop(
        0, NBLK // 2, pair_step, (nv0, ni0, nv0, ni0, nv0, ni0, acc0))

    bv, bi, _ = _merge_top3(v1, i1, nv0, ni0)
    bv, bi, _ = _merge_top3(v2, i2, bv, bi)
    bv, bi, _ = _merge_top3(v3, i3, bv, bi)

    local = jnp.clip(bi - astart, 0, SPAN - 1)
    labw = plsc.load_gather(labv, [local])

    ov[...] = bv
    oi[...] = bi
    ol[...] = labw
    oc[...] = acc
    pltpu.sync_copy(ov, out_v.at[pl.ds(w * 16, 16)])
    pltpu.sync_copy(oi, out_i.at[pl.ds(w * 16, 16)])
    pltpu.sync_copy(ol, out_lab.at[pl.ds(w * 16, 16)])
    pltpu.sync_copy(oc, out_cnt.at[pl.ds(w * 16, 16)])


@functools.cache
def _phase1():
    return functools.partial(
        pl.kernel,
        out_type=(
            jax.ShapeDtypeStruct((NW * 16,), jnp.float32),
            jax.ShapeDtypeStruct((NW * 16,), jnp.int32),
            jax.ShapeDtypeStruct((NW * 16,), jnp.int32),
            jax.ShapeDtypeStruct((NW * 16,), jnp.int32),
        ),
        mesh=plsc.VectorSubcoreMesh(core_axis_name="c", subcore_axis_name="s",
                                    num_cores=NC, num_subcores=NS),
        compiler_params=pltpu.CompilerParams(use_tc_tiling_on_sc=True,
                                             needs_layout_passes=False),
        scratch_types=[
            pltpu.VMEM((C, BLK), jnp.float32),
            pltpu.VMEM((C, BLK), jnp.float32),
            pltpu.VMEM((SPAN,), jnp.int32),
            pltpu.VMEM((16,), jnp.float32),
            pltpu.VMEM((16,), jnp.int32),
            pltpu.VMEM((16,), jnp.int32),
            pltpu.VMEM((16,), jnp.int32),
            pltpu.SemaphoreType.DMA,
            pltpu.SemaphoreType.DMA,
        ],
    )(_phase1_body)


def _phase2_body(cv_ref, ci_ref, cl_ref, cc_ref, scores_any, out_ref,
                 r0, r1, r2, sem):
    vv = cv_ref[...]
    ii = ci_ref[...]
    labs = cl_ref[...]
    nfg = jnp.sum(cc_ref[...])

    idxs = []
    labels = []
    for _ in range(3):
        m = jnp.max(vv)
        i_k = jnp.min(jnp.where(vv == m, ii, IMAX))
        l_k = jnp.min(jnp.where(ii == i_k, labs, IMAX))
        hit = ii == i_k
        vv = jnp.where(hit, NEG_INF, vv)
        ii = jnp.where(hit, IMAX, ii)
        idxs.append(i_k)
        labels.append(l_k)

    bufs = [r0, r1, r2]
    cps = []
    bases = []
    for j in range(3):
        base = pl.multiple_of(idxs[j] - lax.rem(idxs[j], 128), 128)
        bases.append(base)
        cp = pltpu.make_async_copy(
            scores_any.at[:, pl.ds(base, 128)], bufs[j], sem)
        cp.start()
        cps.append(cp)
    for cp in cps:
        cp.wait()

    col = lax.broadcasted_iota(jnp.int32, (C, 1), 0)
    lane = lax.broadcasted_iota(jnp.int32, (C, 128), 1)
    loss = jnp.float32(0.0)
    for j in range(3):
        d = idxs[j] - bases[j]
        row = jnp.sum(jnp.where(lane == d, bufs[j][...], 0.0),
                      axis=1, keepdims=True)
        l_j = labels[j]
        onehot = col == l_j
        mfull = jnp.max(row)
        e = jnp.exp(row - mfull)
        gt = jnp.sum(jnp.where(onehot, e, 0.0)) / jnp.sum(e)
        t = gt * (1.0 - gt)
        masked = jnp.where(onehot, NEG_INF, row)
        mm = jnp.max(masked)
        lse = mm + jnp.log(jnp.sum(jnp.exp(masked - mm)))
        cstar = jnp.where(l_j <= C - 3, C - 2, C - 3)
        z = jnp.sum(jnp.where(col == cstar, row, 0.0)) - lse
        valid = (l_j != BG).astype(jnp.float32)
        loss = loss + (-t) * z * valid

    denom = jnp.minimum(nfg, 3).astype(jnp.float32)
    out_ref[0, 0] = loss / denom


def _phase2(cand_v, cand_i, cand_lab, cand_cnt, scores_t):
    return pl.pallas_call(
        _phase2_body,
        out_shape=jax.ShapeDtypeStruct((1, 1), jnp.float32),
        in_specs=[
            pl.BlockSpec(memory_space=pltpu.VMEM),
            pl.BlockSpec(memory_space=pltpu.VMEM),
            pl.BlockSpec(memory_space=pltpu.VMEM),
            pl.BlockSpec(memory_space=pltpu.VMEM),
            pl.BlockSpec(memory_space=pl.ANY),
        ],
        out_specs=pl.BlockSpec(memory_space=pltpu.SMEM),
        scratch_shapes=[
            pltpu.VMEM((C, 128), jnp.float32),
            pltpu.VMEM((C, 128), jnp.float32),
            pltpu.VMEM((C, 128), jnp.float32),
            pltpu.SemaphoreType.DMA,
        ],
    )(cand_v, cand_i, cand_lab, cand_cnt, scores_t)


def kernel(scores, labels):
    scores_t = scores.T
    cand_v, cand_i, cand_lab, cand_cnt = _phase1()(scores_t, labels)
    loss = _phase2(cand_v, cand_i, cand_lab, cand_cnt, scores_t)
    return loss[0, 0]

# --- scband reference (transcript-rebuilt; emitter-appended) ---
"""Pipeline reference for scband-uploss-7138235645995 (READ-ONLY COPY).

The authoritative reference and input builder live on the scoring server;
editing this copy changes nothing except your own understanding.
"""

import jax, jax.numpy as jnp
import numpy as np

NUM_CLASSES = 80
TOPK = 3
ALPHA = 1.0
N = 200000
C_IN = 81  # num_classes + 1 (background column at index NUM_CLASSES)


def setup_inputs(seed: int = 0) -> dict:
    key = jax.random.key(seed)
    k1, k2 = jax.random.split(key)
    scores = jax.random.normal(k1, (N, C_IN), dtype=jnp.float32)
    labels = jax.random.randint(k2, (N,), 0, 81, dtype=jnp.int32)
    return {"scores": scores, "labels": labels}


def reference(scores, labels):
    num_classes = NUM_CLASSES
    # ---- _sampling ----
    fg_mask = labels != num_classes
    num_fg = fg_mask.sum()
    _scores_all = jnp.concatenate(
        [scores[:, : num_classes - 1], scores[:, -1:]], axis=1
    )
    # sampling_metric == 'min_score'
    pos_metric_all = -jnp.max(_scores_all, axis=1)
    pos_metric_all = jnp.where(fg_mask, pos_metric_all, -jnp.inf)
    _, pos_inds = jax.lax.top_k(pos_metric_all, TOPK)
    scores_s = scores[pos_inds]
    labels_s = labels[pos_inds]
    valid = fg_mask[pos_inds]
    # ---- forward body ----
    num_sample, C = scores_s.shape
    # per-row column indices of all classes except the gt label, ascending
    cols = jnp.arange(C - 1)[None, :]
    mask = cols + (cols >= labels_s[:, None]).astype(cols.dtype)
    gt_scores = jnp.take_along_axis(
        jax.nn.softmax(scores_s, axis=1), labels_s[:, None], axis=1
    )[:, 0]
    mask_scores = jnp.take_along_axis(scores_s, mask, axis=1)
    gt_scores = jnp.where(gt_scores < 0, 0.0, gt_scores)
    targets = jnp.zeros_like(mask_scores)
    targets = targets.at[:, num_classes - 2].set(gt_scores * (1 - gt_scores) ** ALPHA)
    targets = jax.lax.stop_gradient(targets)
    # soft cross entropy
    logprobs = jax.nn.log_softmax(mask_scores, axis=1)
    row_losses = -(targets * logprobs).sum(axis=1) * valid.astype(logprobs.dtype)
    denom = jnp.minimum(num_fg, TOPK).astype(logprobs.dtype)
    loss = row_losses.sum() / denom
    return loss

if __name__ == "__main__":
    import jax
    _d = setup_inputs()
    print(jax.jit(kernel)(*tuple(_d.values())))

</pallas_src>

<mosaic_0001>
#map = affine_map<(d0, d1) -> (0, 0)>
#map1 = affine_map<(d0, d1) -> (0)>
module attributes {stable_mosaic.version = 14 : i64} {
  func.func @_phase1_body(%arg0: i32, %arg1: i32, %arg2: memref<81x200000xf32, #tpu.memory_space<hbm>>, %arg3: memref<200000xi32, #tpu.memory_space<hbm>>, %arg4: memref<512xf32, #tpu.memory_space<hbm>>, %arg5: memref<512xi32, #tpu.memory_space<hbm>>, %arg6: memref<512xi32, #tpu.memory_space<hbm>>, %arg7: memref<512xi32, #tpu.memory_space<hbm>>, %arg8: memref<81x640xf32, #tpu.memory_space<vmem>>, %arg9: memref<81x640xf32, #tpu.memory_space<vmem>>, %arg10: memref<6400xi32, #tpu.memory_space<vmem>>, %arg11: memref<16xf32, #tpu.memory_space<vmem>>, %arg12: memref<16xi32, #tpu.memory_space<vmem>>, %arg13: memref<16xi32, #tpu.memory_space<vmem>>, %arg14: memref<16xi32, #tpu.memory_space<vmem>>, %arg15: memref<!tpu.dma_semaphore, #tpu.memory_space<semaphore_mem>>, %arg16: memref<!tpu.dma_semaphore, #tpu.memory_space<semaphore_mem>>) attributes {dimension_semantics = [#tpu.dimension_semantics<core_parallel>, #tpu.dimension_semantics<subcore_parallel>], iteration_bounds = array<i64: 2, 16>, scalar_prefetch = 0 : i64, scratch_operands = 9 : i64, tpu.core_type = #tpu.core_type<sc_vector_subcore>, window_params = [{transform_indices = #map}, {transform_indices = #map1}, {transform_indices = #map1}, {transform_indices = #map1}, {transform_indices = #map1}, {transform_indices = #map1}]} {
    %mul3A = arith.constant 2 : i32
    %mul3A_0 = arith.muli %arg1, %mul3A : i32
    %add3A = arith.addi %mul3A_0, %arg0 : i32
    %mul3A_1 = arith.constant 6250 : i32
    %mul3A_2 = arith.muli %add3A, %mul3A_1 : i32
    %jit3A = arith.constant 128 : i32
    %eq3A = arith.constant 0 : i32
    %eq3A_3 = arith.cmpi eq, %jit3A, %eq3A : i32
    %jit3A_4 = arith.constant 1 : i32
    %select_n3A = arith.select %eq3A_3, %jit3A_4, %jit3A : i32
    %rem3A = arith.remsi %mul3A_2, %select_n3A : i32
    %ne3A = arith.constant 0 : i32
    %ne3A_5 = arith.cmpi ne, %rem3A, %ne3A : i32
    %lt3A = arith.constant 0 : i32
    %lt3A_6 = arith.cmpi slt, %rem3A, %lt3A : i32
    %lt3A_7 = arith.constant 0 : i32
    %lt3A_8 = arith.cmpi slt, %select_n3A, %lt3A_7 : i32
    %ne3A_9 = arith.xori %lt3A_6, %lt3A_8 : i1
    %and3A = arith.andi %ne3A_9, %ne3A_5 : i1
    %add3A_10 = arith.addi %rem3A, %select_n3A : i32
    %select_n3A_11 = arith.select %and3A, %add3A_10, %rem3A : i32
    %sub3A = arith.subi %mul3A_2, %select_n3A_11 : i32
    %multiple_of3A = tpu.assume_multiple %sub3A, 128 : i32
    %iota3A = tpu.iota {dimensions = array<i32: 0>} : vector<16xi32>
    %add3A_12 = arith.constant 0 : i32
    %add3A_13 = arith.addi %multiple_of3A, %add3A_12 : i32
    %dma_start3A = arith.constant 0 : i32
    %dma_start3A_14 = tpu.memref_slice %arg2[%dma_start3A, %add3A_13] : memref<81x200000xf32, #tpu.memory_space<hbm>> -> memref<81x640xf32, #tpu.memory_space<hbm>>
    %dma_start3A_15 = arith.constant 0 : i32
    %dma_start3A_16 = tpu.memref_slice %arg2[%dma_start3A_15, %add3A_13] : memref<81x200000xf32, #tpu.memory_space<hbm>> -> memref<81x640xf32, #tpu.memory_space<hbm>>
    tpu.enqueue_dma source(%dma_start3A_16 : memref<81x640xf32, #tpu.memory_space<hbm>>) target(%arg8 : memref<81x640xf32, #tpu.memory_space<vmem>>) target_semaphore(%arg15 : memref<!tpu.dma_semaphore, #tpu.memory_space<semaphore_mem>>)
    "tpu.region"() ({
      %run_scoped3A = tpu.sem_alloc : memref<!tpu.dma_semaphore, #tpu.memory_space<semaphore_mem>>
      %dma_start3A_619 = tpu.memref_slice %arg3[%multiple_of3A] : memref<200000xi32, #tpu.memory_space<hbm>> -> memref<6400xi32, #tpu.memory_space<hbm>>
      %dma_start3A_620 = tpu.memref_slice %arg3[%multiple_of3A] : memref<200000xi32, #tpu.memory_space<hbm>> -> memref<6400xi32, #tpu.memory_space<hbm>>
      tpu.enqueue_dma source(%dma_start3A_620 : memref<6400xi32, #tpu.memory_space<hbm>>) target(%arg10 : memref<6400xi32, #tpu.memory_space<vmem>>) target_semaphore(%run_scoped3A : memref<!tpu.dma_semaphore, #tpu.memory_space<semaphore_mem>>)
      %dma_wait3A = tpu.memref_slice %arg3[%multiple_of3A] : memref<200000xi32, #tpu.memory_space<hbm>> -> memref<6400xi32, #tpu.memory_space<hbm>>
      %dma_wait3A_621 = tpu.memref_slice %arg3[%multiple_of3A] : memref<200000xi32, #tpu.memory_space<hbm>> -> memref<6400xi32, #tpu.memory_space<hbm>>
      tpu.wait_dma2 semaphore(%run_scoped3A : memref<!tpu.dma_semaphore, #tpu.memory_space<semaphore_mem>>) src(%dma_wait3A_621 : memref<6400xi32, #tpu.memory_space<hbm>>) dst(%arg10 : memref<6400xi32, #tpu.memory_space<vmem>>)
      tpu.yield
    }) : () -> ()
    %broadcast_in_dim3A = arith.constant 0xFF800000 : f32
    %broadcast_in_dim3A_17 = vector.broadcast %broadcast_in_dim3A : f32 to vector<16xf32>
    %broadcast_in_dim3A_18 = arith.constant 2147483647 : i32
    %broadcast_in_dim3A_19 = vector.broadcast %broadcast_in_dim3A_18 : i32 to vector<16xi32>
    %broadcast_in_dim3A_20 = arith.constant 0 : i32
    %broadcast_in_dim3A_21 = vector.broadcast %broadcast_in_dim3A_20 : i32 to vector<16xi32>
    %scan3A = arith.constant 0 : i32
    %scan3A_22 = arith.constant 5 : i32
    %scan3A_23 = arith.addi %scan3A, %scan3A_22 : i32
    %scan3A_24 = arith.constant 1 : i32
    %scan3A_25:7 = scf.for %scan3A_619 = %scan3A to %scan3A_23 step %scan3A_24 iter_args(%scan3A_620 = %broadcast_in_dim3A_17, %scan3A_621 = %broadcast_in_dim3A_19, %scan3A_622 = %broadcast_in_dim3A_17, %scan3A_623 = %broadcast_in_dim3A_19, %scan3A_624 = %broadcast_in_dim3A_17, %scan3A_625 = %broadcast_in_dim3A_19, %scan3A_626 = %broadcast_in_dim3A_21) -> (vector<16xf32>, vector<16xi32>, vector<16xf32>, vector<16xi32>, vector<16xf32>, vector<16xi32>, vector<16xi32>)  : i32 {
      %mul3A_627 = arith.constant 2 : i32
      %mul3A_628 = arith.muli %scan3A_619, %mul3A_627 : i32
      %mul3A_629 = arith.constant 640 : i32
      %mul3A_630 = arith.muli %mul3A_628, %mul3A_629 : i32
      %add3A_631 = arith.addi %multiple_of3A, %mul3A_630 : i32
      %dma_wait3A = arith.constant 0 : i32
      %dma_wait3A_632 = tpu.memref_slice %arg2[%dma_wait3A, %add3A_631] : memref<81x200000xf32, #tpu.memory_space<hbm>> -> memref<81x640xf32, #tpu.memory_space<hbm>>
      %dma_wait3A_633 = arith.constant 0 : i32
      %dma_wait3A_634 = tpu.memref_slice %arg2[%dma_wait3A_633, %add3A_631] : memref<81x200000xf32, #tpu.memory_space<hbm>> -> memref<81x640xf32, #tpu.memory_space<hbm>>
      tpu.wait_dma2 semaphore(%arg15 : memref<!tpu.dma_semaphore, #tpu.memory_space<semaphore_mem>>) src(%dma_wait3A_634 : memref<81x640xf32, #tpu.memory_space<hbm>>) dst(%arg8 : memref<81x640xf32, #tpu.memory_space<vmem>>)
      %add3A_635 = arith.constant 1 : i32
      %add3A_636 = arith.addi %mul3A_628, %add3A_635 : i32
      %mul3A_637 = arith.constant 640 : i32
      %mul3A_638 = arith.muli %add3A_636, %mul3A_637 : i32
      %add3A_639 = arith.addi %multiple_of3A, %mul3A_638 : i32
      %dma_start3A_640 = arith.constant 0 : i32
      %dma_start3A_641 = tpu.memref_slice %arg2[%dma_start3A_640, %add3A_639] : memref<81x200000xf32, #tpu.memory_space<hbm>> -> memref<81x640xf32, #tpu.memory_space<hbm>>
      %dma_start3A_642 = arith.constant 0 : i32
      %dma_start3A_643 = tpu.memref_slice %arg2[%dma_start3A_642, %add3A_639] : memref<81x200000xf32, #tpu.memory_space<hbm>> -> memref<81x640xf32, #tpu.memory_space<hbm>>
      tpu.enqueue_dma source(%dma_start3A_643 : memref<81x640xf32, #tpu.memory_space<hbm>>) target(%arg9 : memref<81x640xf32, #tpu.memory_space<vmem>>) target_semaphore(%arg16 : memref<!tpu.dma_semaphore, #tpu.memory_space<semaphore_mem>>)
      %mul3A_644 = arith.constant 640 : i32
      %mul3A_645 = arith.muli %mul3A_628, %mul3A_644 : i32
      %scan3A_646 = arith.constant 0 : i32
      %scan3A_647 = arith.constant 40 : i32
      %scan3A_648 = arith.addi %scan3A_646, %scan3A_647 : i32
      %scan3A_649 = arith.constant 1 : i32
      %scan3A_650:7 = scf.for %scan3A_674 = %scan3A_646 to %scan3A_648 step %scan3A_649 iter_args(%scan3A_675 = %scan3A_620, %scan3A_676 = %scan3A_621, %scan3A_677 = %scan3A_622, %scan3A_678 = %scan3A_623, %scan3A_679 = %scan3A_624, %scan3A_680 = %scan3A_625, %scan3A_681 = %scan3A_626) -> (vector<16xf32>, vector<16xi32>, vector<16xf32>, vector<16xi32>, vector<16xf32>, vector<16xi32>, vector<16xi32>)  : i32 {
        %mul3A_682 = arith.constant 16 : i32
        %mul3A_683 = arith.muli %scan3A_674, %mul3A_682 : i32
        %broadcast_in_dim3A_684 = arith.constant 0xFF800000 : f32
        %broadcast_in_dim3A_685 = vector.broadcast %broadcast_in_dim3A_684 : f32 to vector<16xf32>
        %get3A = arith.constant 0 : i32
        %get3A_686 = arith.index_cast %get3A : i32 to index
        %get3A_687 = arith.index_cast %mul3A_683 : i32 to index
        %get3A_688 = tpu.vector_load %arg8[%get3A_686, %get3A_687] {strides = array<i32>} : memref<81x640xf32, #tpu.memory_space<vmem>>, vector<16xf32>,
        %max3A_689 = arith.maximumf %broadcast_in_dim3A_685, %get3A_688 : vector<16xf32>
        %get3A_690 = arith.constant 1 : i32
        %get3A_691 = arith.index_cast %get3A_690 : i32 to index
        %get3A_692 = arith.index_cast %mul3A_683 : i32 to index
        %get3A_693 = tpu.vector_load %arg8[%get3A_691, %get3A_692] {strides = array<i32>} : memref<81x640xf32, #tpu.memory_space<vmem>>, vector<16xf32>,
        %max3A_694 = arith.maximumf %max3A_689, %get3A_693 : vector<16xf32>
        %get3A_695 = arith.constant 2 : i32
        %get3A_696 = arith.index_cast %get3A_695 : i32 to index
        %get3A_697 = arith.index_cast %mul3A_683 : i32 to index
        %get3A_698 = tpu.vector_load %arg8[%get3A_696, %get3A_697] {strides = array<i32>} : memref<81x640xf32, #tpu.memory_space<vmem>>, vector<16xf32>,
        %max3A_699 = arith.maximumf %max3A_694, %get3A_698 : vector<16xf32>
        %get3A_700 = arith.constant 3 : i32
        %get3A_701 = arith.index_cast %get3A_700 : i32 to index
        %get3A_702 = arith.index_cast %mul3A_683 : i32 to index
        %get3A_703 = tpu.vector_load %arg8[%get3A_701, %get3A_702] {strides = array<i32>} : memref<81x640xf32, #tpu.memory_space<vmem>>, vector<16xf32>,
        %max3A_704 = arith.maximumf %max3A_699, %get3A_703 : vector<16xf32>
        %get3A_705 = arith.constant 4 : i32
        %get3A_706 = arith.index_cast %get3A_705 : i32 to index
        %get3A_707 = arith.index_cast %mul3A_683 : i32 to index
        %get3A_708 = tpu.vector_load %arg8[%get3A_706, %get3A_707] {strides = array<i32>} : memref<81x640xf32, #tpu.memory_space<vmem>>, vector<16xf32>,
        %max3A_709 = arith.maximumf %max3A_704, %get3A_708 : vector<16xf32>
        %get3A_710 = arith.constant 5 : i32
        %get3A_711 = arith.index_cast %get3A_710 : i32 to index
        %get3A_712 = arith.index_cast %mul3A_683 : i32 to index
        %get3A_713 = tpu.vector_load %arg8[%get3A_711, %get3A_712] {strides = array<i32>} : memref<81x640xf32, #tpu.memory_space<vmem>>, vector<16xf32>,
        %max3A_714 = arith.maximumf %max3A_709, %get3A_713 : vector<16xf32>
        %get3A_715 = arith.constant 6 : i32
        %get3A_716 = arith.index_cast %get3A_715 : i32 to index
        %get3A_717 = arith.index_cast %mul3A_683 : i32 to index
        %get3A_718 = tpu.vector_load %arg8[%get3A_716, %get3A_717] {strides = array<i32>} : memref<81x640xf32, #tpu.memory_space<vmem>>, vector<16xf32>,
        %max3A_719 = arith.maximumf %max3A_714, %get3A_718 : vector<16xf32>
        %get3A_720 = arith.constant 7 : i32
        %get3A_721 = arith.index_cast %get3A_720 : i32 to index
        %get3A_722 = arith.index_cast %mul3A_683 : i32 to index
        %get3A_723 = tpu.vector_load %arg8[%get3A_721, %get3A_722] {strides = array<i32>} : memref<81x640xf32, #tpu.memory_space<vmem>>, vector<16xf32>,
        %max3A_724 = arith.maximumf %max3A_719, %get3A_723 : vector<16xf32>
        %get3A_725 = arith.constant 8 : i32
        %get3A_726 = arith.index_cast %get3A_725 : i32 to index
        %get3A_727 = arith.index_cast %mul3A_683 : i32 to index
        %get3A_728 = tpu.vector_load %arg8[%get3A_726, %get3A_727] {strides = array<i32>} : memref<81x640xf32, #tpu.memory_space<vmem>>, vector<16xf32>,
        %max3A_729 = arith.maximumf %max3A_724, %get3A_728 : vector<16xf32>
        %get3A_730 = arith.constant 9 : i32
        %get3A_731 = arith.index_cast %get3A_730 : i32 to index
        %get3A_732 = arith.index_cast %mul3A_683 : i32 to index
        %get3A_733 = tpu.vector_load %arg8[%get3A_731, %get3A_732] {strides = array<i32>} : memref<81x640xf32, #tpu.memory_space<vmem>>, vector<16xf32>,
        %max3A_734 = arith.maximumf %max3A_729, %get3A_733 : vector<16xf32>
        %get3A_735 = arith.constant 10 : i32
        %get3A_736 = arith.index_cast %get3A_735 : i32 to index
        %get3A_737 = arith.index_cast %mul3A_683 : i32 to index
        %get3A_738 = tpu.vector_load %arg8[%get3A_736, %get3A_737] {strides = array<i32>} : memref<81x640xf32, #tpu.memory_space<vmem>>, vector<16xf32>,
        %max3A_739 = arith.maximumf %max3A_734, %get3A_738 : vector<16xf32>
        %get3A_740 = arith.constant 11 : i32
        %get3A_741 = arith.index_cast %get3A_740 : i32 to index
        %get3A_742 = arith.index_cast %mul3A_683 : i32 to index
        %get3A_743 = tpu.vector_load %arg8[%get3A_741, %get3A_742] {strides = array<i32>} : memref<81x640xf32, #tpu.memory_space<vmem>>, vector<16xf32>,
        %max3A_744 = arith.maximumf %max3A_739, %get3A_743 : vector<16xf32>
        %get3A_745 = arith.constant 12 : i32
        %get3A_746 = arith.index_cast %get3A_745 : i32 to index
        %get3A_747 = arith.index_cast %mul3A_683 : i32 to index
        %get3A_748 = tpu.vector_load %arg8[%get3A_746, %get3A_747] {strides = array<i32>} : memref<81x640xf32, #tpu.memory_space<vmem>>, vector<16xf32>,
        %max3A_749 = arith.maximumf %max3A_744, %get3A_748 : vector<16xf32>
        %get3A_750 = arith.constant 13 : i32
        %get3A_751 = arith.index_cast %get3A_750 : i32 to index
        %get3A_752 = arith.index_cast %mul3A_683 : i32 to index
        %get3A_753 = tpu.vector_load %arg8[%get3A_751, %get3A_752] {strides = array<i32>} : memref<81x640xf32, #tpu.memory_space<vmem>>, vector<16xf32>,
        %max3A_754 = arith.maximumf %max3A_749, %get3A_753 : vector<16xf32>
        %get3A_755 = arith.constant 14 : i32
        %get3A_756 = arith.index_cast %get3A_755 : i32 to index
        %get3A_757 = arith.index_cast %mul3A_683 : i32 to index
        %get3A_758 = tpu.vector_load %arg8[%get3A_756, %get3A_757] {strides = array<i32>} : memref<81x640xf32, #tpu.memory_space<vmem>>, vector<16xf32>,
        %max3A_759 = arith.maximumf %max3A_754, %get3A_758 : vector<16xf32>
        %get3A_760 = arith.constant 15 : i32
        %get3A_761 = arith.index_cast %get3A_760 : i32 to index
        %get3A_762 = arith.index_cast %mul3A_683 : i32 to index
        %get3A_763 = tpu.vector_load %arg8[%get3A_761, %get3A_762] {strides = array<i32>} : memref<81x640xf32, #tpu.memory_space<vmem>>, vector<16xf32>,
        %max3A_764 = arith.maximumf %max3A_759, %get3A_763 : vector<16xf32>
        %get3A_765 = arith.constant 16 : i32
        %get3A_766 = arith.index_cast %get3A_765 : i32 to index
        %get3A_767 = arith.index_cast %mul3A_683 : i32 to index
        %get3A_768 = tpu.vector_load %arg8[%get3A_766, %get3A_767] {strides = array<i32>} : memref<81x640xf32, #tpu.memory_space<vmem>>, vector<16xf32>,
        %max3A_769 = arith.maximumf %max3A_764, %get3A_768 : vector<16xf32>
        %get3A_770 = arith.constant 17 : i32
        %get3A_771 = arith.index_cast %get3A_770 : i32 to index
        %get3A_772 = arith.index_cast %mul3A_683 : i32 to index
        %get3A_773 = tpu.vector_load %arg8[%get3A_771, %get3A_772] {strides = array<i32>} : memref<81x640xf32, #tpu.memory_space<vmem>>, vector<16xf32>,
        %max3A_774 = arith.maximumf %max3A_769, %get3A_773 : vector<16xf32>
        %get3A_775 = arith.constant 18 : i32
        %get3A_776 = arith.index_cast %get3A_775 : i32 to index
        %get3A_777 = arith.index_cast %mul3A_683 : i32 to index
        %get3A_778 = tpu.vector_load %arg8[%get3A_776, %get3A_777] {strides = array<i32>} : memref<81x640xf32, #tpu.memory_space<vmem>>, vector<16xf32>,
        %max3A_779 = arith.maximumf %max3A_774, %get3A_778 : vector<16xf32>
        %get3A_780 = arith.constant 19 : i32
        %get3A_781 = arith.index_cast %get3A_780 : i32 to index
        %get3A_782 = arith.index_cast %mul3A_683 : i32 to index
        %get3A_783 = tpu.vector_load %arg8[%get3A_781, %get3A_782] {strides = array<i32>} : memref<81x640xf32, #tpu.memory_space<vmem>>, vector<16xf32>,
        %max3A_784 = arith.maximumf %max3A_779, %get3A_783 : vector<16xf32>
        %get3A_785 = arith.constant 20 : i32
        %get3A_786 = arith.index_cast %get3A_785 : i32 to index
        %get3A_787 = arith.index_cast %mul3A_683 : i32 to index
        %get3A_788 = tpu.vector_load %arg8[%get3A_786, %get3A_787] {strides = array<i32>} : memref<81x640xf32, #tpu.memory_space<vmem>>, vector<16xf32>,
        %max3A_789 = arith.maximumf %max3A_784, %get3A_788 : vector<16xf32>
        %get3A_790 = arith.constant 21 : i32
        %get3A_791 = arith.index_cast %get3A_790 : i32 to index
        %get3A_792 = arith.index_cast %mul3A_683 : i32 to index
        %get3A_793 = tpu.vector_load %arg8[%get3A_791, %get3A_792] {strides = array<i32>} : memref<81x640xf32, #tpu.memory_space<vmem>>, vector<16xf32>,
        %max3A_794 = arith.maximumf %max3A_789, %get3A_793 : vector<16xf32>
        %get3A_795 = arith.constant 22 : i32
        %get3A_796 = arith.index_cast %get3A_795 : i32 to index
        %get3A_797 = arith.index_cast %mul3A_683 : i32 to index
        %get3A_798 = tpu.vector_load %arg8[%get3A_796, %get3A_797] {strides = array<i32>} : memref<81x640xf32, #tpu.memory_space<vmem>>, vector<16xf32>,
        %max3A_799 = arith.maximumf %max3A_794, %get3A_798 : vector<16xf32>
        %get3A_800 = arith.constant 23 : i32
        %get3A_801 = arith.index_cast %get3A_800 : i32 to index
        %get3A_802 = arith.index_cast %mul3A_683 : i32 to index
        %get3A_803 = tpu.vector_load %arg8[%get3A_801, %get3A_802] {strides = array<i32>} : memref<81x640xf32, #tpu.memory_space<vmem>>, vector<16xf32>,
        %max3A_804 = arith.maximumf %max3A_799, %get3A_803 : vector<16xf32>
        %get3A_805 = arith.constant 24 : i32
        %get3A_806 = arith.index_cast %get3A_805 : i32 to index
        %get3A_807 = arith.index_cast %mul3A_683 : i32 to index
        %get3A_808 = tpu.vector_load %arg8[%get3A_806, %get3A_807] {strides = array<i32>} : memref<81x640xf32, #tpu.memory_space<vmem>>, vector<16xf32>,
        %max3A_809 = arith.maximumf %max3A_804, %get3A_808 : vector<16xf32>
        %get3A_810 = arith.constant 25 : i32
        %get3A_811 = arith.index_cast %get3A_810 : i32 to index
        %get3A_812 = arith.index_cast %mul3A_683 : i32 to index
        %get3A_813 = tpu.vector_load %arg8[%get3A_811, %get3A_812] {strides = array<i32>} : memref<81x640xf32, #tpu.memory_space<vmem>>, vector<16xf32>,
        %max3A_814 = arith.maximumf %max3A_809, %get3A_813 : vector<16xf32>
        %get3A_815 = arith.constant 26 : i32
        %get3A_816 = arith.index_cast %get3A_815 : i32 to index
        %get3A_817 = arith.index_cast %mul3A_683 : i32 to index
        %get3A_818 = tpu.vector_load %arg8[%get3A_816, %get3A_817] {strides = array<i32>} : memref<81x640xf32, #tpu.memory_space<vmem>>, vector<16xf32>,
        %max3A_819 = arith.maximumf %max3A_814, %get3A_818 : vector<16xf32>
        %get3A_820 = arith.constant 27 : i32
        %get3A_821 = arith.index_cast %get3A_820 : i32 to index
        %get3A_822 = arith.index_cast %mul3A_683 : i32 to index
        %get3A_823 = tpu.vector_load %arg8[%get3A_821, %get3A_822] {strides = array<i32>} : memref<81x640xf32, #tpu.memory_space<vmem>>, vector<16xf32>,
        %max3A_824 = arith.maximumf %max3A_819, %get3A_823 : vector<16xf32>
        %get3A_825 = arith.constant 28 : i32
        %get3A_826 = arith.index_cast %get3A_825 : i32 to index
        %get3A_827 = arith.index_cast %mul3A_683 : i32 to index
        %get3A_828 = tpu.vector_load %arg8[%get3A_826, %get3A_827] {strides = array<i32>} : memref<81x640xf32, #tpu.memory_space<vmem>>, vector<16xf32>,
        %max3A_829 = arith.maximumf %max3A_824, %get3A_828 : vector<16xf32>
        %get3A_830 = arith.constant 29 : i32
        %get3A_831 = arith.index_cast %get3A_830 : i32 to index
        %get3A_832 = arith.index_cast %mul3A_683 : i32 to index
        %get3A_833 = tpu.vector_load %arg8[%get3A_831, %get3A_832] {strides = array<i32>} : memref<81x640xf32, #tpu.memory_space<vmem>>, vector<16xf32>,
        %max3A_834 = arith.maximumf %max3A_829, %get3A_833 : vector<16xf32>
        %get3A_835 = arith.constant 30 : i32
        %get3A_836 = arith.index_cast %get3A_835 : i32 to index
        %get3A_837 = arith.index_cast %mul3A_683 : i32 to index
        %get3A_838 = tpu.vector_load %arg8[%get3A_836, %get3A_837] {strides = array<i32>} : memref<81x640xf32, #tpu.memory_space<vmem>>, vector<16xf32>,
        %max3A_839 = arith.maximumf %max3A_834, %get3A_838 : vector<16xf32>
        %get3A_840 = arith.constant 31 : i32
        %get3A_841 = arith.index_cast %get3A_840 : i32 to index
        %get3A_842 = arith.index_cast %mul3A_683 : i32 to index
        %get3A_843 = tpu.vector_load %arg8[%get3A_841, %get3A_842] {strides = array<i32>} : memref<81x640xf32, #tpu.memory_space<vmem>>, vector<16xf32>,
        %max3A_844 = arith.maximumf %max3A_839, %get3A_843 : vector<16xf32>
        %get3A_845 = arith.constant 32 : i32
        %get3A_846 = arith.index_cast %get3A_845 : i32 to index
        %get3A_847 = arith.index_cast %mul3A_683 : i32 to index
        %get3A_848 = tpu.vector_load %arg8[%get3A_846, %get3A_847] {strides = array<i32>} : memref<81x640xf32, #tpu.memory_space<vmem>>, vector<16xf32>,
        %max3A_849 = arith.maximumf %max3A_844, %get3A_848 : vector<16xf32>
        %get3A_850 = arith.constant 33 : i32
        %get3A_851 = arith.index_cast %get3A_850 : i32 to index
        %get3A_852 = arith.index_cast %mul3A_683 : i32 to index
        %get3A_853 = tpu.vector_load %arg8[%get3A_851, %get3A_852] {strides = array<i32>} : memref<81x640xf32, #tpu.memory_space<vmem>>, vector<16xf32>,
        %max3A_854 = arith.maximumf %max3A_849, %get3A_853 : vector<16xf32>
        %get3A_855 = arith.constant 34 : i32
        %get3A_856 = arith.index_cast %get3A_855 : i32 to index
        %get3A_857 = arith.index_cast %mul3A_683 : i32 to index
        %get3A_858 = tpu.vector_load %arg8[%get3A_856, %get3A_857] {strides = array<i32>} : memref<81x640xf32, #tpu.memory_space<vmem>>, vector<16xf32>,
        %max3A_859 = arith.maximumf %max3A_854, %get3A_858 : vector<16xf32>
        %get3A_860 = arith.constant 35 : i32
        %get3A_861 = arith.index_cast %get3A_860 : i32 to index
        %get3A_862 = arith.index_cast %mul3A_683 : i32 to index
        %get3A_863 = tpu.vector_load %arg8[%get3A_861, %get3A_862] {strides = array<i32>} : memref<81x640xf32, #tpu.memory_space<vmem>>, vector<16xf32>,
        %max3A_864 = arith.maximumf %max3A_859, %get3A_863 : vector<16xf32>
        %get3A_865 = arith.constant 36 : i32
        %get3A_866 = arith.index_cast %get3A_865 : i32 to index
        %get3A_867 = arith.index_cast %mul3A_683 : i32 to index
        %get3A_868 = tpu.vector_load %arg8[%get3A_866, %get3A_867] {strides = array<i32>} : memref<81x640xf32, #tpu.memory_space<vmem>>, vector<16xf32>,
        %max3A_869 = arith.maximumf %max3A_864, %get3A_868 : vector<16xf32>
        %get3A_870 = arith.constant 37 : i32
        %get3A_871 = arith.index_cast %get3A_870 : i32 to index
        %get3A_872 = arith.index_cast %mul3A_683 : i32 to index
        %get3A_873 = tpu.vector_load %arg8[%get3A_871, %get3A_872] {strides = array<i32>} : memref<81x640xf32, #tpu.memory_space<vmem>>, vector<16xf32>,
        %max3A_874 = arith.maximumf %max3A_869, %get3A_873 : vector<16xf32>
        %get3A_875 = arith.constant 38 : i32
        %get3A_876 = arith.index_cast %get3A_875 : i32 to index
        %get3A_877 = arith.index_cast %mul3A_683 : i32 to index
        %get3A_878 = tpu.vector_load %arg8[%get3A_876, %get3A_877] {strides = array<i32>} : memref<81x640xf32, #tpu.memory_space<vmem>>, vector<16xf32>,
        %max3A_879 = arith.maximumf %max3A_874, %get3A_878 : vector<16xf32>
        %get3A_880 = arith.constant 39 : i32
        %get3A_881 = arith.index_cast %get3A_880 : i32 to index
        %get3A_882 = arith.index_cast %mul3A_683 : i32 to index
        %get3A_883 = tpu.vector_load %arg8[%get3A_881, %get3A_882] {strides = array<i32>} : memref<81x640xf32, #tpu.memory_space<vmem>>, vector<16xf32>,
        %max3A_884 = arith.maximumf %max3A_879, %get3A_883 : vector<16xf32>
        %get3A_885 = arith.constant 40 : i32
        %get3A_886 = arith.index_cast %get3A_885 : i32 to index
        %get3A_887 = arith.index_cast %mul3A_683 : i32 to index
        %get3A_888 = tpu.vector_load %arg8[%get3A_886, %get3A_887] {strides = array<i32>} : memref<81x640xf32, #tpu.memory_space<vmem>>, vector<16xf32>,
        %max3A_889 = arith.maximumf %max3A_884, %get3A_888 : vector<16xf32>
        %get3A_890 = arith.constant 41 : i32
        %get3A_891 = arith.index_cast %get3A_890 : i32 to index
        %get3A_892 = arith.index_cast %mul3A_683 : i32 to index
        %get3A_893 = tpu.vector_load %arg8[%get3A_891, %get3A_892] {strides = array<i32>} : memref<81x640xf32, #tpu.memory_space<vmem>>, vector<16xf32>,
        %max3A_894 = arith.maximumf %max3A_889, %get3A_893 : vector<16xf32>
        %get3A_895 = arith.constant 42 : i32
        %get3A_896 = arith.index_cast %get3A_895 : i32 to index
        %get3A_897 = arith.index_cast %mul3A_683 : i32 to index
        %get3A_898 = tpu.vector_load %arg8[%get3A_896, %get3A_897] {strides = array<i32>} : memref<81x640xf32, #tpu.memory_space<vmem>>, vector<16xf32>,
        %max3A_899 = arith.maximumf %max3A_894, %get3A_898 : vector<16xf32>
        %get3A_900 = arith.constant 43 : i32
        %get3A_901 = arith.index_cast %get3A_900 : i32 to index
        %get3A_902 = arith.index_cast %mul3A_683 : i32 to index
        %get3A_903 = tpu.vector_load %arg8[%get3A_901, %get3A_902] {strides = array<i32>} : memref<81x640xf32, #tpu.memory_space<vmem>>, vector<16xf32>,
        %max3A_904 = arith.maximumf %max3A_899, %get3A_903 : vector<16xf32>
        %get3A_905 = arith.constant 44 : i32
        %get3A_906 = arith.index_cast %get3A_905 : i32 to index
        %get3A_907 = arith.index_cast %mul3A_683 : i32 to index
        %get3A_908 = tpu.vector_load %arg8[%get3A_906, %get3A_907] {strides = array<i32>} : memref<81x640xf32, #tpu.memory_space<vmem>>, vector<16xf32>,
        %max3A_909 = arith.maximumf %max3A_904, %get3A_908 : vector<16xf32>
        %get3A_910 = arith.constant 45 : i32
        %get3A_911 = arith.index_cast %get3A_910 : i32 to index
        %get3A_912 = arith.index_cast %mul3A_683 : i32 to index
        %get3A_913 = tpu.vector_load %arg8[%get3A_911, %get3A_912] {strides = array<i32>} : memref<81x640xf32, #tpu.memory_space<vmem>>, vector<16xf32>,
        %max3A_914 = arith.maximumf %max3A_909, %get3A_913 : vector<16xf32>
        %get3A_915 = arith.constant 46 : i32
        %get3A_916 = arith.index_cast %get3A_915 : i32 to index
        %get3A_917 = arith.index_cast %mul3A_683 : i32 to index
        %get3A_918 = tpu.vector_load %arg8[%get3A_916, %get3A_917] {strides = array<i32>} : memref<81x640xf32, #tpu.memory_space<vmem>>, vector<16xf32>,
        %max3A_919 = arith.maximumf %max3A_914, %get3A_918 : vector<16xf32>
        %get3A_920 = arith.constant 47 : i32
        %get3A_921 = arith.index_cast %get3A_920 : i32 to index
        %get3A_922 = arith.index_cast %mul3A_683 : i32 to index
        %get3A_923 = tpu.vector_load %arg8[%get3A_921, %get3A_922] {strides = array<i32>} : memref<81x640xf32, #tpu.memory_space<vmem>>, vector<16xf32>,
        %max3A_924 = arith.maximumf %max3A_919, %get3A_923 : vector<16xf32>
        %get3A_925 = arith.constant 48 : i32
        %get3A_926 = arith.index_cast %get3A_925 : i32 to index
        %get3A_927 = arith.index_cast %mul3A_683 : i32 to index
        %get3A_928 = tpu.vector_load %arg8[%get3A_926, %get3A_927] {strides = array<i32>} : memref<81x640xf32, #tpu.memory_space<vmem>>, vector<16xf32>,
        %max3A_929 = arith.maximumf %max3A_924, %get3A_928 : vector<16xf32>
        %get3A_930 = arith.constant 49 : i32
        %get3A_931 = arith.index_cast %get3A_930 : i32 to index
        %get3A_932 = arith.index_cast %mul3A_683 : i32 to index
        %get3A_933 = tpu.vector_load %arg8[%get3A_931, %get3A_932] {strides = array<i32>} : memref<81x640xf32, #tpu.memory_space<vmem>>, vector<16xf32>,
        %max3A_934 = arith.maximumf %max3A_929, %get3A_933 : vector<16xf32>
        %get3A_935 = arith.constant 50 : i32
        %get3A_936 = arith.index_cast %get3A_935 : i32 to index
        %get3A_937 = arith.index_cast %mul3A_683 : i32 to index
        %get3A_938 = tpu.vector_load %arg8[%get3A_936, %get3A_937] {strides = array<i32>} : memref<81x640xf32, #tpu.memory_space<vmem>>, vector<16xf32>,
        %max3A_939 = arith.maximumf %max3A_934, %get3A_938 : vector<16xf32>
        %get3A_940 = arith.constant 51 : i32
        %get3A_941 = arith.index_cast %get3A_940 : i32 to index
        %get3A_942 = arith.index_cast %mul3A_683 : i32 to index
        %get3A_943 = tpu.vector_load %arg8[%get3A_941, %get3A_942] {strides = array<i32>} : memref<81x640xf32, #tpu.memory_space<vmem>>, vector<16xf32>,
        %max3A_944 = arith.maximumf %max3A_939, %get3A_943 : vector<16xf32>
        %get3A_945 = arith.constant 52 : i32
        %get3A_946 = arith.index_cast %get3A_945 : i32 to index
        %get3A_947 = arith.index_cast %mul3A_683 : i32 to index
        %get3A_948 = tpu.vector_load %arg8[%get3A_946, %get3A_947] {strides = array<i32>} : memref<81x640xf32, #tpu.memory_space<vmem>>, vector<16xf32>,
        %max3A_949 = arith.maximumf %max3A_944, %get3A_948 : vector<16xf32>
        %get3A_950 = arith.constant 53 : i32
        %get3A_951 = arith.index_cast %get3A_950 : i32 to index
        %get3A_952 = arith.index_cast %mul3A_683 : i32 to index
        %get3A_953 = tpu.vector_load %arg8[%get3A_951, %get3A_952] {strides = array<i32>} : memref<81x640xf32, #tpu.memory_space<vmem>>, vector<16xf32>,
        %max3A_954 = arith.maximumf %max3A_949, %get3A_953 : vector<16xf32>
        %get3A_955 = arith.constant 54 : i32
        %get3A_956 = arith.index_cast %get3A_955 : i32 to index
        %get3A_957 = arith.index_cast %mul3A_683 : i32 to index
        %get3A_958 = tpu.vector_load %arg8[%get3A_956, %get3A_957] {strides = array<i32>} : memref<81x640xf32, #tpu.memory_space<vmem>>, vector<16xf32>,
        %max3A_959 = arith.maximumf %max3A_954, %get3A_958 : vector<16xf32>
        %get3A_960 = arith.constant 55 : i32
        %get3A_961 = arith.index_cast %get3A_960 : i32 to index
        %get3A_962 = arith.index_cast %mul3A_683 : i32 to index
        %get3A_963 = tpu.vector_load %arg8[%get3A_961, %get3A_962] {strides = array<i32>} : memref<81x640xf32, #tpu.memory_space<vmem>>, vector<16xf32>,
        %max3A_964 = arith.maximumf %max3A_959, %get3A_963 : vector<16xf32>
        %get3A_965 = arith.constant 56 : i32
        %get3A_966 = arith.index_cast %get3A_965 : i32 to index
        %get3A_967 = arith.index_cast %mul3A_683 : i32 to index
        %get3A_968 = tpu.vector_load %arg8[%get3A_966, %get3A_967] {strides = array<i32>} : memref<81x640xf32, #tpu.memory_space<vmem>>, vector<16xf32>,
        %max3A_969 = arith.maximumf %max3A_964, %get3A_968 : vector<16xf32>
        %get3A_970 = arith.constant 57 : i32
        %get3A_971 = arith.index_cast %get3A_970 : i32 to index
        %get3A_972 = arith.index_cast %mul3A_683 : i32 to index
        %get3A_973 = tpu.vector_load %arg8[%get3A_971, %get3A_972] {strides = array<i32>} : memref<81x640xf32, #tpu.memory_space<vmem>>, vector<16xf32>,
        %max3A_974 = arith.maximumf %max3A_969, %get3A_973 : vector<16xf32>
        %get3A_975 = arith.constant 58 : i32
        %get3A_976 = arith.index_cast %get3A_975 : i32 to index
        %get3A_977 = arith.index_cast %mul3A_683 : i32 to index
        %get3A_978 = tpu.vector_load %arg8[%get3A_976, %get3A_977] {strides = array<i32>} : memref<81x640xf32, #tpu.memory_space<vmem>>, vector<16xf32>,
        %max3A_979 = arith.maximumf %max3A_974, %get3A_978 : vector<16xf32>
        %get3A_980 = arith.constant 59 : i32
        %get3A_981 = arith.index_cast %get3A_980 : i32 to index
        %get3A_982 = arith.index_cast %mul3A_683 : i32 to index
        %get3A_983 = tpu.vector_load %arg8[%get3A_981, %get3A_982] {strides = array<i32>} : memref<81x640xf32, #tpu.memory_space<vmem>>, vector<16xf32>,
        %max3A_984 = arith.maximumf %max3A_979, %get3A_983 : vector<16xf32>
        %get3A_985 = arith.constant 60 : i32
        %get3A_986 = arith.index_cast %get3A_985 : i32 to index
        %get3A_987 = arith.index_cast %mul3A_683 : i32 to index
        %get3A_988 = tpu.vector_load %arg8[%get3A_986, %get3A_987] {strides = array<i32>} : memref<81x640xf32, #tpu.memory_space<vmem>>, vector<16xf32>,
        %max3A_989 = arith.maximumf %max3A_984, %get3A_988 : vector<16xf32>
        %get3A_990 = arith.constant 61 : i32
        %get3A_991 = arith.index_cast %get3A_990 : i32 to index
        %get3A_992 = arith.index_cast %mul3A_683 : i32 to index
        %get3A_993 = tpu.vector_load %arg8[%get3A_991, %get3A_992] {strides = array<i32>} : memref<81x640xf32, #tpu.memory_space<vmem>>, vector<16xf32>,
        %max3A_994 = arith.maximumf %max3A_989, %get3A_993 : vector<16xf32>
        %get3A_995 = arith.constant 62 : i32
        %get3A_996 = arith.index_cast %get3A_995 : i32 to index
        %get3A_997 = arith.index_cast %mul3A_683 : i32 to index
        %get3A_998 = tpu.vector_load %arg8[%get3A_996, %get3A_997] {strides = array<i32>} : memref<81x640xf32, #tpu.memory_space<vmem>>, vector<16xf32>,
        %max3A_999 = arith.maximumf %max3A_994, %get3A_998 : vector<16xf32>
        %get3A_1000 = arith.constant 63 : i32
        %get3A_1001 = arith.index_cast %get3A_1000 : i32 to index
        %get3A_1002 = arith.index_cast %mul3A_683 : i32 to index
        %get3A_1003 = tpu.vector_load %arg8[%get3A_1001, %get3A_1002] {strides = array<i32>} : memref<81x640xf32, #tpu.memory_space<vmem>>, vector<16xf32>,
        %max3A_1004 = arith.maximumf %max3A_999, %get3A_1003 : vector<16xf32>
        %get3A_1005 = arith.constant 64 : i32
        %get3A_1006 = arith.index_cast %get3A_1005 : i32 to index
        %get3A_1007 = arith.index_cast %mul3A_683 : i32 to index
        %get3A_1008 = tpu.vector_load %arg8[%get3A_1006, %get3A_1007] {strides = array<i32>} : memref<81x640xf32, #tpu.memory_space<vmem>>, vector<16xf32>,
        %max3A_1009 = arith.maximumf %max3A_1004, %get3A_1008 : vector<16xf32>
        %get3A_1010 = arith.constant 65 : i32
        %get3A_1011 = arith.index_cast %get3A_1010 : i32 to index
        %get3A_1012 = arith.index_cast %mul3A_683 : i32 to index
        %get3A_1013 = tpu.vector_load %arg8[%get3A_1011, %get3A_1012] {strides = array<i32>} : memref<81x640xf32, #tpu.memory_space<vmem>>, vector<16xf32>,
        %max3A_1014 = arith.maximumf %max3A_1009, %get3A_1013 : vector<16xf32>
        %get3A_1015 = arith.constant 66 : i32
        %get3A_1016 = arith.index_cast %get3A_1015 : i32 to index
        %get3A_1017 = arith.index_cast %mul3A_683 : i32 to index
        %get3A_1018 = tpu.vector_load %arg8[%get3A_1016, %get3A_1017] {strides = array<i32>} : memref<81x640xf32, #tpu.memory_space<vmem>>, vector<16xf32>,
        %max3A_1019 = arith.maximumf %max3A_1014, %get3A_1018 : vector<16xf32>
        %get3A_1020 = arith.constant 67 : i32
        %get3A_1021 = arith.index_cast %get3A_1020 : i32 to index
        %get3A_1022 = arith.index_cast %mul3A_683 : i32 to index
        %get3A_1023 = tpu.vector_load %arg8[%get3A_1021, %get3A_1022] {strides = array<i32>} : memref<81x640xf32, #tpu.memory_space<vmem>>, vector<16xf32>,
        %max3A_1024 = arith.maximumf %max3A_1019, %get3A_1023 : vector<16xf32>
        %get3A_1025 = arith.constant 68 : i32
        %get3A_1026 = arith.index_cast %get3A_1025 : i32 to index
        %get3A_1027 = arith.index_cast %mul3A_683 : i32 to index
        %get3A_1028 = tpu.vector_load %arg8[%get3A_1026, %get3A_1027] {strides = array<i32>} : memref<81x640xf32, #tpu.memory_space<vmem>>, vector<16xf32>,
        %max3A_1029 = arith.maximumf %max3A_1024, %get3A_1028 : vector<16xf32>
        %get3A_1030 = arith.constant 69 : i32
        %get3A_1031 = arith.index_cast %get3A_1030 : i32 to index
        %get3A_1032 = arith.index_cast %mul3A_683 : i32 to index
        %get3A_1033 = tpu.vector_load %arg8[%get3A_1031, %get3A_1032] {strides = array<i32>} : memref<81x640xf32, #tpu.memory_space<vmem>>, vector<16xf32>,
        %max3A_1034 = arith.maximumf %max3A_1029, %get3A_1033 : vector<16xf32>
        %get3A_1035 = arith.constant 70 : i32
        %get3A_1036 = arith.index_cast %get3A_1035 : i32 to index
        %get3A_1037 = arith.index_cast %mul3A_683 : i32 to index
        %get3A_1038 = tpu.vector_load %arg8[%get3A_1036, %get3A_1037] {strides = array<i32>} : memref<81x640xf32, #tpu.memory_space<vmem>>, vector<16xf32>,
        %max3A_1039 = arith.maximumf %max3A_1034, %get3A_1038 : vector<16xf32>
        %get3A_1040 = arith.constant 71 : i32
        %get3A_1041 = arith.index_cast %get3A_1040 : i32 to index
        %get3A_1042 = arith.index_cast %mul3A_683 : i32 to index
        %get3A_1043 = tpu.vector_load %arg8[%get3A_1041, %get3A_1042] {strides = array<i32>} : memref<81x640xf32, #tpu.memory_space<vmem>>, vector<16xf32>,
        %max3A_1044 = arith.maximumf %max3A_1039, %get3A_1043 : vector<16xf32>
        %get3A_1045 = arith.constant 72 : i32
        %get3A_1046 = arith.index_cast %get3A_1045 : i32 to index
        %get3A_1047 = arith.index_cast %mul3A_683 : i32 to index
        %get3A_1048 = tpu.vector_load %arg8[%get3A_1046, %get3A_1047] {strides = array<i32>} : memref<81x640xf32, #tpu.memory_space<vmem>>, vector<16xf32>,
        %max3A_1049 = arith.maximumf %max3A_1044, %get3A_1048 : vector<16xf32>
        %get3A_1050 = arith.constant 73 : i32
        %get3A_1051 = arith.index_cast %get3A_1050 : i32 to index
        %get3A_1052 = arith.index_cast %mul3A_683 : i32 to index
        %get3A_1053 = tpu.vector_load %arg8[%get3A_1051, %get3A_1052] {strides = array<i32>} : memref<81x640xf32, #tpu.memory_space<vmem>>, vector<16xf32>,
        %max3A_1054 = arith.maximumf %max3A_1049, %get3A_1053 : vector<16xf32>
        %get3A_1055 = arith.constant 74 : i32
        %get3A_1056 = arith.index_cast %get3A_1055 : i32 to index
        %get3A_1057 = arith.index_cast %mul3A_683 : i32 to index
        %get3A_1058 = tpu.vector_load %arg8[%get3A_1056, %get3A_1057] {strides = array<i32>} : memref<81x640xf32, #tpu.memory_space<vmem>>, vector<16xf32>,
        %max3A_1059 = arith.maximumf %max3A_1054, %get3A_1058 : vector<16xf32>
        %get3A_1060 = arith.constant 75 : i32
        %get3A_1061 = arith.index_cast %get3A_1060 : i32 to index
        %get3A_1062 = arith.index_cast %mul3A_683 : i32 to index
        %get3A_1063 = tpu.vector_load %arg8[%get3A_1061, %get3A_1062] {strides = array<i32>} : memref<81x640xf32, #tpu.memory_space<vmem>>, vector<16xf32>,
        %max3A_1064 = arith.maximumf %max3A_1059, %get3A_1063 : vector<16xf32>
        %get3A_1065 = arith.constant 76 : i32
        %get3A_1066 = arith.index_cast %get3A_1065 : i32 to index
        %get3A_1067 = arith.index_cast %mul3A_683 : i32 to index
        %get3A_1068 = tpu.vector_load %arg8[%get3A_1066, %get3A_1067] {strides = array<i32>} : memref<81x640xf32, #tpu.memory_space<vmem>>, vector<16xf32>,
        %max3A_1069 = arith.maximumf %max3A_1064, %get3A_1068 : vector<16xf32>
        %get3A_1070 = arith.constant 77 : i32
        %get3A_1071 = arith.index_cast %get3A_1070 : i32 to index
        %get3A_1072 = arith.index_cast %mul3A_683 : i32 to index
        %get3A_1073 = tpu.vector_load %arg8[%get3A_1071, %get3A_1072] {strides = array<i32>} : memref<81x640xf32, #tpu.memory_space<vmem>>, vector<16xf32>,
        %max3A_1074 = arith.maximumf %max3A_1069, %get3A_1073 : vector<16xf32>
        %get3A_1075 = arith.constant 78 : i32
        %get3A_1076 = arith.index_cast %get3A_1075 : i32 to index
        %get3A_1077 = arith.index_cast %mul3A_683 : i32 to index
        %get3A_1078 = tpu.vector_load %arg8[%get3A_1076, %get3A_1077] {strides = array<i32>} : memref<81x640xf32, #tpu.memory_space<vmem>>, vector<16xf32>,
        %max3A_1079 = arith.maximumf %max3A_1074, %get3A_1078 : vector<16xf32>
        %get3A_1080 = arith.constant 80 : i32
        %get3A_1081 = arith.index_cast %get3A_1080 : i32 to index
        %get3A_1082 = arith.index_cast %mul3A_683 : i32 to index
        %get3A_1083 = tpu.vector_load %arg8[%get3A_1081, %get3A_1082] {strides = array<i32>} : memref<81x640xf32, #tpu.memory_space<vmem>>, vector<16xf32>,
        %max3A_1084 = arith.maximumf %max3A_1079, %get3A_1083 : vector<16xf32>
        %add3A_1085 = arith.addi %mul3A_645, %mul3A_683 : i32
        %get3A_1086 = arith.index_cast %add3A_1085 : i32 to index
        %get3A_1087 = tpu.vector_load %arg10[%get3A_1086] {strides = array<i32>} : memref<6400xi32, #tpu.memory_space<vmem>>, vector<16xi32>,
        %add3A_1088 = arith.addi %multiple_of3A, %mul3A_645 : i32
        %add3A_1089 = arith.addi %add3A_1088, %mul3A_683 : i32
        %add3A_1090 = vector.broadcast %add3A_1089 : i32 to vector<16xi32>
        %add3A_1091 = arith.addi %add3A_1090, %iota3A : vector<16xi32>
        %ge3A = vector.broadcast %mul3A_2 : i32 to vector<16xi32>
        %ge3A_1092 = arith.cmpi sge, %add3A_1091, %ge3A : vector<16xi32>
        %add3A_1093 = arith.constant 6250 : i32
        %add3A_1094 = arith.addi %mul3A_2, %add3A_1093 : i32
        %lt3A_1095 = vector.broadcast %add3A_1094 : i32 to vector<16xi32>
        %lt3A_1096 = arith.cmpi slt, %add3A_1091, %lt3A_1095 : vector<16xi32>
        %and3A_1097 = arith.andi %ge3A_1092, %lt3A_1096 : vector<16xi1>
        %ne3A_1098 = arith.constant 80 : i32
        %ne3A_1099 = vector.broadcast %ne3A_1098 : i32 to vector<16xi32>
        %ne3A_1100 = arith.cmpi ne, %get3A_1087, %ne3A_1099 : vector<16xi32>
        %and3A_1101 = arith.andi %ne3A_1100, %and3A_1097 : vector<16xi1>
        %neg3A = arith.constant 0.000000e+00 : f32
        %neg3A_1102 = vector.broadcast %neg3A : f32 to vector<16xf32>
        %neg3A_1103 = arith.subf %neg3A_1102, %max3A_1084 : vector<16xf32>
        %jit3A_1104 = arith.constant 0xFF800000 : f32
        %broadcast_in_dim3A_1105 = vector.broadcast %jit3A_1104 : f32 to vector<16xf32>
        %select_n3A_1106 = arith.select %and3A_1101, %neg3A_1103, %broadcast_in_dim3A_1105 : vector<16xi1>, vector<16xf32>
        %jit3A_1107 = arith.constant 2147483647 : i32
        %broadcast_in_dim3A_1108 = vector.broadcast %jit3A_1107 : i32 to vector<16xi32>
        %select_n3A_1109 = arith.select %and3A_1097, %add3A_1091, %broadcast_in_dim3A_1108 : vector<16xi1>, vector<16xi32>
        %jit3A_1110 = arith.constant 1 : i32
        %jit3A_1111 = arith.constant 0 : i32
        %broadcast_in_dim3A_1112 = vector.broadcast %jit3A_1110 : i32 to vector<16xi32>
        %broadcast_in_dim3A_1113 = vector.broadcast %jit3A_1111 : i32 to vector<16xi32>
        %select_n3A_1114 = arith.select %and3A_1101, %broadcast_in_dim3A_1112, %broadcast_in_dim3A_1113 : vector<16xi1>, vector<16xi32>
        %add3A_1115 = arith.addi %scan3A_681, %select_n3A_1114 : vector<16xi32>
        %gt3A = arith.cmpf ogt, %select_n3A_1106, %scan3A_675 : vector<16xf32>
        %gt3A_1116 = arith.cmpf ogt, %select_n3A_1106, %scan3A_677 : vector<16xf32>
        %gt3A_1117 = arith.cmpf ogt, %select_n3A_1106, %scan3A_679 : vector<16xf32>
        %select_n3A_1118 = arith.select %gt3A_1117, %select_n3A_1106, %scan3A_679 : vector<16xi1>, vector<16xf32>
        %select_n3A_1119 = arith.select %gt3A_1116, %scan3A_677, %select_n3A_1118 : vector<16xi1>, vector<16xf32>
        %select_n3A_1120 = arith.select %gt3A_1117, %select_n3A_1109, %scan3A_680 : vector<16xi1>, vector<16xi32>
        %select_n3A_1121 = arith.select %gt3A_1116, %scan3A_678, %select_n3A_1120 : vector<16xi1>, vector<16xi32>
        %select_n3A_1122 = arith.select %gt3A_1116, %select_n3A_1106, %scan3A_677 : vector<16xi1>, vector<16xf32>
        %select_n3A_1123 = arith.select %gt3A, %scan3A_675, %select_n3A_1122 : vector<16xi1>, vector<16xf32>
        %select_n3A_1124 = arith.select %gt3A_1116, %select_n3A_1109, %scan3A_678 : vector<16xi1>, vector<16xi32>
        %select_n3A_1125 = arith.select %gt3A, %scan3A_676, %select_n3A_1124 : vector<16xi1>, vector<16xi32>
        %select_n3A_1126 = arith.select %gt3A, %select_n3A_1106, %scan3A_675 : vector<16xi1>, vector<16xf32>
        %select_n3A_1127 = arith.select %gt3A, %select_n3A_1109, %scan3A_676 : vector<16xi1>, vector<16xi32>
        scf.yield %select_n3A_1126, %select_n3A_1127, %select_n3A_1123, %select_n3A_1125, %select_n3A_1119, %select_n3A_1121, %add3A_1115 : vector<16xf32>, vector<16xi32>, vector<16xf32>, vector<16xi32>, vector<16xf32>, vector<16xi32>, vector<16xi32>
      }
      %scan3A_651 = arith.constant 40 : i32
      %add3A_652 = arith.constant 1 : i32
      %add3A_653 = arith.addi %mul3A_628, %add3A_652 : i32
      %mul3A_654 = arith.constant 640 : i32
      %mul3A_655 = arith.muli %add3A_653, %mul3A_654 : i32
      %add3A_656 = arith.addi %multiple_of3A, %mul3A_655 : i32
      %dma_wait3A_657 = arith.constant 0 : i32
      %dma_wait3A_658 = tpu.memref_slice %arg2[%dma_wait3A_657, %add3A_656] : memref<81x200000xf32, #tpu.memory_space<hbm>> -> memref<81x640xf32, #tpu.memory_space<hbm>>
      %dma_wait3A_659 = arith.constant 0 : i32
      %dma_wait3A_660 = tpu.memref_slice %arg2[%dma_wait3A_659, %add3A_656] : memref<81x200000xf32, #tpu.memory_space<hbm>> -> memref<81x640xf32, #tpu.memory_space<hbm>>
      tpu.wait_dma2 semaphore(%arg16 : memref<!tpu.dma_semaphore, #tpu.memory_space<semaphore_mem>>) src(%dma_wait3A_660 : memref<81x640xf32, #tpu.memory_space<hbm>>) dst(%arg9 : memref<81x640xf32, #tpu.memory_space<vmem>>)
      %lt3A_661 = arith.constant 4 : i32
      %lt3A_662 = arith.cmpi slt, %scan3A_619, %lt3A_661 : i32
      %convert_element_type3A = arith.extui %lt3A_662 : i1 to i32
      %cond3A = arith.constant 0 : i32
      %cond3A_663 = arith.cmpi ne, %convert_element_type3A, %cond3A : i32
      scf.if %cond3A_663 {
        %add3A_674 = arith.constant 2 : i32
        %add3A_675 = arith.addi %mul3A_628, %add3A_674 : i32
        %mul3A_676 = arith.constant 640 : i32
        %mul3A_677 = arith.muli %add3A_675, %mul3A_676 : i32
        %add3A_678 = arith.addi %multiple_of3A, %mul3A_677 : i32
        %dma_start3A_679 = arith.constant 0 : i32
        %dma_start3A_680 = tpu.memref_slice %arg2[%dma_start3A_679, %add3A_678] : memref<81x200000xf32, #tpu.memory_space<hbm>> -> memref<81x640xf32, #tpu.memory_space<hbm>>
        %dma_start3A_681 = arith.constant 0 : i32
        %dma_start3A_682 = tpu.memref_slice %arg2[%dma_start3A_681, %add3A_678] : memref<81x200000xf32, #tpu.memory_space<hbm>> -> memref<81x640xf32, #tpu.memory_space<hbm>>
        tpu.enqueue_dma source(%dma_start3A_682 : memref<81x640xf32, #tpu.memory_space<hbm>>) target(%arg8 : memref<81x640xf32, #tpu.memory_space<vmem>>) target_semaphore(%arg15 : memref<!tpu.dma_semaphore, #tpu.memory_space<semaphore_mem>>)
      } else {
      }
      %add3A_664 = arith.constant 1 : i32
      %add3A_665 = arith.addi %mul3A_628, %add3A_664 : i32
      %mul3A_666 = arith.constant 640 : i32
      %mul3A_667 = arith.muli %add3A_665, %mul3A_666 : i32
      %scan3A_668 = arith.constant 0 : i32
      %scan3A_669 = arith.constant 40 : i32
      %scan3A_670 = arith.addi %scan3A_668, %scan3A_669 : i32
      %scan3A_671 = arith.constant 1 : i32
      %scan3A_672:7 = scf.for %scan3A_674 = %scan3A_668 to %scan3A_670 step %scan3A_671 iter_args(%scan3A_675 = %scan3A_650#0, %scan3A_676 = %scan3A_650#1, %scan3A_677 = %scan3A_650#2, %scan3A_678 = %scan3A_650#3, %scan3A_679 = %scan3A_650#4, %scan3A_680 = %scan3A_650#5, %scan3A_681 = %scan3A_650#6) -> (vector<16xf32>, vector<16xi32>, vector<16xf32>, vector<16xi32>, vector<16xf32>, vector<16xi32>, vector<16xi32>)  : i32 {
        %mul3A_682 = arith.constant 16 : i32
        %mul3A_683 = arith.muli %scan3A_674, %mul3A_682 : i32
        %broadcast_in_dim3A_684 = arith.constant 0xFF800000 : f32
        %broadcast_in_dim3A_685 = vector.broadcast %broadcast_in_dim3A_684 : f32 to vector<16xf32>
        %get3A = arith.constant 0 : i32
        %get3A_686 = arith.index_cast %get3A : i32 to index
        %get3A_687 = arith.index_cast %mul3A_683 : i32 to index
        %get3A_688 = tpu.vector_load %arg9[%get3A_686, %get3A_687] {strides = array<i32>} : memref<81x640xf32, #tpu.memory_space<vmem>>, vector<16xf32>,
        %max3A_689 = arith.maximumf %broadcast_in_dim3A_685, %get3A_688 : vector<16xf32>
        %get3A_690 = arith.constant 1 : i32
        %get3A_691 = arith.index_cast %get3A_690 : i32 to index
        %get3A_692 = arith.index_cast %mul3A_683 : i32 to index
        %get3A_693 = tpu.vector_load %arg9[%get3A_691, %get3A_692] {strides = array<i32>} : memref<81x640xf32, #tpu.memory_space<vmem>>, vector<16xf32>,
        %max3A_694 = arith.maximumf %max3A_689, %get3A_693 : vector<16xf32>
        %get3A_695 = arith.constant 2 : i32
        %get3A_696 = arith.index_cast %get3A_695 : i32 to index
        %get3A_697 = arith.index_cast %mul3A_683 : i32 to index
        %get3A_698 = tpu.vector_load %arg9[%get3A_696, %get3A_697] {strides = array<i32>} : memref<81x640xf32, #tpu.memory_space<vmem>>, vector<16xf32>,
        %max3A_699 = arith.maximumf %max3A_694, %get3A_698 : vector<16xf32>
        %get3A_700 = arith.constant 3 : i32
        %get3A_701 = arith.index_cast %get3A_700 : i32 to index
        %get3A_702 = arith.index_cast %mul3A_683 : i32 to index
        %get3A_703 = tpu.vector_load %arg9[%get3A_701, %get3A_702] {strides = array<i32>} : memref<81x640xf32, #tpu.memory_space<vmem>>, vector<16xf32>,
        %max3A_704 = arith.maximumf %max3A_699, %get3A_703 : vector<16xf32>
        %get3A_705 = arith.constant 4 : i32
        %get3A_706 = arith.index_cast %get3A_705 : i32 to index
        %get3A_707 = arith.index_cast %mul3A_683 : i32 to index
        %get3A_708 = tpu.vector_load %arg9[%get3A_706, %get3A_707] {strides = array<i32>} : memref<81x640xf32, #tpu.memory_space<vmem>>, vector<16xf32>,
        %max3A_709 = arith.maximumf %max3A_704, %get3A_708 : vector<16xf32>
        %get3A_710 = arith.constant 5 : i32
        %get3A_711 = arith.index_cast %get3A_710 : i32 to index
        %get3A_712 = arith.index_cast %mul3A_683 : i32 to index
        %get3A_713 = tpu.vector_load %arg9[%get3A_711, %get3A_712] {strides = array<i32>} : memref<81x640xf32, #tpu.memory_space<vmem>>, vector<16xf32>,
        %max3A_714 = arith.maximumf %max3A_709, %get3A_713 : vector<16xf32>
        %get3A_715 = arith.constant 6 : i32
        %get3A_716 = arith.index_cast %get3A_715 : i32 to index
        %get3A_717 = arith.index_cast %mul3A_683 : i32 to index
        %get3A_718 = tpu.vector_load %arg9[%get3A_716, %get3A_717] {strides = array<i32>} : memref<81x640xf32, #tpu.memory_space<vmem>>, vector<16xf32>,
        %max3A_719 = arith.maximumf %max3A_714, %get3A_718 : vector<16xf32>
        %get3A_720 = arith.constant 7 : i32
        %get3A_721 = arith.index_cast %get3A_720 : i32 to index
        %get3A_722 = arith.index_cast %mul3A_683 : i32 to index
        %get3A_723 = tpu.vector_load %arg9[%get3A_721, %get3A_722] {strides = array<i32>} : memref<81x640xf32, #tpu.memory_space<vmem>>, vector<16xf32>,
        %max3A_724 = arith.maximumf %max3A_719, %get3A_723 : vector<16xf32>
        %get3A_725 = arith.constant 8 : i32
        %get3A_726 = arith.index_cast %get3A_725 : i32 to index
        %get3A_727 = arith.index_cast %mul3A_683 : i32 to index
        %get3A_728 = tpu.vector_load %arg9[%get3A_726, %get3A_727] {strides = array<i32>} : memref<81x640xf32, #tpu.memory_space<vmem>>, vector<16xf32>,
        %max3A_729 = arith.maximumf %max3A_724, %get3A_728 : vector<16xf32>
        %get3A_730 = arith.constant 9 : i32
        %get3A_731 = arith.index_cast %get3A_730 : i32 to index
        %get3A_732 = arith.index_cast %mul3A_683 : i32 to index
        %get3A_733 = tpu.vector_load %arg9[%get3A_731, %get3A_732] {strides = array<i32>} : memref<81x640xf32, #tpu.memory_space<vmem>>, vector<16xf32>,
        %max3A_734 = arith.maximumf %max3A_729, %get3A_733 : vector<16xf32>
        %get3A_735 = arith.constant 10 : i32
        %get3A_736 = arith.index_cast %get3A_735 : i32 to index
        %get3A_737 = arith.index_cast %mul3A_683 : i32 to index
        %get3A_738 = tpu.vector_load %arg9[%get3A_736, %get3A_737] {strides = array<i32>} : memref<81x640xf32, #tpu.memory_space<vmem>>, vector<16xf32>,
        %max3A_739 = arith.maximumf %max3A_734, %get3A_738 : vector<16xf32>
        %get3A_740 = arith.constant 11 : i32
        %get3A_741 = arith.index_cast %get3A_740 : i32 to index
        %get3A_742 = arith.index_cast %mul3A_683 : i32 to index
        %get3A_743 = tpu.vector_load %arg9[%get3A_741, %get3A_742] {strides = array<i32>} : memref<81x640xf32, #tpu.memory_space<vmem>>, vector<16xf32>,
        %max3A_744 = arith.maximumf %max3A_739, %get3A_743 : vector<16xf32>
        %get3A_745 = arith.constant 12 : i32
        %get3A_746 = arith.index_cast %get3A_745 : i32 to index
        %get3A_747 = arith.index_cast %mul3A_683 : i32 to index
        %get3A_748 = tpu.vector_load %arg9[%get3A_746, %get3A_747] {strides = array<i32>} : memref<81x640xf32, #tpu.memory_space<vmem>>, vector<16xf32>,
        %max3A_749 = arith.maximumf %max3A_744, %get3A_748 : vector<16xf32>
        %get3A_750 = arith.constant 13 : i32
        %get3A_751 = arith.index_cast %get3A_750 : i32 to index
        %get3A_752 = arith.index_cast %mul3A_683 : i32 to index
        %get3A_753 = tpu.vector_load %arg9[%get3A_751, %get3A_752] {strides = array<i32>} : memref<81x640xf32, #tpu.memory_space<vmem>>, vector<16xf32>,
        %max3A_754 = arith.maximumf %max3A_749, %get3A_753 : vector<16xf32>
        %get3A_755 = arith.constant 14 : i32
        %get3A_756 = arith.index_cast %get3A_755 : i32 to index
        %get3A_757 = arith.index_cast %mul3A_683 : i32 to index
        %get3A_758 = tpu.vector_load %arg9[%get3A_756, %get3A_757] {strides = array<i32>} : memref<81x640xf32, #tpu.memory_space<vmem>>, vector<16xf32>,
        %max3A_759 = arith.maximumf %max3A_754, %get3A_758 : vector<16xf32>
        %get3A_760 = arith.constant 15 : i32
        %get3A_761 = arith.index_cast %get3A_760 : i32 to index
        %get3A_762 = arith.index_cast %mul3A_683 : i32 to index
        %get3A_763 = tpu.vector_load %arg9[%get3A_761, %get3A_762] {strides = array<i32>} : memref<81x640xf32, #tpu.memory_space<vmem>>, vector<16xf32>,
        %max3A_764 = arith.maximumf %max3A_759, %get3A_763 : vector<16xf32>
        %get3A_765 = arith.constant 16 : i32
        %get3A_766 = arith.index_cast %get3A_765 : i32 to index
        %get3A_767 = arith.index_cast %mul3A_683 : i32 to index
        %get3A_768 = tpu.vector_load %arg9[%get3A_766, %get3A_767] {strides = array<i32>} : memref<81x640xf32, #tpu.memory_space<vmem>>, vector<16xf32>,
        %max3A_769 = arith.maximumf %max3A_764, %get3A_768 : vector<16xf32>
        %get3A_770 = arith.constant 17 : i32
        %get3A_771 = arith.index_cast %get3A_770 : i32 to index
        %get3A_772 = arith.index_cast %mul3A_683 : i32 to index
        %get3A_773 = tpu.vector_load %arg9[%get3A_771, %get3A_772] {strides = array<i32>} : memref<81x640xf32, #tpu.memory_space<vmem>>, vector<16xf32>,
        %max3A_774 = arith.maximumf %max3A_769, %get3A_773 : vector<16xf32>
        %get3A_775 = arith.constant 18 : i32
        %get3A_776 = arith.index_cast %get3A_775 : i32 to index
        %get3A_777 = arith.index_cast %mul3A_683 : i32 to index
        %get3A_778 = tpu.vector_load %arg9[%get3A_776, %get3A_777] {strides = array<i32>} : memref<81x640xf32, #tpu.memory_space<vmem>>, vector<16xf32>,
        %max3A_779 = arith.maximumf %max3A_774, %get3A_778 : vector<16xf32>
        %get3A_780 = arith.constant 19 : i32
        %get3A_781 = arith.index_cast %get3A_780 : i32 to index
        %get3A_782 = arith.index_cast %mul3A_683 : i32 to index
        %get3A_783 = tpu.vector_load %arg9[%get3A_781, %get3A_782] {strides = array<i32>} : memref<81x640xf32, #tpu.memory_space<vmem>>, vector<16xf32>,
        %max3A_784 = arith.maximumf %max3A_779, %get3A_783 : vector<16xf32>
        %get3A_785 = arith.constant 20 : i32
        %get3A_786 = arith.index_cast %get3A_785 : i32 to index
        %get3A_787 = arith.index_cast %mul3A_683 : i32 to index
        %get3A_788 = tpu.vector_load %arg9[%get3A_786, %get3A_787] {strides = array<i32>} : memref<81x640xf32, #tpu.memory_space<vmem>>, vector<16xf32>,
        %max3A_789 = arith.maximumf %max3A_784, %get3A_788 : vector<16xf32>
        %get3A_790 = arith.constant 21 : i32
        %get3A_791 = arith.index_cast %get3A_790 : i32 to index
        %get3A_792 = arith.index_cast %mul3A_683 : i32 to index
        %get3A_793 = tpu.vector_load %arg9[%get3A_791, %get3A_792] {strides = array<i32>} : memref<81x640xf32, #tpu.memory_space<vmem>>, vector<16xf32>,
        %max3A_794 = arith.maximumf %max3A_789, %get3A_793 : vector<16xf32>
        %get3A_795 = arith.constant 22 : i32
        %get3A_796 = arith.index_cast %get3A_795 : i32 to index
        %get3A_797 = arith.index_cast %mul3A_683 : i32 to index
        %get3A_798 = tpu.vector_load %arg9[%get3A_796, %get3A_797] {strides = array<i32>} : memref<81x640xf32, #tpu.memory_space<vmem>>, vector<16xf32>,
        %max3A_799 = arith.maximumf %max3A_794, %get3A_798 : vector<16xf32>
        %get3A_800 = arith.constant 23 : i32
        %get3A_801 = arith.index_cast %get3A_800 : i32 to index
        %get3A_802 = arith.index_cast %mul3A_683 : i32 to index
        %get3A_803 = tpu.vector_load %arg9[%get3A_801, %get3A_802] {strides = array<i32>} : memref<81x640xf32, #tpu.memory_space<vmem>>, vector<16xf32>,
        %max3A_804 = arith.maximumf %max3A_799, %get3A_803 : vector<16xf32>
        %get3A_805 = arith.constant 24 : i32
        %get3A_806 = arith.index_cast %get3A_805 : i32 to index
        %get3A_807 = arith.index_cast %mul3A_683 : i32 to index
        %get3A_808 = tpu.vector_load %arg9[%get3A_806, %get3A_807] {strides = array<i32>} : memref<81x640xf32, #tpu.memory_space<vmem>>, vector<16xf32>,
        %max3A_809 = arith.maximumf %max3A_804, %get3A_808 : vector<16xf32>
        %get3A_810 = arith.constant 25 : i32
        %get3A_811 = arith.index_cast %get3A_810 : i32 to index
        %get3A_812 = arith.index_cast %mul3A_683 : i32 to index
        %get3A_813 = tpu.vector_load %arg9[%get3A_811, %get3A_812] {strides = array<i32>} : memref<81x640xf32, #tpu.memory_space<vmem>>, vector<16xf32>,
        %max3A_814 = arith.maximumf %max3A_809, %get3A_813 : vector<16xf32>
        %get3A_815 = arith.constant 26 : i32
        %get3A_816 = arith.index_cast %get3A_815 : i32 to index
        %get3A_817 = arith.index_cast %mul3A_683 : i32 to index
        %get3A_818 = tpu.vector_load %arg9[%get3A_816, %get3A_817] {strides = array<i32>} : memref<81x640xf32, #tpu.memory_space<vmem>>, vector<16xf32>,
        %max3A_819 = arith.maximumf %max3A_814, %get3A_818 : vector<16xf32>
        %get3A_820 = arith.constant 27 : i32
        %get3A_821 = arith.index_cast %get3A_820 : i32 to index
        %get3A_822 = arith.index_cast %mul3A_683 : i32 to index
        %get3A_823 = tpu.vector_load %arg9[%get3A_821, %get3A_822] {strides = array<i32>} : memref<81x640xf32, #tpu.memory_space<vmem>>, vector<16xf32>,
        %max3A_824 = arith.maximumf %max3A_819, %get3A_823 : vector<16xf32>
        %get3A_825 = arith.constant 28 : i32
        %get3A_826 = arith.index_cast %get3A_825 : i32 to index
        %get3A_827 = arith.index_cast %mul3A_683 : i32 to index
        %get3A_828 = tpu.vector_load %arg9[%get3A_826, %get3A_827] {strides = array<i32>} : memref<81x640xf32, #tpu.memory_space<vmem>>, vector<16xf32>,
        %max3A_829 = arith.maximumf %max3A_824, %get3A_828 : vector<16xf32>
        %get3A_830 = arith.constant 29 : i32
        %get3A_831 = arith.index_cast %get3A_830 : i32 to index
        %get3A_832 = arith.index_cast %mul3A_683 : i32 to index
        %get3A_833 = tpu.vector_load %arg9[%get3A_831, %get3A_832] {strides = array<i32>} : memref<81x640xf32, #tpu.memory_space<vmem>>, vector<16xf32>,
        %max3A_834 = arith.maximumf %max3A_829, %get3A_833 : vector<16xf32>
        %get3A_835 = arith.constant 30 : i32
        %get3A_836 = arith.index_cast %get3A_835 : i32 to index
        %get3A_837 = arith.index_cast %mul3A_683 : i32 to index
        %get3A_838 = tpu.vector_load %arg9[%get3A_836, %get3A_837] {strides = array<i32>} : memref<81x640xf32, #tpu.memory_space<vmem>>, vector<16xf32>,
        %max3A_839 = arith.maximumf %max3A_834, %get3A_838 : vector<16xf32>
        %get3A_840 = arith.constant 31 : i32
        %get3A_841 = arith.index_cast %get3A_840 : i32 to index
        %get3A_842 = arith.index_cast %mul3A_683 : i32 to index
        %get3A_843 = tpu.vector_load %arg9[%get3A_841, %get3A_842] {strides = array<i32>} : memref<81x640xf32, #tpu.memory_space<vmem>>, vector<16xf32>,
        %max3A_844 = arith.maximumf %max3A_839, %get3A_843 : vector<16xf32>
        %get3A_845 = arith.constant 32 : i32
        %get3A_846 = arith.index_cast %get3A_845 : i32 to index
        %get3A_847 = arith.index_cast %mul3A_683 : i32 to index
        %get3A_848 = tpu.vector_load %arg9[%get3A_846, %get3A_847] {strides = array<i32>} : memref<81x640xf32, #tpu.memory_space<vmem>>, vector<16xf32>,
        %max3A_849 = arith.maximumf %max3A_844, %get3A_848 : vector<16xf32>
        %get3A_850 = arith.constant 33 : i32
        %get3A_851 = arith.index_cast %get3A_850 : i32 to index
        %get3A_852 = arith.index_cast %mul3A_683 : i32 to index
        %get3A_853 = tpu.vector_load %arg9[%get3A_851, %get3A_852] {strides = array<i32>} : memref<81x640xf32, #tpu.memory_space<vmem>>, vector<16xf32>,
        %max3A_854 = arith.maximumf %max3A_849, %get3A_853 : vector<16xf32>
        %get3A_855 = arith.constant 34 : i32
        %get3A_856 = arith.index_cast %get3A_855 : i32 to index
        %get3A_857 = arith.index_cast %mul3A_683 : i32 to index
        %get3A_858 = tpu.vector_load %arg9[%get3A_856, %get3A_857] {strides = array<i32>} : memref<81x640xf32, #tpu.memory_space<vmem>>, vector<16xf32>,
        %max3A_859 = arith.maximumf %max3A_854, %get3A_858 : vector<16xf32>
        %get3A_860 = arith.constant 35 : i32
        %get3A_861 = arith.index_cast %get3A_860 : i32 to index
        %get3A_862 = arith.index_cast %mul3A_683 : i32 to index
        %get3A_863 = tpu.vector_load %arg9[%get3A_861, %get3A_862] {strides = array<i32>} : memref<81x640xf32, #tpu.memory_space<vmem>>, vector<16xf32>,
        %max3A_864 = arith.maximumf %max3A_859, %get3A_863 : vector<16xf32>
        %get3A_865 = arith.constant 36 : i32
        %get3A_866 = arith.index_cast %get3A_865 : i32 to index
        %get3A_867 = arith.index_cast %mul3A_683 : i32 to index
        %get3A_868 = tpu.vector_load %arg9[%get3A_866, %get3A_867] {strides = array<i32>} : memref<81x640xf32, #tpu.memory_space<vmem>>, vector<16xf32>,
        %max3A_869 = arith.maximumf %max3A_864, %get3A_868 : vector<16xf32>
        %get3A_870 = arith.constant 37 : i32
        %get3A_871 = arith.index_cast %get3A_870 : i32 to index
        %get3A_872 = arith.index_cast %mul3A_683 : i32 to index
        %get3A_873 = tpu.vector_load %arg9[%get3A_871, %get3A_872] {strides = array<i32>} : memref<81x640xf32, #tpu.memory_space<vmem>>, vector<16xf32>,
        %max3A_874 = arith.maximumf %max3A_869, %get3A_873 : vector<16xf32>
        %get3A_875 = arith.constant 38 : i32
        %get3A_876 = arith.index_cast %get3A_875 : i32 to index
        %get3A_877 = arith.index_cast %mul3A_683 : i32 to index
        %get3A_878 = tpu.vector_load %arg9[%get3A_876, %get3A_877] {strides = array<i32>} : memref<81x640xf32, #tpu.memory_space<vmem>>, vector<16xf32>,
        %max3A_879 = arith.maximumf %max3A_874, %get3A_878 : vector<16xf32>
        %get3A_880 = arith.constant 39 : i32
        %get3A_881 = arith.index_cast %get3A_880 : i32 to index
        %get3A_882 = arith.index_cast %mul3A_683 : i32 to index
        %get3A_883 = tpu.vector_load %arg9[%get3A_881, %get3A_882] {strides = array<i32>} : memref<81x640xf32, #tpu.memory_space<vmem>>, vector<16xf32>,
        %max3A_884 = arith.maximumf %max3A_879, %get3A_883 : vector<16xf32>
        %get3A_885 = arith.constant 40 : i32
        %get3A_886 = arith.index_cast %get3A_885 : i32 to index
        %get3A_887 = arith.index_cast %mul3A_683 : i32 to index
        %get3A_888 = tpu.vector_load %arg9[%get3A_886, %get3A_887] {strides = array<i32>} : memref<81x640xf32, #tpu.memory_space<vmem>>, vector<16xf32>,
        %max3A_889 = arith.maximumf %max3A_884, %get3A_888 : vector<16xf32>
        %get3A_890 = arith.constant 41 : i32
        %get3A_891 = arith.index_cast %get3A_890 : i32 to index
        %get3A_892 = arith.index_cast %mul3A_683 : i32 to index
        %get3A_893 = tpu.vector_load %arg9[%get3A_891, %get3A_892] {strides = array<i32>} : memref<81x640xf32, #tpu.memory_space<vmem>>, vector<16xf32>,
        %max3A_894 = arith.maximumf %max3A_889, %get3A_893 : vector<16xf32>
        %get3A_895 = arith.constant 42 : i32
        %get3A_896 = arith.index_cast %get3A_895 : i32 to index
        %get3A_897 = arith.index_cast %mul3A_683 : i32 to index
        %get3A_898 = tpu.vector_load %arg9[%get3A_896, %get3A_897] {strides = array<i32>} : memref<81x640xf32, #tpu.memory_space<vmem>>, vector<16xf32>,
        %max3A_899 = arith.maximumf %max3A_894, %get3A_898 : vector<16xf32>
        %get3A_900 = arith.constant 43 : i32
        %get3A_901 = arith.index_cast %get3A_900 : i32 to index
        %get3A_902 = arith.index_cast %mul3A_683 : i32 to index
        %get3A_903 = tpu.vector_load %arg9[%get3A_901, %get3A_902] {strides = array<i32>} : memref<81x640xf32, #tpu.memory_space<vmem>>, vector<16xf32>,
        %max3A_904 = arith.maximumf %max3A_899, %get3A_903 : vector<16xf32>
        %get3A_905 = arith.constant 44 : i32
        %get3A_906 = arith.index_cast %get3A_905 : i32 to index
        %get3A_907 = arith.index_cast %mul3A_683 : i32 to index
        %get3A_908 = tpu.vector_load %arg9[%get3A_906, %get3A_907] {strides = array<i32>} : memref<81x640xf32, #tpu.memory_space<vmem>>, vector<16xf32>,
        %max3A_909 = arith.maximumf %max3A_904, %get3A_908 : vector<16xf32>
        %get3A_910 = arith.constant 45 : i32
        %get3A_911 = arith.index_cast %get3A_910 : i32 to index
        %get3A_912 = arith.index_cast %mul3A_683 : i32 to index
        %get3A_913 = tpu.vector_load %arg9[%get3A_911, %get3A_912] {strides = array<i32>} : memref<81x640xf32, #tpu.memory_space<vmem>>, vector<16xf32>,
        %max3A_914 = arith.maximumf %max3A_909, %get3A_913 : vector<16xf32>
        %get3A_915 = arith.constant 46 : i32
        %get3A_916 = arith.index_cast %get3A_915 : i32 to index
        %get3A_917 = arith.index_cast %mul3A_683 : i32 to index
        %get3A_918 = tpu.vector_load %arg9[%get3A_916, %get3A_917] {strides = array<i32>} : memref<81x640xf32, #tpu.memory_space<vmem>>, vector<16xf32>,
        %max3A_919 = arith.maximumf %max3A_914, %get3A_918 : vector<16xf32>
        %get3A_920 = arith.constant 47 : i32
        %get3A_921 = arith.index_cast %get3A_920 : i32 to index
        %get3A_922 = arith.index_cast %mul3A_683 : i32 to index
        %get3A_923 = tpu.vector_load %arg9[%get3A_921, %get3A_922] {strides = array<i32>} : memref<81x640xf32, #tpu.memory_space<vmem>>, vector<16xf32>,
        %max3A_924 = arith.maximumf %max3A_919, %get3A_923 : vector<16xf32>
        %get3A_925 = arith.constant 48 : i32
        %get3A_926 = arith.index_cast %get3A_925 : i32 to index
        %get3A_927 = arith.index_cast %mul3A_683 : i32 to index
        %get3A_928 = tpu.vector_load %arg9[%get3A_926, %get3A_927] {strides = array<i32>} : memref<81x640xf32, #tpu.memory_space<vmem>>, vector<16xf32>,
        %max3A_929 = arith.maximumf %max3A_924, %get3A_928 : vector<16xf32>
        %get3A_930 = arith.constant 49 : i32
        %get3A_931 = arith.index_cast %get3A_930 : i32 to index
        %get3A_932 = arith.index_cast %mul3A_683 : i32 to index
        %get3A_933 = tpu.vector_load %arg9[%get3A_931, %get3A_932] {strides = array<i32>} : memref<81x640xf32, #tpu.memory_space<vmem>>, vector<16xf32>,
        %max3A_934 = arith.maximumf %max3A_929, %get3A_933 : vector<16xf32>
        %get3A_935 = arith.constant 50 : i32
        %get3A_936 = arith.index_cast %get3A_935 : i32 to index
        %get3A_937 = arith.index_cast %mul3A_683 : i32 to index
        %get3A_938 = tpu.vector_load %arg9[%get3A_936, %get3A_937] {strides = array<i32>} : memref<81x640xf32, #tpu.memory_space<vmem>>, vector<16xf32>,
        %max3A_939 = arith.maximumf %max3A_934, %get3A_938 : vector<16xf32>
        %get3A_940 = arith.constant 51 : i32
        %get3A_941 = arith.index_cast %get3A_940 : i32 to index
        %get3A_942 = arith.index_cast %mul3A_683 : i32 to index
        %get3A_943 = tpu.vector_load %arg9[%get3A_941, %get3A_942] {strides = array<i32>} : memref<81x640xf32, #tpu.memory_space<vmem>>, vector<16xf32>,
        %max3A_944 = arith.maximumf %max3A_939, %get3A_943 : vector<16xf32>
        %get3A_945 = arith.constant 52 : i32
        %get3A_946 = arith.index_cast %get3A_945 : i32 to index
        %get3A_947 = arith.index_cast %mul3A_683 : i32 to index
        %get3A_948 = tpu.vector_load %arg9[%get3A_946, %get3A_947] {strides = array<i32>} : memref<81x640xf32, #tpu.memory_space<vmem>>, vector<16xf32>,
        %max3A_949 = arith.maximumf %max3A_944, %get3A_948 : vector<16xf32>
        %get3A_950 = arith.constant 53 : i32
        %get3A_951 = arith.index_cast %get3A_950 : i32 to index
        %get3A_952 = arith.index_cast %mul3A_683 : i32 to index
        %get3A_953 = tpu.vector_load %arg9[%get3A_951, %get3A_952] {strides = array<i32>} : memref<81x640xf32, #tpu.memory_space<vmem>>, vector<16xf32>,
        %max3A_954 = arith.maximumf %max3A_949, %get3A_953 : vector<16xf32>
        %get3A_955 = arith.constant 54 : i32
        %get3A_956 = arith.index_cast %get3A_955 : i32 to index
        %get3A_957 = arith.index_cast %mul3A_683 : i32 to index
        %get3A_958 = tpu.vector_load %arg9[%get3A_956, %get3A_957] {strides = array<i32>} : memref<81x640xf32, #tpu.memory_space<vmem>>, vector<16xf32>,
        %max3A_959 = arith.maximumf %max3A_954, %get3A_958 : vector<16xf32>
        %get3A_960 = arith.constant 55 : i32
        %get3A_961 = arith.index_cast %get3A_960 : i32 to index
        %get3A_962 = arith.index_cast %mul3A_683 : i32 to index
        %get3A_963 = tpu.vector_load %arg9[%get3A_961, %get3A_962] {strides = array<i32>} : memref<81x640xf32, #tpu.memory_space<vmem>>, vector<16xf32>,
        %max3A_964 = arith.maximumf %max3A_959, %get3A_963 : vector<16xf32>
        %get3A_965 = arith.constant 56 : i32
        %get3A_966 = arith.index_cast %get3A_965 : i32 to index
        %get3A_967 = arith.index_cast %mul3A_683 : i32 to index
        %get3A_968 = tpu.vector_load %arg9[%get3A_966, %get3A_967] {strides = array<i32>} : memref<81x640xf32, #tpu.memory_space<vmem>>, vector<16xf32>,
        %max3A_969 = arith.maximumf %max3A_964, %get3A_968 : vector<16xf32>
        %get3A_970 = arith.constant 57 : i32
        %get3A_971 = arith.index_cast %get3A_970 : i32 to index
        %get3A_972 = arith.index_cast %mul3A_683 : i32 to index
        %get3A_973 = tpu.vector_load %arg9[%get3A_971, %get3A_972] {strides = array<i32>} : memref<81x640xf32, #tpu.memory_space<vmem>>, vector<16xf32>,
        %max3A_974 = arith.maximumf %max3A_969, %get3A_973 : vector<16xf32>
        %get3A_975 = arith.constant 58 : i32
        %get3A_976 = arith.index_cast %get3A_975 : i32 to index
        %get3A_977 = arith.index_cast %mul3A_683 : i32 to index
        %get3A_978 = tpu.vector_load %arg9[%get3A_976, %get3A_977] {strides = array<i32>} : memref<81x640xf32, #tpu.memory_space<vmem>>, vector<16xf32>,
        %max3A_979 = arith.maximumf %max3A_974, %get3A_978 : vector<16xf32>
        %get3A_980 = arith.constant 59 : i32
        %get3A_981 = arith.index_cast %get3A_980 : i32 to index
        %get3A_982 = arith.index_cast %mul3A_683 : i32 to index
        %get3A_983 = tpu.vector_load %arg9[%get3A_981, %get3A_982] {strides = array<i32>} : memref<81x640xf32, #tpu.memory_space<vmem>>, vector<16xf32>,
        %max3A_984 = arith.maximumf %max3A_979, %get3A_983 : vector<16xf32>
        %get3A_985 = arith.constant 60 : i32
        %get3A_986 = arith.index_cast %get3A_985 : i32 to index
        %get3A_987 = arith.index_cast %mul3A_683 : i32 to index
        %get3A_988 = tpu.vector_load %arg9[%get3A_986, %get3A_987] {strides = array<i32>} : memref<81x640xf32, #tpu.memory_space<vmem>>, vector<16xf32>,
        %max3A_989 = arith.maximumf %max3A_984, %get3A_988 : vector<16xf32>
        %get3A_990 = arith.constant 61 : i32
        %get3A_991 = arith.index_cast %get3A_990 : i32 to index
        %get3A_992 = arith.index_cast %mul3A_683 : i32 to index
        %get3A_993 = tpu.vector_load %arg9[%get3A_991, %get3A_992] {strides = array<i32>} : memref<81x640xf32, #tpu.memory_space<vmem>>, vector<16xf32>,
        %max3A_994 = arith.maximumf %max3A_989, %get3A_993 : vector<16xf32>
        %get3A_995 = arith.constant 62 : i32
        %get3A_996 = arith.index_cast %get3A_995 : i32 to index
        %get3A_997 = arith.index_cast %mul3A_683 : i32 to index
        %get3A_998 = tpu.vector_load %arg9[%get3A_996, %get3A_997] {strides = array<i32>} : memref<81x640xf32, #tpu.memory_space<vmem>>, vector<16xf32>,
        %max3A_999 = arith.maximumf %max3A_994, %get3A_998 : vector<16xf32>
        %get3A_1000 = arith.constant 63 : i32
        %get3A_1001 = arith.index_cast %get3A_1000 : i32 to index
        %get3A_1002 = arith.index_cast %mul3A_683 : i32 to index
        %get3A_1003 = tpu.vector_load %arg9[%get3A_1001, %get3A_1002] {strides = array<i32>} : memref<81x640xf32, #tpu.memory_space<vmem>>, vector<16xf32>,
        %max3A_1004 = arith.maximumf %max3A_999, %get3A_1003 : vector<16xf32>
        %get3A_1005 = arith.constant 64 : i32
        %get3A_1006 = arith.index_cast %get3A_1005 : i32 to index
        %get3A_1007 = arith.index_cast %mul3A_683 : i32 to index
        %get3A_1008 = tpu.vector_load %arg9[%get3A_1006, %get3A_1007] {strides = array<i32>} : memref<81x640xf32, #tpu.memory_space<vmem>>, vector<16xf32>,
        %max3A_1009 = arith.maximumf %max3A_1004, %get3A_1008 : vector<16xf32>
        %get3A_1010 = arith.constant 65 : i32
        %get3A_1011 = arith.index_cast %get3A_1010 : i32 to index
        %get3A_1012 = arith.index_cast %mul3A_683 : i32 to index
        %get3A_1013 = tpu.vector_load %arg9[%get3A_1011, %get3A_1012] {strides = array<i32>} : memref<81x640xf32, #tpu.memory_space<vmem>>, vector<16xf32>,
        %max3A_1014 = arith.maximumf %max3A_1009, %get3A_1013 : vector<16xf32>
        %get3A_1015 = arith.constant 66 : i32
        %get3A_1016 = arith.index_cast %get3A_1015 : i32 to index
        %get3A_1017 = arith.index_cast %mul3A_683 : i32 to index
        %get3A_1018 = tpu.vector_load %arg9[%get3A_1016, %get3A_1017] {strides = array<i32>} : memref<81x640xf32, #tpu.memory_space<vmem>>, vector<16xf32>,
        %max3A_1019 = arith.maximumf %max3A_1014, %get3A_1018 : vector<16xf32>
        %get3A_1020 = arith.constant 67 : i32
        %get3A_1021 = arith.index_cast %get3A_1020 : i32 to index
        %get3A_1022 = arith.index_cast %mul3A_683 : i32 to index
        %get3A_1023 = tpu.vector_load %arg9[%get3A_1021, %get3A_1022] {strides = array<i32>} : memref<81x640xf32, #tpu.memory_space<vmem>>, vector<16xf32>,
        %max3A_1024 = arith.maximumf %max3A_1019, %get3A_1023 : vector<16xf32>
        %get3A_1025 = arith.constant 68 : i32
        %get3A_1026 = arith.index_cast %get3A_1025 : i32 to index
        %get3A_1027 = arith.index_cast %mul3A_683 : i32 to index
        %get3A_1028 = tpu.vector_load %arg9[%get3A_1026, %get3A_1027] {strides = array<i32>} : memref<81x640xf32, #tpu.memory_space<vmem>>, vector<16xf32>,
        %max3A_1029 = arith.maximumf %max3A_1024, %get3A_1028 : vector<16xf32>
        %get3A_1030 = arith.constant 69 : i32
        %get3A_1031 = arith.index_cast %get3A_1030 : i32 to index
        %get3A_1032 = arith.index_cast %mul3A_683 : i32 to index
        %get3A_1033 = tpu.vector_load %arg9[%get3A_1031, %get3A_1032] {strides = array<i32>} : memref<81x640xf32, #tpu.memory_space<vmem>>, vector<16xf32>,
        %max3A_1034 = arith.maximumf %max3A_1029, %get3A_1033 : vector<16xf32>
        %get3A_1035 = arith.constant 70 : i32
        %get3A_1036 = arith.index_cast %get3A_1035 : i32 to index
        %get3A_1037 = arith.index_cast %mul3A_683 : i32 to index
        %get3A_1038 = tpu.vector_load %arg9[%get3A_1036, %get3A_1037] {strides = array<i32>} : memref<81x640xf32, #tpu.memory_space<vmem>>, vector<16xf32>,
        %max3A_1039 = arith.maximumf %max3A_1034, %get3A_1038 : vector<16xf32>
        %get3A_1040 = arith.constant 71 : i32
        %get3A_1041 = arith.index_cast %get3A_1040 : i32 to index
        %get3A_1042 = arith.index_cast %mul3A_683 : i32 to index
        %get3A_1043 = tpu.vector_load %arg9[%get3A_1041, %get3A_1042] {strides = array<i32>} : memref<81x640xf32, #tpu.memory_space<vmem>>, vector<16xf32>,
        %max3A_1044 = arith.maximumf %max3A_1039, %get3A_1043 : vector<16xf32>
        %get3A_1045 = arith.constant 72 : i32
        %get3A_1046 = arith.index_cast %get3A_1045 : i32 to index
        %get3A_1047 = arith.index_cast %mul3A_683 : i32 to index
        %get3A_1048 = tpu.vector_load %arg9[%get3A_1046, %get3A_1047] {strides = array<i32>} : memref<81x640xf32, #tpu.memory_space<vmem>>, vector<16xf32>,
        %max3A_1049 = arith.maximumf %max3A_1044, %get3A_1048 : vector<16xf32>
        %get3A_1050 = arith.constant 73 : i32
        %get3A_1051 = arith.index_cast %get3A_1050 : i32 to index
        %get3A_1052 = arith.index_cast %mul3A_683 : i32 to index
        %get3A_1053 = tpu.vector_load %arg9[%get3A_1051, %get3A_1052] {strides = array<i32>} : memref<81x640xf32, #tpu.memory_space<vmem>>, vector<16xf32>,
        %max3A_1054 = arith.maximumf %max3A_1049, %get3A_1053 : vector<16xf32>
        %get3A_1055 = arith.constant 74 : i32
        %get3A_1056 = arith.index_cast %get3A_1055 : i32 to index
        %get3A_1057 = arith.index_cast %mul3A_683 : i32 to index
        %get3A_1058 = tpu.vector_load %arg9[%get3A_1056, %get3A_1057] {strides = array<i32>} : memref<81x640xf32, #tpu.memory_space<vmem>>, vector<16xf32>,
        %max3A_1059 = arith.maximumf %max3A_1054, %get3A_1058 : vector<16xf32>
        %get3A_1060 = arith.constant 75 : i32
        %get3A_1061 = arith.index_cast %get3A_1060 : i32 to index
        %get3A_1062 = arith.index_cast %mul3A_683 : i32 to index
        %get3A_1063 = tpu.vector_load %arg9[%get3A_1061, %get3A_1062] {strides = array<i32>} : memref<81x640xf32, #tpu.memory_space<vmem>>, vector<16xf32>,
        %max3A_1064 = arith.maximumf %max3A_1059, %get3A_1063 : vector<16xf32>
        %get3A_1065 = arith.constant 76 : i32
        %get3A_1066 = arith.index_cast %get3A_1065 : i32 to index
        %get3A_1067 = arith.index_cast %mul3A_683 : i32 to index
        %get3A_1068 = tpu.vector_load %arg9[%get3A_1066, %get3A_1067] {strides = array<i32>} : memref<81x640xf32, #tpu.memory_space<vmem>>, vector<16xf32>,
        %max3A_1069 = arith.maximumf %max3A_1064, %get3A_1068 : vector<16xf32>
        %get3A_1070 = arith.constant 77 : i32
        %get3A_1071 = arith.index_cast %get3A_1070 : i32 to index
        %get3A_1072 = arith.index_cast %mul3A_683 : i32 to index
        %get3A_1073 = tpu.vector_load %arg9[%get3A_1071, %get3A_1072] {strides = array<i32>} : memref<81x640xf32, #tpu.memory_space<vmem>>, vector<16xf32>,
        %max3A_1074 = arith.maximumf %max3A_1069, %get3A_1073 : vector<16xf32>
        %get3A_1075 = arith.constant 78 : i32
        %get3A_1076 = arith.index_cast %get3A_1075 : i32 to index
        %get3A_1077 = arith.index_cast %mul3A_683 : i32 to index
        %get3A_1078 = tpu.vector_load %arg9[%get3A_1076, %get3A_1077] {strides = array<i32>} : memref<81x640xf32, #tpu.memory_space<vmem>>, vector<16xf32>,
        %max3A_1079 = arith.maximumf %max3A_1074, %get3A_1078 : vector<16xf32>
        %get3A_1080 = arith.constant 80 : i32
        %get3A_1081 = arith.index_cast %get3A_1080 : i32 to index
        %get3A_1082 = arith.index_cast %mul3A_683 : i32 to index
        %get3A_1083 = tpu.vector_load %arg9[%get3A_1081, %get3A_1082] {strides = array<i32>} : memref<81x640xf32, #tpu.memory_space<vmem>>, vector<16xf32>,
        %max3A_1084 = arith.maximumf %max3A_1079, %get3A_1083 : vector<16xf32>
        %add3A_1085 = arith.addi %mul3A_667, %mul3A_683 : i32
        %get3A_1086 = arith.index_cast %add3A_1085 : i32 to index
        %get3A_1087 = tpu.vector_load %arg10[%get3A_1086] {strides = array<i32>} : memref<6400xi32, #tpu.memory_space<vmem>>, vector<16xi32>,
        %add3A_1088 = arith.addi %multiple_of3A, %mul3A_667 : i32
        %add3A_1089 = arith.addi %add3A_1088, %mul3A_683 : i32
        %add3A_1090 = vector.broadcast %add3A_1089 : i32 to vector<16xi32>
        %add3A_1091 = arith.addi %add3A_1090, %iota3A : vector<16xi32>
        %ge3A = vector.broadcast %mul3A_2 : i32 to vector<16xi32>
        %ge3A_1092 = arith.cmpi sge, %add3A_1091, %ge3A : vector<16xi32>
        %add3A_1093 = arith.constant 6250 : i32
        %add3A_1094 = arith.addi %mul3A_2, %add3A_1093 : i32
        %lt3A_1095 = vector.broadcast %add3A_1094 : i32 to vector<16xi32>
        %lt3A_1096 = arith.cmpi slt, %add3A_1091, %lt3A_1095 : vector<16xi32>
        %and3A_1097 = arith.andi %ge3A_1092, %lt3A_1096 : vector<16xi1>
        %ne3A_1098 = arith.constant 80 : i32
        %ne3A_1099 = vector.broadcast %ne3A_1098 : i32 to vector<16xi32>
        %ne3A_1100 = arith.cmpi ne, %get3A_1087, %ne3A_1099 : vector<16xi32>
        %and3A_1101 = arith.andi %ne3A_1100, %and3A_1097 : vector<16xi1>
        %neg3A = arith.constant 0.000000e+00 : f32
        %neg3A_1102 = vector.broadcast %neg3A : f32 to vector<16xf32>
        %neg3A_1103 = arith.subf %neg3A_1102, %max3A_1084 : vector<16xf32>
        %jit3A_1104 = arith.constant 0xFF800000 : f32
        %broadcast_in_dim3A_1105 = vector.broadcast %jit3A_1104 : f32 to vector<16xf32>
        %select_n3A_1106 = arith.select %and3A_1101, %neg3A_1103, %broadcast_in_dim3A_1105 : vector<16xi1>, vector<16xf32>
        %jit3A_1107 = arith.constant 2147483647 : i32
        %broadcast_in_dim3A_1108 = vector.broadcast %jit3A_1107 : i32 to vector<16xi32>
        %select_n3A_1109 = arith.select %and3A_1097, %add3A_1091, %broadcast_in_dim3A_1108 : vector<16xi1>, vector<16xi32>
        %jit3A_1110 = arith.constant 1 : i32
        %jit3A_1111 = arith.constant 0 : i32
        %broadcast_in_dim3A_1112 = vector.broadcast %jit3A_1110 : i32 to vector<16xi32>
        %broadcast_in_dim3A_1113 = vector.broadcast %jit3A_1111 : i32 to vector<16xi32>
        %select_n3A_1114 = arith.select %and3A_1101, %broadcast_in_dim3A_1112, %broadcast_in_dim3A_1113 : vector<16xi1>, vector<16xi32>
        %add3A_1115 = arith.addi %scan3A_681, %select_n3A_1114 : vector<16xi32>
        %gt3A = arith.cmpf ogt, %select_n3A_1106, %scan3A_675 : vector<16xf32>
        %gt3A_1116 = arith.cmpf ogt, %select_n3A_1106, %scan3A_677 : vector<16xf32>
        %gt3A_1117 = arith.cmpf ogt, %select_n3A_1106, %scan3A_679 : vector<16xf32>
        %select_n3A_1118 = arith.select %gt3A_1117, %select_n3A_1106, %scan3A_679 : vector<16xi1>, vector<16xf32>
        %select_n3A_1119 = arith.select %gt3A_1116, %scan3A_677, %select_n3A_1118 : vector<16xi1>, vector<16xf32>
        %select_n3A_1120 = arith.select %gt3A_1117, %select_n3A_1109, %scan3A_680 : vector<16xi1>, vector<16xi32>
        %select_n3A_1121 = arith.select %gt3A_1116, %scan3A_678, %select_n3A_1120 : vector<16xi1>, vector<16xi32>
        %select_n3A_1122 = arith.select %gt3A_1116, %select_n3A_1106, %scan3A_677 : vector<16xi1>, vector<16xf32>
        %select_n3A_1123 = arith.select %gt3A, %scan3A_675, %select_n3A_1122 : vector<16xi1>, vector<16xf32>
        %select_n3A_1124 = arith.select %gt3A_1116, %select_n3A_1109, %scan3A_678 : vector<16xi1>, vector<16xi32>
        %select_n3A_1125 = arith.select %gt3A, %scan3A_676, %select_n3A_1124 : vector<16xi1>, vector<16xi32>
        %select_n3A_1126 = arith.select %gt3A, %select_n3A_1106, %scan3A_675 : vector<16xi1>, vector<16xf32>
        %select_n3A_1127 = arith.select %gt3A, %select_n3A_1109, %scan3A_676 : vector<16xi1>, vector<16xi32>
        scf.yield %select_n3A_1126, %select_n3A_1127, %select_n3A_1123, %select_n3A_1125, %select_n3A_1119, %select_n3A_1121, %add3A_1115 : vector<16xf32>, vector<16xi32>, vector<16xf32>, vector<16xi32>, vector<16xf32>, vector<16xi32>, vector<16xi32>
      }
      %scan3A_673 = arith.constant 40 : i32
      scf.yield %scan3A_672#0, %scan3A_672#1, %scan3A_672#2, %scan3A_672#3, %scan3A_672#4, %scan3A_672#5, %scan3A_672#6 : vector<16xf32>, vector<16xi32>, vector<16xf32>, vector<16xi32>, vector<16xf32>, vector<16xi32>, vector<16xi32>
    }
    %scan3A_26 = arith.constant 5 : i32
    %iota3A_27 = tpu.iota {dimensions = array<i32: 0>} : vector<16xi32>
    %broadcast_in_dim3A_28 = arith.constant 0xFF800000 : f32
    %broadcast_in_dim3A_29 = vector.broadcast %broadcast_in_dim3A_28 : f32 to vector<16xf32>
    %broadcast_in_dim3A_30 = arith.constant 2147483647 : i32
    %broadcast_in_dim3A_31 = vector.broadcast %broadcast_in_dim3A_30 : i32 to vector<16xi32>
    %reduce_max3A = arith.constant true
    %reduce_max3A_32 = vector.broadcast %reduce_max3A : i1 to vector<16xi1>
    %reduce_max3A_33 = tpu.scan <max>, %broadcast_in_dim3A_17 masked %reduce_max3A_32 : vector<16xf32>, vector<16xi1> -> vector<16xf32>
    %reduce_max3A_34 = vector.extract %reduce_max3A_33[15] : f32 from vector<16xf32>
    %reduce_max3A_35 = arith.constant true
    %reduce_max3A_36 = vector.broadcast %reduce_max3A_35 : i1 to vector<16xi1>
    %reduce_max3A_37 = tpu.scan <max>, %scan3A_25#0 masked %reduce_max3A_36 : vector<16xf32>, vector<16xi1> -> vector<16xf32>
    %reduce_max3A_38 = vector.extract %reduce_max3A_37[15] : f32 from vector<16xf32>
    %max3A = arith.maximumf %reduce_max3A_34, %reduce_max3A_38 : f32
    %eq3A_39 = vector.broadcast %max3A : f32 to vector<16xf32>
    %eq3A_40 = arith.cmpf oeq, %broadcast_in_dim3A_17, %eq3A_39 : vector<16xf32>
    %jit3A_41 = arith.constant 2147483647 : i32
    %broadcast_in_dim3A_42 = vector.broadcast %jit3A_41 : i32 to vector<16xi32>
    %select_n3A_43 = arith.select %eq3A_40, %broadcast_in_dim3A_19, %broadcast_in_dim3A_42 : vector<16xi1>, vector<16xi32>
    %reduce_min3A = arith.constant true
    %reduce_min3A_44 = vector.broadcast %reduce_min3A : i1 to vector<16xi1>
    %reduce_min3A_45 = arith.constant -2147483648 : i32
    %reduce_min3A_46 = vector.broadcast %reduce_min3A_45 : i32 to vector<16xi32>
    %reduce_min3A_47 = arith.xori %select_n3A_43, %reduce_min3A_46 : vector<16xi32>
    %reduce_min3A_48 = tpu.scan <min>, %reduce_min3A_47 masked %reduce_min3A_44 : vector<16xi32>, vector<16xi1> -> vector<16xi32>
    %reduce_min3A_49 = arith.xori %reduce_min3A_48, %reduce_min3A_46 : vector<16xi32>
    %reduce_min3A_50 = vector.extract %reduce_min3A_49[15] : i32 from vector<16xi32>
    %eq3A_51 = vector.broadcast %max3A : f32 to vector<16xf32>
    %eq3A_52 = arith.cmpf oeq, %scan3A_25#0, %eq3A_51 : vector<16xf32>
    %jit3A_53 = arith.constant 2147483647 : i32
    %broadcast_in_dim3A_54 = vector.broadcast %jit3A_53 : i32 to vector<16xi32>
    %select_n3A_55 = arith.select %eq3A_52, %scan3A_25#1, %broadcast_in_dim3A_54 : vector<16xi1>, vector<16xi32>
    %reduce_min3A_56 = arith.constant true
    %reduce_min3A_57 = vector.broadcast %reduce_min3A_56 : i1 to vector<16xi1>
    %reduce_min3A_58 = arith.constant -2147483648 : i32
    %reduce_min3A_59 = vector.broadcast %reduce_min3A_58 : i32 to vector<16xi32>
    %reduce_min3A_60 = arith.xori %select_n3A_55, %reduce_min3A_59 : vector<16xi32>
    %reduce_min3A_61 = tpu.scan <min>, %reduce_min3A_60 masked %reduce_min3A_57 : vector<16xi32>, vector<16xi1> -> vector<16xi32>
    %reduce_min3A_62 = arith.xori %reduce_min3A_61, %reduce_min3A_59 : vector<16xi32>
    %reduce_min3A_63 = vector.extract %reduce_min3A_62[15] : i32 from vector<16xi32>
    %min3A = arith.minsi %reduce_min3A_50, %reduce_min3A_63 : i32
    %eq3A_64 = arith.constant 0 : i32
    %eq3A_65 = vector.broadcast %eq3A_64 : i32 to vector<16xi32>
    %eq3A_66 = arith.cmpi eq, %iota3A_27, %eq3A_65 : vector<16xi32>
    %broadcast_in_dim3A_67 = vector.broadcast %max3A : f32 to vector<16xf32>
    %select_n3A_68 = arith.select %eq3A_66, %broadcast_in_dim3A_67, %broadcast_in_dim3A_29 : vector<16xi1>, vector<16xf32>
    %eq3A_69 = arith.constant 0 : i32
    %eq3A_70 = vector.broadcast %eq3A_69 : i32 to vector<16xi32>
    %eq3A_71 = arith.cmpi eq, %iota3A_27, %eq3A_70 : vector<16xi32>
    %broadcast_in_dim3A_72 = vector.broadcast %min3A : i32 to vector<16xi32>
    %select_n3A_73 = arith.select %eq3A_71, %broadcast_in_dim3A_72, %broadcast_in_dim3A_31 : vector<16xi1>, vector<16xi32>
    %eq3A_74 = vector.broadcast %min3A : i32 to vector<16xi32>
    %eq3A_75 = arith.cmpi eq, %broadcast_in_dim3A_19, %eq3A_74 : vector<16xi32>
    %jit3A_76 = arith.constant 0xFF800000 : f32
    %broadcast_in_dim3A_77 = vector.broadcast %jit3A_76 : f32 to vector<16xf32>
    %select_n3A_78 = arith.select %eq3A_75, %broadcast_in_dim3A_77, %broadcast_in_dim3A_17 : vector<16xi1>, vector<16xf32>
    %jit3A_79 = arith.constant 2147483647 : i32
    %broadcast_in_dim3A_80 = vector.broadcast %jit3A_79 : i32 to vector<16xi32>
    %select_n3A_81 = arith.select %eq3A_75, %broadcast_in_dim3A_80, %broadcast_in_dim3A_19 : vector<16xi1>, vector<16xi32>
    %eq3A_82 = vector.broadcast %min3A : i32 to vector<16xi32>
    %eq3A_83 = arith.cmpi eq, %scan3A_25#1, %eq3A_82 : vector<16xi32>
    %jit3A_84 = arith.constant 0xFF800000 : f32
    %broadcast_in_dim3A_85 = vector.broadcast %jit3A_84 : f32 to vector<16xf32>
    %select_n3A_86 = arith.select %eq3A_83, %broadcast_in_dim3A_85, %scan3A_25#0 : vector<16xi1>, vector<16xf32>
    %jit3A_87 = arith.constant 2147483647 : i32
    %broadcast_in_dim3A_88 = vector.broadcast %jit3A_87 : i32 to vector<16xi32>
    %select_n3A_89 = arith.select %eq3A_83, %broadcast_in_dim3A_88, %scan3A_25#1 : vector<16xi1>, vector<16xi32>
    %reduce_max3A_90 = arith.constant true
    %reduce_max3A_91 = vector.broadcast %reduce_max3A_90 : i1 to vector<16xi1>
    %reduce_max3A_92 = tpu.scan <max>, %select_n3A_78 masked %reduce_max3A_91 : vector<16xf32>, vector<16xi1> -> vector<16xf32>
    %reduce_max3A_93 = vector.extract %reduce_max3A_92[15] : f32 from vector<16xf32>
    %reduce_max3A_94 = arith.constant true
    %reduce_max3A_95 = vector.broadcast %reduce_max3A_94 : i1 to vector<16xi1>
    %reduce_max3A_96 = tpu.scan <max>, %select_n3A_86 masked %reduce_max3A_95 : vector<16xf32>, vector<16xi1> -> vector<16xf32>
    %reduce_max3A_97 = vector.extract %reduce_max3A_96[15] : f32 from vector<16xf32>
    %max3A_98 = arith.maximumf %reduce_max3A_93, %reduce_max3A_97 : f32
    %eq3A_99 = vector.broadcast %max3A_98 : f32 to vector<16xf32>
    %eq3A_100 = arith.cmpf oeq, %select_n3A_78, %eq3A_99 : vector<16xf32>
    %jit3A_101 = arith.constant 2147483647 : i32
    %broadcast_in_dim3A_102 = vector.broadcast %jit3A_101 : i32 to vector<16xi32>
    %select_n3A_103 = arith.select %eq3A_100, %select_n3A_81, %broadcast_in_dim3A_102 : vector<16xi1>, vector<16xi32>
    %reduce_min3A_104 = arith.constant true
    %reduce_min3A_105 = vector.broadcast %reduce_min3A_104 : i1 to vector<16xi1>
    %reduce_min3A_106 = arith.constant -2147483648 : i32
    %reduce_min3A_107 = vector.broadcast %reduce_min3A_106 : i32 to vector<16xi32>
    %reduce_min3A_108 = arith.xori %select_n3A_103, %reduce_min3A_107 : vector<16xi32>
    %reduce_min3A_109 = tpu.scan <min>, %reduce_min3A_108 masked %reduce_min3A_105 : vector<16xi32>, vector<16xi1> -> vector<16xi32>
    %reduce_min3A_110 = arith.xori %reduce_min3A_109, %reduce_min3A_107 : vector<16xi32>
    %reduce_min3A_111 = vector.extract %reduce_min3A_110[15] : i32 from vector<16xi32>
    %eq3A_112 = vector.broadcast %max3A_98 : f32 to vector<16xf32>
    %eq3A_113 = arith.cmpf oeq, %select_n3A_86, %eq3A_112 : vector<16xf32>
    %jit3A_114 = arith.constant 2147483647 : i32
    %broadcast_in_dim3A_115 = vector.broadcast %jit3A_114 : i32 to vector<16xi32>
    %select_n3A_116 = arith.select %eq3A_113, %select_n3A_89, %broadcast_in_dim3A_115 : vector<16xi1>, vector<16xi32>
    %reduce_min3A_117 = arith.constant true
    %reduce_min3A_118 = vector.broadcast %reduce_min3A_117 : i1 to vector<16xi1>
    %reduce_min3A_119 = arith.constant -2147483648 : i32
    %reduce_min3A_120 = vector.broadcast %reduce_min3A_119 : i32 to vector<16xi32>
    %reduce_min3A_121 = arith.xori %select_n3A_116, %reduce_min3A_120 : vector<16xi32>
    %reduce_min3A_122 = tpu.scan <min>, %reduce_min3A_121 masked %reduce_min3A_118 : vector<16xi32>, vector<16xi1> -> vector<16xi32>
    %reduce_min3A_123 = arith.xori %reduce_min3A_122, %reduce_min3A_120 : vector<16xi32>
    %reduce_min3A_124 = vector.extract %reduce_min3A_123[15] : i32 from vector<16xi32>
    %min3A_125 = arith.minsi %reduce_min3A_111, %reduce_min3A_124 : i32
    %eq3A_126 = arith.constant 1 : i32
    %eq3A_127 = vector.broadcast %eq3A_126 : i32 to vector<16xi32>
    %eq3A_128 = arith.cmpi eq, %iota3A_27, %eq3A_127 : vector<16xi32>
    %broadcast_in_dim3A_129 = vector.broadcast %max3A_98 : f32 to vector<16xf32>
    %select_n3A_130 = arith.select %eq3A_128, %broadcast_in_dim3A_129, %select_n3A_68 : vector<16xi1>, vector<16xf32>
    %eq3A_131 = arith.constant 1 : i32
    %eq3A_132 = vector.broadcast %eq3A_131 : i32 to vector<16xi32>
    %eq3A_133 = arith.cmpi eq, %iota3A_27, %eq3A_132 : vector<16xi32>
    %broadcast_in_dim3A_134 = vector.broadcast %min3A_125 : i32 to vector<16xi32>
    %select_n3A_135 = arith.select %eq3A_133, %broadcast_in_dim3A_134, %select_n3A_73 : vector<16xi1>, vector<16xi32>
    %eq3A_136 = vector.broadcast %min3A_125 : i32 to vector<16xi32>
    %eq3A_137 = arith.cmpi eq, %select_n3A_81, %eq3A_136 : vector<16xi32>
    %jit3A_138 = arith.constant 0xFF800000 : f32
    %broadcast_in_dim3A_139 = vector.broadcast %jit3A_138 : f32 to vector<16xf32>
    %select_n3A_140 = arith.select %eq3A_137, %broadcast_in_dim3A_139, %select_n3A_78 : vector<16xi1>, vector<16xf32>
    %jit3A_141 = arith.constant 2147483647 : i32
    %broadcast_in_dim3A_142 = vector.broadcast %jit3A_141 : i32 to vector<16xi32>
    %select_n3A_143 = arith.select %eq3A_137, %broadcast_in_dim3A_142, %select_n3A_81 : vector<16xi1>, vector<16xi32>
    %eq3A_144 = vector.broadcast %min3A_125 : i32 to vector<16xi32>
    %eq3A_145 = arith.cmpi eq, %select_n3A_89, %eq3A_144 : vector<16xi32>
    %jit3A_146 = arith.constant 0xFF800000 : f32
    %broadcast_in_dim3A_147 = vector.broadcast %jit3A_146 : f32 to vector<16xf32>
    %select_n3A_148 = arith.select %eq3A_145, %broadcast_in_dim3A_147, %select_n3A_86 : vector<16xi1>, vector<16xf32>
    %jit3A_149 = arith.constant 2147483647 : i32
    %broadcast_in_dim3A_150 = vector.broadcast %jit3A_149 : i32 to vector<16xi32>
    %select_n3A_151 = arith.select %eq3A_145, %broadcast_in_dim3A_150, %select_n3A_89 : vector<16xi1>, vector<16xi32>
    %reduce_max3A_152 = arith.constant true
    %reduce_max3A_153 = vector.broadcast %reduce_max3A_152 : i1 to vector<16xi1>
    %reduce_max3A_154 = tpu.scan <max>, %select_n3A_140 masked %reduce_max3A_153 : vector<16xf32>, vector<16xi1> -> vector<16xf32>
    %reduce_max3A_155 = vector.extract %reduce_max3A_154[15] : f32 from vector<16xf32>
    %reduce_max3A_156 = arith.constant true
    %reduce_max3A_157 = vector.broadcast %reduce_max3A_156 : i1 to vector<16xi1>
    %reduce_max3A_158 = tpu.scan <max>, %select_n3A_148 masked %reduce_max3A_157 : vector<16xf32>, vector<16xi1> -> vector<16xf32>
    %reduce_max3A_159 = vector.extract %reduce_max3A_158[15] : f32 from vector<16xf32>
    %max3A_160 = arith.maximumf %reduce_max3A_155, %reduce_max3A_159 : f32
    %eq3A_161 = vector.broadcast %max3A_160 : f32 to vector<16xf32>
    %eq3A_162 = arith.cmpf oeq, %select_n3A_140, %eq3A_161 : vector<16xf32>
    %jit3A_163 = arith.constant 2147483647 : i32
    %broadcast_in_dim3A_164 = vector.broadcast %jit3A_163 : i32 to vector<16xi32>
    %select_n3A_165 = arith.select %eq3A_162, %select_n3A_143, %broadcast_in_dim3A_164 : vector<16xi1>, vector<16xi32>
    %reduce_min3A_166 = arith.constant true
    %reduce_min3A_167 = vector.broadcast %reduce_min3A_166 : i1 to vector<16xi1>
    %reduce_min3A_168 = arith.constant -2147483648 : i32
    %reduce_min3A_169 = vector.broadcast %reduce_min3A_168 : i32 to vector<16xi32>
    %reduce_min3A_170 = arith.xori %select_n3A_165, %reduce_min3A_169 : vector<16xi32>
    %reduce_min3A_171 = tpu.scan <min>, %reduce_min3A_170 masked %reduce_min3A_167 : vector<16xi32>, vector<16xi1> -> vector<16xi32>
    %reduce_min3A_172 = arith.xori %reduce_min3A_171, %reduce_min3A_169 : vector<16xi32>
    %reduce_min3A_173 = vector.extract %reduce_min3A_172[15] : i32 from vector<16xi32>
    %eq3A_174 = vector.broadcast %max3A_160 : f32 to vector<16xf32>
    %eq3A_175 = arith.cmpf oeq, %select_n3A_148, %eq3A_174 : vector<16xf32>
    %jit3A_176 = arith.constant 2147483647 : i32
    %broadcast_in_dim3A_177 = vector.broadcast %jit3A_176 : i32 to vector<16xi32>
    %select_n3A_178 = arith.select %eq3A_175, %select_n3A_151, %broadcast_in_dim3A_177 : vector<16xi1>, vector<16xi32>
    %reduce_min3A_179 = arith.constant true
    %reduce_min3A_180 = vector.broadcast %reduce_min3A_179 : i1 to vector<16xi1>
    %reduce_min3A_181 = arith.constant -2147483648 : i32
    %reduce_min3A_182 = vector.broadcast %reduce_min3A_181 : i32 to vector<16xi32>
    %reduce_min3A_183 = arith.xori %select_n3A_178, %reduce_min3A_182 : vector<16xi32>
    %reduce_min3A_184 = tpu.scan <min>, %reduce_min3A_183 masked %reduce_min3A_180 : vector<16xi32>, vector<16xi1> -> vector<16xi32>
    %reduce_min3A_185 = arith.xori %reduce_min3A_184, %reduce_min3A_182 : vector<16xi32>
    %reduce_min3A_186 = vector.extract %reduce_min3A_185[15] : i32 from vector<16xi32>
    %min3A_187 = arith.minsi %reduce_min3A_173, %reduce_min3A_186 : i32
    %eq3A_188 = arith.constant 2 : i32
    %eq3A_189 = vector.broadcast %eq3A_188 : i32 to vector<16xi32>
    %eq3A_190 = arith.cmpi eq, %iota3A_27, %eq3A_189 : vector<16xi32>
    %broadcast_in_dim3A_191 = vector.broadcast %max3A_160 : f32 to vector<16xf32>
    %select_n3A_192 = arith.select %eq3A_190, %broadcast_in_dim3A_191, %select_n3A_130 : vector<16xi1>, vector<16xf32>
    %eq3A_193 = arith.constant 2 : i32
    %eq3A_194 = vector.broadcast %eq3A_193 : i32 to vector<16xi32>
    %eq3A_195 = arith.cmpi eq, %iota3A_27, %eq3A_194 : vector<16xi32>
    %broadcast_in_dim3A_196 = vector.broadcast %min3A_187 : i32 to vector<16xi32>
    %select_n3A_197 = arith.select %eq3A_195, %broadcast_in_dim3A_196, %select_n3A_135 : vector<16xi1>, vector<16xi32>
    %eq3A_198 = vector.broadcast %min3A_187 : i32 to vector<16xi32>
    %eq3A_199 = arith.cmpi eq, %select_n3A_143, %eq3A_198 : vector<16xi32>
    %jit3A_200 = arith.constant 0xFF800000 : f32
    %broadcast_in_dim3A_201 = vector.broadcast %jit3A_200 : f32 to vector<16xf32>
    %select_n3A_202 = arith.select %eq3A_199, %broadcast_in_dim3A_201, %select_n3A_140 : vector<16xi1>, vector<16xf32>
    %jit3A_203 = arith.constant 2147483647 : i32
    %broadcast_in_dim3A_204 = vector.broadcast %jit3A_203 : i32 to vector<16xi32>
    %select_n3A_205 = arith.select %eq3A_199, %broadcast_in_dim3A_204, %select_n3A_143 : vector<16xi1>, vector<16xi32>
    %eq3A_206 = vector.broadcast %min3A_187 : i32 to vector<16xi32>
    %eq3A_207 = arith.cmpi eq, %select_n3A_151, %eq3A_206 : vector<16xi32>
    %jit3A_208 = arith.constant 0xFF800000 : f32
    %broadcast_in_dim3A_209 = vector.broadcast %jit3A_208 : f32 to vector<16xf32>
    %select_n3A_210 = arith.select %eq3A_207, %broadcast_in_dim3A_209, %select_n3A_148 : vector<16xi1>, vector<16xf32>
    %jit3A_211 = arith.constant 2147483647 : i32
    %broadcast_in_dim3A_212 = vector.broadcast %jit3A_211 : i32 to vector<16xi32>
    %select_n3A_213 = arith.select %eq3A_207, %broadcast_in_dim3A_212, %select_n3A_151 : vector<16xi1>, vector<16xi32>
    %iota3A_214 = tpu.iota {dimensions = array<i32: 0>} : vector<16xi32>
    %broadcast_in_dim3A_215 = arith.constant 0xFF800000 : f32
    %broadcast_in_dim3A_216 = vector.broadcast %broadcast_in_dim3A_215 : f32 to vector<16xf32>
    %broadcast_in_dim3A_217 = arith.constant 2147483647 : i32
    %broadcast_in_dim3A_218 = vector.broadcast %broadcast_in_dim3A_217 : i32 to vector<16xi32>
    %reduce_max3A_219 = arith.constant true
    %reduce_max3A_220 = vector.broadcast %reduce_max3A_219 : i1 to vector<16xi1>
    %reduce_max3A_221 = tpu.scan <max>, %select_n3A_192 masked %reduce_max3A_220 : vector<16xf32>, vector<16xi1> -> vector<16xf32>
    %reduce_max3A_222 = vector.extract %reduce_max3A_221[15] : f32 from vector<16xf32>
    %reduce_max3A_223 = arith.constant true
    %reduce_max3A_224 = vector.broadcast %reduce_max3A_223 : i1 to vector<16xi1>
    %reduce_max3A_225 = tpu.scan <max>, %scan3A_25#2 masked %reduce_max3A_224 : vector<16xf32>, vector<16xi1> -> vector<16xf32>
    %reduce_max3A_226 = vector.extract %reduce_max3A_225[15] : f32 from vector<16xf32>
    %max3A_227 = arith.maximumf %reduce_max3A_222, %reduce_max3A_226 : f32
    %eq3A_228 = vector.broadcast %max3A_227 : f32 to vector<16xf32>
    %eq3A_229 = arith.cmpf oeq, %select_n3A_192, %eq3A_228 : vector<16xf32>
    %jit3A_230 = arith.constant 2147483647 : i32
    %broadcast_in_dim3A_231 = vector.broadcast %jit3A_230 : i32 to vector<16xi32>
    %select_n3A_232 = arith.select %eq3A_229, %select_n3A_197, %broadcast_in_dim3A_231 : vector<16xi1>, vector<16xi32>
    %reduce_min3A_233 = arith.constant true
    %reduce_min3A_234 = vector.broadcast %reduce_min3A_233 : i1 to vector<16xi1>
    %reduce_min3A_235 = arith.constant -2147483648 : i32
    %reduce_min3A_236 = vector.broadcast %reduce_min3A_235 : i32 to vector<16xi32>
    %reduce_min3A_237 = arith.xori %select_n3A_232, %reduce_min3A_236 : vector<16xi32>
    %reduce_min3A_238 = tpu.scan <min>, %reduce_min3A_237 masked %reduce_min3A_234 : vector<16xi32>, vector<16xi1> -> vector<16xi32>
    %reduce_min3A_239 = arith.xori %reduce_min3A_238, %reduce_min3A_236 : vector<16xi32>
    %reduce_min3A_240 = vector.extract %reduce_min3A_239[15] : i32 from vector<16xi32>
    %eq3A_241 = vector.broadcast %max3A_227 : f32 to vector<16xf32>
    %eq3A_242 = arith.cmpf oeq, %scan3A_25#2, %eq3A_241 : vector<16xf32>
    %jit3A_243 = arith.constant 2147483647 : i32
    %broadcast_in_dim3A_244 = vector.broadcast %jit3A_243 : i32 to vector<16xi32>
    %select_n3A_245 = arith.select %eq3A_242, %scan3A_25#3, %broadcast_in_dim3A_244 : vector<16xi1>, vector<16xi32>
    %reduce_min3A_246 = arith.constant true
    %reduce_min3A_247 = vector.broadcast %reduce_min3A_246 : i1 to vector<16xi1>
    %reduce_min3A_248 = arith.constant -2147483648 : i32
    %reduce_min3A_249 = vector.broadcast %reduce_min3A_248 : i32 to vector<16xi32>
    %reduce_min3A_250 = arith.xori %select_n3A_245, %reduce_min3A_249 : vector<16xi32>
    %reduce_min3A_251 = tpu.scan <min>, %reduce_min3A_250 masked %reduce_min3A_247 : vector<16xi32>, vector<16xi1> -> vector<16xi32>
    %reduce_min3A_252 = arith.xori %reduce_min3A_251, %reduce_min3A_249 : vector<16xi32>
    %reduce_min3A_253 = vector.extract %reduce_min3A_252[15] : i32 from vector<16xi32>
    %min3A_254 = arith.minsi %reduce_min3A_240, %reduce_min3A_253 : i32
    %eq3A_255 = arith.constant 0 : i32
    %eq3A_256 = vector.broadcast %eq3A_255 : i32 to vector<16xi32>
    %eq3A_257 = arith.cmpi eq, %iota3A_214, %eq3A_256 : vector<16xi32>
    %broadcast_in_dim3A_258 = vector.broadcast %max3A_227 : f32 to vector<16xf32>
    %select_n3A_259 = arith.select %eq3A_257, %broadcast_in_dim3A_258, %broadcast_in_dim3A_216 : vector<16xi1>, vector<16xf32>
    %eq3A_260 = arith.constant 0 : i32
    %eq3A_261 = vector.broadcast %eq3A_260 : i32 to vector<16xi32>
    %eq3A_262 = arith.cmpi eq, %iota3A_214, %eq3A_261 : vector<16xi32>
    %broadcast_in_dim3A_263 = vector.broadcast %min3A_254 : i32 to vector<16xi32>
    %select_n3A_264 = arith.select %eq3A_262, %broadcast_in_dim3A_263, %broadcast_in_dim3A_218 : vector<16xi1>, vector<16xi32>
    %eq3A_265 = vector.broadcast %min3A_254 : i32 to vector<16xi32>
    %eq3A_266 = arith.cmpi eq, %select_n3A_197, %eq3A_265 : vector<16xi32>
    %jit3A_267 = arith.constant 0xFF800000 : f32
    %broadcast_in_dim3A_268 = vector.broadcast %jit3A_267 : f32 to vector<16xf32>
    %select_n3A_269 = arith.select %eq3A_266, %broadcast_in_dim3A_268, %select_n3A_192 : vector<16xi1>, vector<16xf32>
    %jit3A_270 = arith.constant 2147483647 : i32
    %broadcast_in_dim3A_271 = vector.broadcast %jit3A_270 : i32 to vector<16xi32>
    %select_n3A_272 = arith.select %eq3A_266, %broadcast_in_dim3A_271, %select_n3A_197 : vector<16xi1>, vector<16xi32>
    %eq3A_273 = vector.broadcast %min3A_254 : i32 to vector<16xi32>
    %eq3A_274 = arith.cmpi eq, %scan3A_25#3, %eq3A_273 : vector<16xi32>
    %jit3A_275 = arith.constant 0xFF800000 : f32
    %broadcast_in_dim3A_276 = vector.broadcast %jit3A_275 : f32 to vector<16xf32>
    %select_n3A_277 = arith.select %eq3A_274, %broadcast_in_dim3A_276, %scan3A_25#2 : vector<16xi1>, vector<16xf32>
    %jit3A_278 = arith.constant 2147483647 : i32
    %broadcast_in_dim3A_279 = vector.broadcast %jit3A_278 : i32 to vector<16xi32>
    %select_n3A_280 = arith.select %eq3A_274, %broadcast_in_dim3A_279, %scan3A_25#3 : vector<16xi1>, vector<16xi32>
    %reduce_max3A_281 = arith.constant true
    %reduce_max3A_282 = vector.broadcast %reduce_max3A_281 : i1 to vector<16xi1>
    %reduce_max3A_283 = tpu.scan <max>, %select_n3A_269 masked %reduce_max3A_282 : vector<16xf32>, vector<16xi1> -> vector<16xf32>
    %reduce_max3A_284 = vector.extract %reduce_max3A_283[15] : f32 from vector<16xf32>
    %reduce_max3A_285 = arith.constant true
    %reduce_max3A_286 = vector.broadcast %reduce_max3A_285 : i1 to vector<16xi1>
    %reduce_max3A_287 = tpu.scan <max>, %select_n3A_277 masked %reduce_max3A_286 : vector<16xf32>, vector<16xi1> -> vector<16xf32>
    %reduce_max3A_288 = vector.extract %reduce_max3A_287[15] : f32 from vector<16xf32>
    %max3A_289 = arith.maximumf %reduce_max3A_284, %reduce_max3A_288 : f32
    %eq3A_290 = vector.broadcast %max3A_289 : f32 to vector<16xf32>
    %eq3A_291 = arith.cmpf oeq, %select_n3A_269, %eq3A_290 : vector<16xf32>
    %jit3A_292 = arith.constant 2147483647 : i32
    %broadcast_in_dim3A_293 = vector.broadcast %jit3A_292 : i32 to vector<16xi32>
    %select_n3A_294 = arith.select %eq3A_291, %select_n3A_272, %broadcast_in_dim3A_293 : vector<16xi1>, vector<16xi32>
    %reduce_min3A_295 = arith.constant true
    %reduce_min3A_296 = vector.broadcast %reduce_min3A_295 : i1 to vector<16xi1>
    %reduce_min3A_297 = arith.constant -2147483648 : i32
    %reduce_min3A_298 = vector.broadcast %reduce_min3A_297 : i32 to vector<16xi32>
    %reduce_min3A_299 = arith.xori %select_n3A_294, %reduce_min3A_298 : vector<16xi32>
    %reduce_min3A_300 = tpu.scan <min>, %reduce_min3A_299 masked %reduce_min3A_296 : vector<16xi32>, vector<16xi1> -> vector<16xi32>
    %reduce_min3A_301 = arith.xori %reduce_min3A_300, %reduce_min3A_298 : vector<16xi32>
    %reduce_min3A_302 = vector.extract %reduce_min3A_301[15] : i32 from vector<16xi32>
    %eq3A_303 = vector.broadcast %max3A_289 : f32 to vector<16xf32>
    %eq3A_304 = arith.cmpf oeq, %select_n3A_277, %eq3A_303 : vector<16xf32>
    %jit3A_305 = arith.constant 2147483647 : i32
    %broadcast_in_dim3A_306 = vector.broadcast %jit3A_305 : i32 to vector<16xi32>
    %select_n3A_307 = arith.select %eq3A_304, %select_n3A_280, %broadcast_in_dim3A_306 : vector<16xi1>, vector<16xi32>
    %reduce_min3A_308 = arith.constant true
    %reduce_min3A_309 = vector.broadcast %reduce_min3A_308 : i1 to vector<16xi1>
    %reduce_min3A_310 = arith.constant -2147483648 : i32
    %reduce_min3A_311 = vector.broadcast %reduce_min3A_310 : i32 to vector<16xi32>
    %reduce_min3A_312 = arith.xori %select_n3A_307, %reduce_min3A_311 : vector<16xi32>
    %reduce_min3A_313 = tpu.scan <min>, %reduce_min3A_312 masked %reduce_min3A_309 : vector<16xi32>, vector<16xi1> -> vector<16xi32>
    %reduce_min3A_314 = arith.xori %reduce_min3A_313, %reduce_min3A_311 : vector<16xi32>
    %reduce_min3A_315 = vector.extract %reduce_min3A_314[15] : i32 from vector<16xi32>
    %min3A_316 = arith.minsi %reduce_min3A_302, %reduce_min3A_315 : i32
    %eq3A_317 = arith.constant 1 : i32
    %eq3A_318 = vector.broadcast %eq3A_317 : i32 to vector<16xi32>
    %eq3A_319 = arith.cmpi eq, %iota3A_214, %eq3A_318 : vector<16xi32>
    %broadcast_in_dim3A_320 = vector.broadcast %max3A_289 : f32 to vector<16xf32>
    %select_n3A_321 = arith.select %eq3A_319, %broadcast_in_dim3A_320, %select_n3A_259 : vector<16xi1>, vector<16xf32>
    %eq3A_322 = arith.constant 1 : i32
    %eq3A_323 = vector.broadcast %eq3A_322 : i32 to vector<16xi32>
    %eq3A_324 = arith.cmpi eq, %iota3A_214, %eq3A_323 : vector<16xi32>
    %broadcast_in_dim3A_325 = vector.broadcast %min3A_316 : i32 to vector<16xi32>
    %select_n3A_326 = arith.select %eq3A_324, %broadcast_in_dim3A_325, %select_n3A_264 : vector<16xi1>, vector<16xi32>
    %eq3A_327 = vector.broadcast %min3A_316 : i32 to vector<16xi32>
    %eq3A_328 = arith.cmpi eq, %select_n3A_272, %eq3A_327 : vector<16xi32>
    %jit3A_329 = arith.constant 0xFF800000 : f32
    %broadcast_in_dim3A_330 = vector.broadcast %jit3A_329 : f32 to vector<16xf32>
    %select_n3A_331 = arith.select %eq3A_328, %broadcast_in_dim3A_330, %select_n3A_269 : vector<16xi1>, vector<16xf32>
    %jit3A_332 = arith.constant 2147483647 : i32
    %broadcast_in_dim3A_333 = vector.broadcast %jit3A_332 : i32 to vector<16xi32>
    %select_n3A_334 = arith.select %eq3A_328, %broadcast_in_dim3A_333, %select_n3A_272 : vector<16xi1>, vector<16xi32>
    %eq3A_335 = vector.broadcast %min3A_316 : i32 to vector<16xi32>
    %eq3A_336 = arith.cmpi eq, %select_n3A_280, %eq3A_335 : vector<16xi32>
    %jit3A_337 = arith.constant 0xFF800000 : f32
    %broadcast_in_dim3A_338 = vector.broadcast %jit3A_337 : f32 to vector<16xf32>
    %select_n3A_339 = arith.select %eq3A_336, %broadcast_in_dim3A_338, %select_n3A_277 : vector<16xi1>, vector<16xf32>
    %jit3A_340 = arith.constant 2147483647 : i32
    %broadcast_in_dim3A_341 = vector.broadcast %jit3A_340 : i32 to vector<16xi32>
    %select_n3A_342 = arith.select %eq3A_336, %broadcast_in_dim3A_341, %select_n3A_280 : vector<16xi1>, vector<16xi32>
    %reduce_max3A_343 = arith.constant true
    %reduce_max3A_344 = vector.broadcast %reduce_max3A_343 : i1 to vector<16xi1>
    %reduce_max3A_345 = tpu.scan <max>, %select_n3A_331 masked %reduce_max3A_344 : vector<16xf32>, vector<16xi1> -> vector<16xf32>
    %reduce_max3A_346 = vector.extract %reduce_max3A_345[15] : f32 from vector<16xf32>
    %reduce_max3A_347 = arith.constant true
    %reduce_max3A_348 = vector.broadcast %reduce_max3A_347 : i1 to vector<16xi1>
    %reduce_max3A_349 = tpu.scan <max>, %select_n3A_339 masked %reduce_max3A_348 : vector<16xf32>, vector<16xi1> -> vector<16xf32>
    %reduce_max3A_350 = vector.extract %reduce_max3A_349[15] : f32 from vector<16xf32>
    %max3A_351 = arith.maximumf %reduce_max3A_346, %reduce_max3A_350 : f32
    %eq3A_352 = vector.broadcast %max3A_351 : f32 to vector<16xf32>
    %eq3A_353 = arith.cmpf oeq, %select_n3A_331, %eq3A_352 : vector<16xf32>
    %jit3A_354 = arith.constant 2147483647 : i32
    %broadcast_in_dim3A_355 = vector.broadcast %jit3A_354 : i32 to vector<16xi32>
    %select_n3A_356 = arith.select %eq3A_353, %select_n3A_334, %broadcast_in_dim3A_355 : vector<16xi1>, vector<16xi32>
    %reduce_min3A_357 = arith.constant true
    %reduce_min3A_358 = vector.broadcast %reduce_min3A_357 : i1 to vector<16xi1>
    %reduce_min3A_359 = arith.constant -2147483648 : i32
    %reduce_min3A_360 = vector.broadcast %reduce_min3A_359 : i32 to vector<16xi32>
    %reduce_min3A_361 = arith.xori %select_n3A_356, %reduce_min3A_360 : vector<16xi32>
    %reduce_min3A_362 = tpu.scan <min>, %reduce_min3A_361 masked %reduce_min3A_358 : vector<16xi32>, vector<16xi1> -> vector<16xi32>
    %reduce_min3A_363 = arith.xori %reduce_min3A_362, %reduce_min3A_360 : vector<16xi32>
    %reduce_min3A_364 = vector.extract %reduce_min3A_363[15] : i32 from vector<16xi32>
    %eq3A_365 = vector.broadcast %max3A_351 : f32 to vector<16xf32>
    %eq3A_366 = arith.cmpf oeq, %select_n3A_339, %eq3A_365 : vector<16xf32>
    %jit3A_367 = arith.constant 2147483647 : i32
    %broadcast_in_dim3A_368 = vector.broadcast %jit3A_367 : i32 to vector<16xi32>
    %select_n3A_369 = arith.select %eq3A_366, %select_n3A_342, %broadcast_in_dim3A_368 : vector<16xi1>, vector<16xi32>
    %reduce_min3A_370 = arith.constant true
    %reduce_min3A_371 = vector.broadcast %reduce_min3A_370 : i1 to vector<16xi1>
    %reduce_min3A_372 = arith.constant -2147483648 : i32
    %reduce_min3A_373 = vector.broadcast %reduce_min3A_372 : i32 to vector<16xi32>
    %reduce_min3A_374 = arith.xori %select_n3A_369, %reduce_min3A_373 : vector<16xi32>
    %reduce_min3A_375 = tpu.scan <min>, %reduce_min3A_374 masked %reduce_min3A_371 : vector<16xi32>, vector<16xi1> -> vector<16xi32>
    %reduce_min3A_376 = arith.xori %reduce_min3A_375, %reduce_min3A_373 : vector<16xi32>
    %reduce_min3A_377 = vector.extract %reduce_min3A_376[15] : i32 from vector<16xi32>
    %min3A_378 = arith.minsi %reduce_min3A_364, %reduce_min3A_377 : i32
    %eq3A_379 = arith.constant 2 : i32
    %eq3A_380 = vector.broadcast %eq3A_379 : i32 to vector<16xi32>
    %eq3A_381 = arith.cmpi eq, %iota3A_214, %eq3A_380 : vector<16xi32>
    %broadcast_in_dim3A_382 = vector.broadcast %max3A_351 : f32 to vector<16xf32>
    %select_n3A_383 = arith.select %eq3A_381, %broadcast_in_dim3A_382, %select_n3A_321 : vector<16xi1>, vector<16xf32>
    %eq3A_384 = arith.constant 2 : i32
    %eq3A_385 = vector.broadcast %eq3A_384 : i32 to vector<16xi32>
    %eq3A_386 = arith.cmpi eq, %iota3A_214, %eq3A_385 : vector<16xi32>
    %broadcast_in_dim3A_387 = vector.broadcast %min3A_378 : i32 to vector<16xi32>
    %select_n3A_388 = arith.select %eq3A_386, %broadcast_in_dim3A_387, %select_n3A_326 : vector<16xi1>, vector<16xi32>
    %eq3A_389 = vector.broadcast %min3A_378 : i32 to vector<16xi32>
    %eq3A_390 = arith.cmpi eq, %select_n3A_334, %eq3A_389 : vector<16xi32>
    %jit3A_391 = arith.constant 0xFF800000 : f32
    %broadcast_in_dim3A_392 = vector.broadcast %jit3A_391 : f32 to vector<16xf32>
    %select_n3A_393 = arith.select %eq3A_390, %broadcast_in_dim3A_392, %select_n3A_331 : vector<16xi1>, vector<16xf32>
    %jit3A_394 = arith.constant 2147483647 : i32
    %broadcast_in_dim3A_395 = vector.broadcast %jit3A_394 : i32 to vector<16xi32>
    %select_n3A_396 = arith.select %eq3A_390, %broadcast_in_dim3A_395, %select_n3A_334 : vector<16xi1>, vector<16xi32>
    %eq3A_397 = vector.broadcast %min3A_378 : i32 to vector<16xi32>
    %eq3A_398 = arith.cmpi eq, %select_n3A_342, %eq3A_397 : vector<16xi32>
    %jit3A_399 = arith.constant 0xFF800000 : f32
    %broadcast_in_dim3A_400 = vector.broadcast %jit3A_399 : f32 to vector<16xf32>
    %select_n3A_401 = arith.select %eq3A_398, %broadcast_in_dim3A_400, %select_n3A_339 : vector<16xi1>, vector<16xf32>
    %jit3A_402 = arith.constant 2147483647 : i32
    %broadcast_in_dim3A_403 = vector.broadcast %jit3A_402 : i32 to vector<16xi32>
    %select_n3A_404 = arith.select %eq3A_398, %broadcast_in_dim3A_403, %select_n3A_342 : vector<16xi1>, vector<16xi32>
    %iota3A_405 = tpu.iota {dimensions = array<i32: 0>} : vector<16xi32>
    %broadcast_in_dim3A_406 = arith.constant 0xFF800000 : f32
    %broadcast_in_dim3A_407 = vector.broadcast %broadcast_in_dim3A_406 : f32 to vector<16xf32>
    %broadcast_in_dim3A_408 = arith.constant 2147483647 : i32
    %broadcast_in_dim3A_409 = vector.broadcast %broadcast_in_dim3A_408 : i32 to vector<16xi32>
    %reduce_max3A_410 = arith.constant true
    %reduce_max3A_411 = vector.broadcast %reduce_max3A_410 : i1 to vector<16xi1>
    %reduce_max3A_412 = tpu.scan <max>, %select_n3A_383 masked %reduce_max3A_411 : vector<16xf32>, vector<16xi1> -> vector<16xf32>
    %reduce_max3A_413 = vector.extract %reduce_max3A_412[15] : f32 from vector<16xf32>
    %reduce_max3A_414 = arith.constant true
    %reduce_max3A_415 = vector.broadcast %reduce_max3A_414 : i1 to vector<16xi1>
    %reduce_max3A_416 = tpu.scan <max>, %scan3A_25#4 masked %reduce_max3A_415 : vector<16xf32>, vector<16xi1> -> vector<16xf32>
    %reduce_max3A_417 = vector.extract %reduce_max3A_416[15] : f32 from vector<16xf32>
    %max3A_418 = arith.maximumf %reduce_max3A_413, %reduce_max3A_417 : f32
    %eq3A_419 = vector.broadcast %max3A_418 : f32 to vector<16xf32>
    %eq3A_420 = arith.cmpf oeq, %select_n3A_383, %eq3A_419 : vector<16xf32>
    %jit3A_421 = arith.constant 2147483647 : i32
    %broadcast_in_dim3A_422 = vector.broadcast %jit3A_421 : i32 to vector<16xi32>
    %select_n3A_423 = arith.select %eq3A_420, %select_n3A_388, %broadcast_in_dim3A_422 : vector<16xi1>, vector<16xi32>
    %reduce_min3A_424 = arith.constant true
    %reduce_min3A_425 = vector.broadcast %reduce_min3A_424 : i1 to vector<16xi1>
    %reduce_min3A_426 = arith.constant -2147483648 : i32
    %reduce_min3A_427 = vector.broadcast %reduce_min3A_426 : i32 to vector<16xi32>
    %reduce_min3A_428 = arith.xori %select_n3A_423, %reduce_min3A_427 : vector<16xi32>
    %reduce_min3A_429 = tpu.scan <min>, %reduce_min3A_428 masked %reduce_min3A_425 : vector<16xi32>, vector<16xi1> -> vector<16xi32>
    %reduce_min3A_430 = arith.xori %reduce_min3A_429, %reduce_min3A_427 : vector<16xi32>
    %reduce_min3A_431 = vector.extract %reduce_min3A_430[15] : i32 from vector<16xi32>
    %eq3A_432 = vector.broadcast %max3A_418 : f32 to vector<16xf32>
    %eq3A_433 = arith.cmpf oeq, %scan3A_25#4, %eq3A_432 : vector<16xf32>
    %jit3A_434 = arith.constant 2147483647 : i32
    %broadcast_in_dim3A_435 = vector.broadcast %jit3A_434 : i32 to vector<16xi32>
    %select_n3A_436 = arith.select %eq3A_433, %scan3A_25#5, %broadcast_in_dim3A_435 : vector<16xi1>, vector<16xi32>
    %reduce_min3A_437 = arith.constant true
    %reduce_min3A_438 = vector.broadcast %reduce_min3A_437 : i1 to vector<16xi1>
    %reduce_min3A_439 = arith.constant -2147483648 : i32
    %reduce_min3A_440 = vector.broadcast %reduce_min3A_439 : i32 to vector<16xi32>
    %reduce_min3A_441 = arith.xori %select_n3A_436, %reduce_min3A_440 : vector<16xi32>
    %reduce_min3A_442 = tpu.scan <min>, %reduce_min3A_441 masked %reduce_min3A_438 : vector<16xi32>, vector<16xi1> -> vector<16xi32>
    %reduce_min3A_443 = arith.xori %reduce_min3A_442, %reduce_min3A_440 : vector<16xi32>
    %reduce_min3A_444 = vector.extract %reduce_min3A_443[15] : i32 from vector<16xi32>
    %min3A_445 = arith.minsi %reduce_min3A_431, %reduce_min3A_444 : i32
    %eq3A_446 = arith.constant 0 : i32
    %eq3A_447 = vector.broadcast %eq3A_446 : i32 to vector<16xi32>
    %eq3A_448 = arith.cmpi eq, %iota3A_405, %eq3A_447 : vector<16xi32>
    %broadcast_in_dim3A_449 = vector.broadcast %max3A_418 : f32 to vector<16xf32>
    %select_n3A_450 = arith.select %eq3A_448, %broadcast_in_dim3A_449, %broadcast_in_dim3A_407 : vector<16xi1>, vector<16xf32>
    %eq3A_451 = arith.constant 0 : i32
    %eq3A_452 = vector.broadcast %eq3A_451 : i32 to vector<16xi32>
    %eq3A_453 = arith.cmpi eq, %iota3A_405, %eq3A_452 : vector<16xi32>
    %broadcast_in_dim3A_454 = vector.broadcast %min3A_445 : i32 to vector<16xi32>
    %select_n3A_455 = arith.select %eq3A_453, %broadcast_in_dim3A_454, %broadcast_in_dim3A_409 : vector<16xi1>, vector<16xi32>
    %eq3A_456 = vector.broadcast %min3A_445 : i32 to vector<16xi32>
    %eq3A_457 = arith.cmpi eq, %select_n3A_388, %eq3A_456 : vector<16xi32>
    %jit3A_458 = arith.constant 0xFF800000 : f32
    %broadcast_in_dim3A_459 = vector.broadcast %jit3A_458 : f32 to vector<16xf32>
    %select_n3A_460 = arith.select %eq3A_457, %broadcast_in_dim3A_459, %select_n3A_383 : vector<16xi1>, vector<16xf32>
    %jit3A_461 = arith.constant 2147483647 : i32
    %broadcast_in_dim3A_462 = vector.broadcast %jit3A_461 : i32 to vector<16xi32>
    %select_n3A_463 = arith.select %eq3A_457, %broadcast_in_dim3A_462, %select_n3A_388 : vector<16xi1>, vector<16xi32>
    %eq3A_464 = vector.broadcast %min3A_445 : i32 to vector<16xi32>
    %eq3A_465 = arith.cmpi eq, %scan3A_25#5, %eq3A_464 : vector<16xi32>
    %jit3A_466 = arith.constant 0xFF800000 : f32
    %broadcast_in_dim3A_467 = vector.broadcast %jit3A_466 : f32 to vector<16xf32>
    %select_n3A_468 = arith.select %eq3A_465, %broadcast_in_dim3A_467, %scan3A_25#4 : vector<16xi1>, vector<16xf32>
    %jit3A_469 = arith.constant 2147483647 : i32
    %broadcast_in_dim3A_470 = vector.broadcast %jit3A_469 : i32 to vector<16xi32>
    %select_n3A_471 = arith.select %eq3A_465, %broadcast_in_dim3A_470, %scan3A_25#5 : vector<16xi1>, vector<16xi32>
    %reduce_max3A_472 = arith.constant true
    %reduce_max3A_473 = vector.broadcast %reduce_max3A_472 : i1 to vector<16xi1>
    %reduce_max3A_474 = tpu.scan <max>, %select_n3A_460 masked %reduce_max3A_473 : vector<16xf32>, vector<16xi1> -> vector<16xf32>
    %reduce_max3A_475 = vector.extract %reduce_max3A_474[15] : f32 from vector<16xf32>
    %reduce_max3A_476 = arith.constant true
    %reduce_max3A_477 = vector.broadcast %reduce_max3A_476 : i1 to vector<16xi1>
    %reduce_max3A_478 = tpu.scan <max>, %select_n3A_468 masked %reduce_max3A_477 : vector<16xf32>, vector<16xi1> -> vector<16xf32>
    %reduce_max3A_479 = vector.extract %reduce_max3A_478[15] : f32 from vector<16xf32>
    %max3A_480 = arith.maximumf %reduce_max3A_475, %reduce_max3A_479 : f32
    %eq3A_481 = vector.broadcast %max3A_480 : f32 to vector<16xf32>
    %eq3A_482 = arith.cmpf oeq, %select_n3A_460, %eq3A_481 : vector<16xf32>
    %jit3A_483 = arith.constant 2147483647 : i32
    %broadcast_in_dim3A_484 = vector.broadcast %jit3A_483 : i32 to vector<16xi32>
    %select_n3A_485 = arith.select %eq3A_482, %select_n3A_463, %broadcast_in_dim3A_484 : vector<16xi1>, vector<16xi32>
    %reduce_min3A_486 = arith.constant true
    %reduce_min3A_487 = vector.broadcast %reduce_min3A_486 : i1 to vector<16xi1>
    %reduce_min3A_488 = arith.constant -2147483648 : i32
    %reduce_min3A_489 = vector.broadcast %reduce_min3A_488 : i32 to vector<16xi32>
    %reduce_min3A_490 = arith.xori %select_n3A_485, %reduce_min3A_489 : vector<16xi32>
    %reduce_min3A_491 = tpu.scan <min>, %reduce_min3A_490 masked %reduce_min3A_487 : vector<16xi32>, vector<16xi1> -> vector<16xi32>
    %reduce_min3A_492 = arith.xori %reduce_min3A_491, %reduce_min3A_489 : vector<16xi32>
    %reduce_min3A_493 = vector.extract %reduce_min3A_492[15] : i32 from vector<16xi32>
    %eq3A_494 = vector.broadcast %max3A_480 : f32 to vector<16xf32>
    %eq3A_495 = arith.cmpf oeq, %select_n3A_468, %eq3A_494 : vector<16xf32>
    %jit3A_496 = arith.constant 2147483647 : i32
    %broadcast_in_dim3A_497 = vector.broadcast %jit3A_496 : i32 to vector<16xi32>
    %select_n3A_498 = arith.select %eq3A_495, %select_n3A_471, %broadcast_in_dim3A_497 : vector<16xi1>, vector<16xi32>
    %reduce_min3A_499 = arith.constant true
    %reduce_min3A_500 = vector.broadcast %reduce_min3A_499 : i1 to vector<16xi1>
    %reduce_min3A_501 = arith.constant -2147483648 : i32
    %reduce_min3A_502 = vector.broadcast %reduce_min3A_501 : i32 to vector<16xi32>
    %reduce_min3A_503 = arith.xori %select_n3A_498, %reduce_min3A_502 : vector<16xi32>
    %reduce_min3A_504 = tpu.scan <min>, %reduce_min3A_503 masked %reduce_min3A_500 : vector<16xi32>, vector<16xi1> -> vector<16xi32>
    %reduce_min3A_505 = arith.xori %reduce_min3A_504, %reduce_min3A_502 : vector<16xi32>
    %reduce_min3A_506 = vector.extract %reduce_min3A_505[15] : i32 from vector<16xi32>
    %min3A_507 = arith.minsi %reduce_min3A_493, %reduce_min3A_506 : i32
    %eq3A_508 = arith.constant 1 : i32
    %eq3A_509 = vector.broadcast %eq3A_508 : i32 to vector<16xi32>
    %eq3A_510 = arith.cmpi eq, %iota3A_405, %eq3A_509 : vector<16xi32>
    %broadcast_in_dim3A_511 = vector.broadcast %max3A_480 : f32 to vector<16xf32>
    %select_n3A_512 = arith.select %eq3A_510, %broadcast_in_dim3A_511, %select_n3A_450 : vector<16xi1>, vector<16xf32>
    %eq3A_513 = arith.constant 1 : i32
    %eq3A_514 = vector.broadcast %eq3A_513 : i32 to vector<16xi32>
    %eq3A_515 = arith.cmpi eq, %iota3A_405, %eq3A_514 : vector<16xi32>
    %broadcast_in_dim3A_516 = vector.broadcast %min3A_507 : i32 to vector<16xi32>
    %select_n3A_517 = arith.select %eq3A_515, %broadcast_in_dim3A_516, %select_n3A_455 : vector<16xi1>, vector<16xi32>
    %eq3A_518 = vector.broadcast %min3A_507 : i32 to vector<16xi32>
    %eq3A_519 = arith.cmpi eq, %select_n3A_463, %eq3A_518 : vector<16xi32>
    %jit3A_520 = arith.constant 0xFF800000 : f32
    %broadcast_in_dim3A_521 = vector.broadcast %jit3A_520 : f32 to vector<16xf32>
    %select_n3A_522 = arith.select %eq3A_519, %broadcast_in_dim3A_521, %select_n3A_460 : vector<16xi1>, vector<16xf32>
    %jit3A_523 = arith.constant 2147483647 : i32
    %broadcast_in_dim3A_524 = vector.broadcast %jit3A_523 : i32 to vector<16xi32>
    %select_n3A_525 = arith.select %eq3A_519, %broadcast_in_dim3A_524, %select_n3A_463 : vector<16xi1>, vector<16xi32>
    %eq3A_526 = vector.broadcast %min3A_507 : i32 to vector<16xi32>
    %eq3A_527 = arith.cmpi eq, %select_n3A_471, %eq3A_526 : vector<16xi32>
    %jit3A_528 = arith.constant 0xFF800000 : f32
    %broadcast_in_dim3A_529 = vector.broadcast %jit3A_528 : f32 to vector<16xf32>
    %select_n3A_530 = arith.select %eq3A_527, %broadcast_in_dim3A_529, %select_n3A_468 : vector<16xi1>, vector<16xf32>
    %jit3A_531 = arith.constant 2147483647 : i32
    %broadcast_in_dim3A_532 = vector.broadcast %jit3A_531 : i32 to vector<16xi32>
    %select_n3A_533 = arith.select %eq3A_527, %broadcast_in_dim3A_532, %select_n3A_471 : vector<16xi1>, vector<16xi32>
    %reduce_max3A_534 = arith.constant true
    %reduce_max3A_535 = vector.broadcast %reduce_max3A_534 : i1 to vector<16xi1>
    %reduce_max3A_536 = tpu.scan <max>, %select_n3A_522 masked %reduce_max3A_535 : vector<16xf32>, vector<16xi1> -> vector<16xf32>
    %reduce_max3A_537 = vector.extract %reduce_max3A_536[15] : f32 from vector<16xf32>
    %reduce_max3A_538 = arith.constant true
    %reduce_max3A_539 = vector.broadcast %reduce_max3A_538 : i1 to vector<16xi1>
    %reduce_max3A_540 = tpu.scan <max>, %select_n3A_530 masked %reduce_max3A_539 : vector<16xf32>, vector<16xi1> -> vector<16xf32>
    %reduce_max3A_541 = vector.extract %reduce_max3A_540[15] : f32 from vector<16xf32>
    %max3A_542 = arith.maximumf %reduce_max3A_537, %reduce_max3A_541 : f32
    %eq3A_543 = vector.broadcast %max3A_542 : f32 to vector<16xf32>
    %eq3A_544 = arith.cmpf oeq, %select_n3A_522, %eq3A_543 : vector<16xf32>
    %jit3A_545 = arith.constant 2147483647 : i32
    %broadcast_in_dim3A_546 = vector.broadcast %jit3A_545 : i32 to vector<16xi32>
    %select_n3A_547 = arith.select %eq3A_544, %select_n3A_525, %broadcast_in_dim3A_546 : vector<16xi1>, vector<16xi32>
    %reduce_min3A_548 = arith.constant true
    %reduce_min3A_549 = vector.broadcast %reduce_min3A_548 : i1 to vector<16xi1>
    %reduce_min3A_550 = arith.constant -2147483648 : i32
    %reduce_min3A_551 = vector.broadcast %reduce_min3A_550 : i32 to vector<16xi32>
    %reduce_min3A_552 = arith.xori %select_n3A_547, %reduce_min3A_551 : vector<16xi32>
    %reduce_min3A_553 = tpu.scan <min>, %reduce_min3A_552 masked %reduce_min3A_549 : vector<16xi32>, vector<16xi1> -> vector<16xi32>
    %reduce_min3A_554 = arith.xori %reduce_min3A_553, %reduce_min3A_551 : vector<16xi32>
    %reduce_min3A_555 = vector.extract %reduce_min3A_554[15] : i32 from vector<16xi32>
    %eq3A_556 = vector.broadcast %max3A_542 : f32 to vector<16xf32>
    %eq3A_557 = arith.cmpf oeq, %select_n3A_530, %eq3A_556 : vector<16xf32>
    %jit3A_558 = arith.constant 2147483647 : i32
    %broadcast_in_dim3A_559 = vector.broadcast %jit3A_558 : i32 to vector<16xi32>
    %select_n3A_560 = arith.select %eq3A_557, %select_n3A_533, %broadcast_in_dim3A_559 : vector<16xi1>, vector<16xi32>
    %reduce_min3A_561 = arith.constant true
    %reduce_min3A_562 = vector.broadcast %reduce_min3A_561 : i1 to vector<16xi1>
    %reduce_min3A_563 = arith.constant -2147483648 : i32
    %reduce_min3A_564 = vector.broadcast %reduce_min3A_563 : i32 to vector<16xi32>
    %reduce_min3A_565 = arith.xori %select_n3A_560, %reduce_min3A_564 : vector<16xi32>
    %reduce_min3A_566 = tpu.scan <min>, %reduce_min3A_565 masked %reduce_min3A_562 : vector<16xi32>, vector<16xi1> -> vector<16xi32>
    %reduce_min3A_567 = arith.xori %reduce_min3A_566, %reduce_min3A_564 : vector<16xi32>
    %reduce_min3A_568 = vector.extract %reduce_min3A_567[15] : i32 from vector<16xi32>
    %min3A_569 = arith.minsi %reduce_min3A_555, %reduce_min3A_568 : i32
    %eq3A_570 = arith.constant 2 : i32
    %eq3A_571 = vector.broadcast %eq3A_570 : i32 to vector<16xi32>
    %eq3A_572 = arith.cmpi eq, %iota3A_405, %eq3A_571 : vector<16xi32>
    %broadcast_in_dim3A_573 = vector.broadcast %max3A_542 : f32 to vector<16xf32>
    %select_n3A_574 = arith.select %eq3A_572, %broadcast_in_dim3A_573, %select_n3A_512 : vector<16xi1>, vector<16xf32>
    %eq3A_575 = arith.constant 2 : i32
    %eq3A_576 = vector.broadcast %eq3A_575 : i32 to vector<16xi32>
    %eq3A_577 = arith.cmpi eq, %iota3A_405, %eq3A_576 : vector<16xi32>
    %broadcast_in_dim3A_578 = vector.broadcast %min3A_569 : i32 to vector<16xi32>
    %select_n3A_579 = arith.select %eq3A_577, %broadcast_in_dim3A_578, %select_n3A_517 : vector<16xi1>, vector<16xi32>
    %eq3A_580 = vector.broadcast %min3A_569 : i32 to vector<16xi32>
    %eq3A_581 = arith.cmpi eq, %select_n3A_525, %eq3A_580 : vector<16xi32>
    %jit3A_582 = arith.constant 0xFF800000 : f32
    %broadcast_in_dim3A_583 = vector.broadcast %jit3A_582 : f32 to vector<16xf32>
    %select_n3A_584 = arith.select %eq3A_581, %broadcast_in_dim3A_583, %select_n3A_522 : vector<16xi1>, vector<16xf32>
    %jit3A_585 = arith.constant 2147483647 : i32
    %broadcast_in_dim3A_586 = vector.broadcast %jit3A_585 : i32 to vector<16xi32>
    %select_n3A_587 = arith.select %eq3A_581, %broadcast_in_dim3A_586, %select_n3A_525 : vector<16xi1>, vector<16xi32>
    %eq3A_588 = vector.broadcast %min3A_569 : i32 to vector<16xi32>
    %eq3A_589 = arith.cmpi eq, %select_n3A_533, %eq3A_588 : vector<16xi32>
    %jit3A_590 = arith.constant 0xFF800000 : f32
    %broadcast_in_dim3A_591 = vector.broadcast %jit3A_590 : f32 to vector<16xf32>
    %select_n3A_592 = arith.select %eq3A_589, %broadcast_in_dim3A_591, %select_n3A_530 : vector<16xi1>, vector<16xf32>
    %jit3A_593 = arith.constant 2147483647 : i32
    %broadcast_in_dim3A_594 = vector.broadcast %jit3A_593 : i32 to vector<16xi32>
    %select_n3A_595 = arith.select %eq3A_589, %broadcast_in_dim3A_594, %select_n3A_533 : vector<16xi1>, vector<16xi32>
    %sub3A_596 = vector.broadcast %multiple_of3A : i32 to vector<16xi32>
    %sub3A_597 = arith.subi %select_n3A_579, %sub3A_596 : vector<16xi32>
    %jit3A_598 = arith.constant 0 : i32
    %jit3A_599 = arith.constant 6399 : i32
    %max3A_600 = vector.broadcast %jit3A_598 : i32 to vector<16xi32>
    %max3A_601 = arith.maxsi %max3A_600, %sub3A_597 : vector<16xi32>
    %min3A_602 = vector.broadcast %jit3A_599 : i32 to vector<16xi32>
    %min3A_603 = arith.minsi %min3A_602, %max3A_601 : vector<16xi32>
    %gather3A = tpu.vector_load_idx %arg10[%min3A_603] : memref<6400xi32, #tpu.memory_space<vmem>>[vector<16xi32>], vector<16xi32>,
    %swap3A = arith.constant 0 : index
    %swap3A_604 = tpu.vector_load %arg11[%swap3A] {strides = array<i32>} : memref<16xf32, #tpu.memory_space<vmem>>, vector<16xf32>,
    tpu.vector_store %arg11[%swap3A], %select_n3A_574 {strides = array<i32>} : memref<16xf32, #tpu.memory_space<vmem>>, vector<16xf32>,
    %swap3A_605 = arith.constant 0 : index
    %swap3A_606 = tpu.vector_load %arg12[%swap3A_605] {strides = array<i32>} : memref<16xi32, #tpu.memory_space<vmem>>, vector<16xi32>,
    tpu.vector_store %arg12[%swap3A_605], %select_n3A_579 {strides = array<i32>} : memref<16xi32, #tpu.memory_space<vmem>>, vector<16xi32>,
    %swap3A_607 = arith.constant 0 : index
    %swap3A_608 = tpu.vector_load %arg13[%swap3A_607] {strides = array<i32>} : memref<16xi32, #tpu.memory_space<vmem>>, vector<16xi32>,
    tpu.vector_store %arg13[%swap3A_607], %gather3A {strides = array<i32>} : memref<16xi32, #tpu.memory_space<vmem>>, vector<16xi32>,
    %swap3A_609 = arith.constant 0 : index
    %swap3A_610 = tpu.vector_load %arg14[%swap3A_609] {strides = array<i32>} : memref<16xi32, #tpu.memory_space<vmem>>, vector<16xi32>,
    tpu.vector_store %arg14[%swap3A_609], %scan3A_25#6 {strides = array<i32>} : memref<16xi32, #tpu.memory_space<vmem>>, vector<16xi32>,
    %mul3A_611 = arith.constant 16 : i32
    %mul3A_612 = arith.muli %add3A, %mul3A_611 : i32
    "tpu.region"() ({
      %run_scoped3A = tpu.sem_alloc : memref<!tpu.dma_semaphore, #tpu.memory_space<semaphore_mem>>
      %dma_start3A_619 = tpu.memref_slice %arg4[%mul3A_612] : memref<512xf32, #tpu.memory_space<hbm>> -> memref<16xf32, #tpu.memory_space<hbm>>
      %dma_start3A_620 = tpu.memref_slice %arg4[%mul3A_612] : memref<512xf32, #tpu.memory_space<hbm>> -> memref<16xf32, #tpu.memory_space<hbm>>
      tpu.enqueue_dma source(%arg11 : memref<16xf32, #tpu.memory_space<vmem>>) target(%dma_start3A_620 : memref<16xf32, #tpu.memory_space<hbm>>) target_semaphore(%run_scoped3A : memref<!tpu.dma_semaphore, #tpu.memory_space<semaphore_mem>>)
      %dma_wait3A = tpu.memref_slice %arg4[%mul3A_612] : memref<512xf32, #tpu.memory_space<hbm>> -> memref<16xf32, #tpu.memory_space<hbm>>
      %dma_wait3A_621 = tpu.memref_slice %arg4[%mul3A_612] : memref<512xf32, #tpu.memory_space<hbm>> -> memref<16xf32, #tpu.memory_space<hbm>>
      tpu.wait_dma2 semaphore(%run_scoped3A : memref<!tpu.dma_semaphore, #tpu.memory_space<semaphore_mem>>) src(%arg11 : memref<16xf32, #tpu.memory_space<vmem>>) dst(%dma_wait3A_621 : memref<16xf32, #tpu.memory_space<hbm>>)
      tpu.yield
    }) : () -> ()
    %mul3A_613 = arith.constant 16 : i32
    %mul3A_614 = arith.muli %add3A, %mul3A_613 : i32
    "tpu.region"() ({
      %run_scoped3A = tpu.sem_alloc : memref<!tpu.dma_semaphore, #tpu.memory_space<semaphore_mem>>
      %dma_start3A_619 = tpu.memref_slice %arg5[%mul3A_614] : memref<512xi32, #tpu.memory_space<hbm>> -> memref<16xi32, #tpu.memory_space<hbm>>
      %dma_start3A_620 = tpu.memref_slice %arg5[%mul3A_614] : memref<512xi32, #tpu.memory_space<hbm>> -> memref<16xi32, #tpu.memory_space<hbm>>
      tpu.enqueue_dma source(%arg12 : memref<16xi32, #tpu.memory_space<vmem>>) target(%dma_start3A_620 : memref<16xi32, #tpu.memory_space<hbm>>) target_semaphore(%run_scoped3A : memref<!tpu.dma_semaphore, #tpu.memory_space<semaphore_mem>>)
      %dma_wait3A = tpu.memref_slice %arg5[%mul3A_614] : memref<512xi32, #tpu.memory_space<hbm>> -> memref<16xi32, #tpu.memory_space<hbm>>
      %dma_wait3A_621 = tpu.memref_slice %arg5[%mul3A_614] : memref<512xi32, #tpu.memory_space<hbm>> -> memref<16xi32, #tpu.memory_space<hbm>>
      tpu.wait_dma2 semaphore(%run_scoped3A : memref<!tpu.dma_semaphore, #tpu.memory_space<semaphore_mem>>) src(%arg12 : memref<16xi32, #tpu.memory_space<vmem>>) dst(%dma_wait3A_621 : memref<16xi32, #tpu.memory_space<hbm>>)
      tpu.yield
    }) : () -> ()
    %mul3A_615 = arith.constant 16 : i32
    %mul3A_616 = arith.muli %add3A, %mul3A_615 : i32
    "tpu.region"() ({
      %run_scoped3A = tpu.sem_alloc : memref<!tpu.dma_semaphore, #tpu.memory_space<semaphore_mem>>
      %dma_start3A_619 = tpu.memref_slice %arg6[%mul3A_616] : memref<512xi32, #tpu.memory_space<hbm>> -> memref<16xi32, #tpu.memory_space<hbm>>
      %dma_start3A_620 = tpu.memref_slice %arg6[%mul3A_616] : memref<512xi32, #tpu.memory_space<hbm>> -> memref<16xi32, #tpu.memory_space<hbm>>
      tpu.enqueue_dma source(%arg13 : memref<16xi32, #tpu.memory_space<vmem>>) target(%dma_start3A_620 : memref<16xi32, #tpu.memory_space<hbm>>) target_semaphore(%run_scoped3A : memref<!tpu.dma_semaphore, #tpu.memory_space<semaphore_mem>>)
      %dma_wait3A = tpu.memref_slice %arg6[%mul3A_616] : memref<512xi32, #tpu.memory_space<hbm>> -> memref<16xi32, #tpu.memory_space<hbm>>
      %dma_wait3A_621 = tpu.memref_slice %arg6[%mul3A_616] : memref<512xi32, #tpu.memory_space<hbm>> -> memref<16xi32, #tpu.memory_space<hbm>>
      tpu.wait_dma2 semaphore(%run_scoped3A : memref<!tpu.dma_semaphore, #tpu.memory_space<semaphore_mem>>) src(%arg13 : memref<16xi32, #tpu.memory_space<vmem>>) dst(%dma_wait3A_621 : memref<16xi32, #tpu.memory_space<hbm>>)
      tpu.yield
    }) : () -> ()
    %mul3A_617 = arith.constant 16 : i32
    %mul3A_618 = arith.muli %add3A, %mul3A_617 : i32
    "tpu.region"() ({
      %run_scoped3A = tpu.sem_alloc : memref<!tpu.dma_semaphore, #tpu.memory_space<semaphore_mem>>
      %dma_start3A_619 = tpu.memref_slice %arg7[%mul3A_618] : memref<512xi32, #tpu.memory_space<hbm>> -> memref<16xi32, #tpu.memory_space<hbm>>
      %dma_start3A_620 = tpu.memref_slice %arg7[%mul3A_618] : memref<512xi32, #tpu.memory_space<hbm>> -> memref<16xi32, #tpu.memory_space<hbm>>
      tpu.enqueue_dma source(%arg14 : memref<16xi32, #tpu.memory_space<vmem>>) target(%dma_start3A_620 : memref<16xi32, #tpu.memory_space<hbm>>) target_semaphore(%run_scoped3A : memref<!tpu.dma_semaphore, #tpu.memory_space<semaphore_mem>>)
      %dma_wait3A = tpu.memref_slice %arg7[%mul3A_618] : memref<512xi32, #tpu.memory_space<hbm>> -> memref<16xi32, #tpu.memory_space<hbm>>
      %dma_wait3A_621 = tpu.memref_slice %arg7[%mul3A_618] : memref<512xi32, #tpu.memory_space<hbm>> -> memref<16xi32, #tpu.memory_space<hbm>>
      tpu.wait_dma2 semaphore(%run_scoped3A : memref<!tpu.dma_semaphore, #tpu.memory_space<semaphore_mem>>) src(%arg14 : memref<16xi32, #tpu.memory_space<vmem>>) dst(%dma_wait3A_621 : memref<16xi32, #tpu.memory_space<hbm>>)
      tpu.yield
    }) : () -> ()
    return
  }
}

module attributes {stable_mosaic.version = 14 : i64} {
  func.func @_phase2_body(%arg0: memref<512xf32, #tpu.memory_space<vmem>>, %arg1: memref<512xi32, #tpu.memory_space<vmem>>, %arg2: memref<512xi32, #tpu.memory_space<vmem>>, %arg3: memref<512xi32, #tpu.memory_space<vmem>>, %arg4: memref<81x200000xf32, #tpu.memory_space<any>>, %arg5: memref<1x1xf32, #tpu.memory_space<smem>>, %arg6: memref<81x128xf32, #tpu.memory_space<vmem>>, %arg7: memref<81x128xf32, #tpu.memory_space<vmem>>, %arg8: memref<81x128xf32, #tpu.memory_space<vmem>>, %arg9: memref<!tpu.dma_semaphore, #tpu.memory_space<semaphore_mem>>) attributes {dimension_semantics = [], scalar_prefetch = 0 : i64, scratch_operands = 4 : i64, tpu.core_type = #tpu.core_type<tc>} {
    %get3A = arith.constant 0 : index
    %get3A_0 = vector.load %arg0[%get3A] : memref<512xf32, #tpu.memory_space<vmem>>, vector<512xf32>
    %get3A_1 = arith.constant 0 : index
    %get3A_2 = vector.load %arg1[%get3A_1] : memref<512xi32, #tpu.memory_space<vmem>>, vector<512xi32>
    %get3A_3 = arith.constant 0 : index
    %get3A_4 = vector.load %arg2[%get3A_3] : memref<512xi32, #tpu.memory_space<vmem>>, vector<512xi32>
    %get3A_5 = arith.constant 0 : index
    %get3A_6 = vector.load %arg3[%get3A_5] : memref<512xi32, #tpu.memory_space<vmem>>, vector<512xi32>
    %reduce_sum3A = vector.shape_cast %get3A_6 : vector<512xi32> to vector<1x512xi32>
    %reduce_sum3A_7 = arith.constant dense<0> : vector<1xi32>
    %reduce_sum3A_8 = vector.multi_reduction <add>, %reduce_sum3A, %reduce_sum3A_7 [1] : vector<1x512xi32> to vector<1xi32>
    %reduce_sum3A_9 = vector.shape_cast %reduce_sum3A_8 : vector<1xi32> to vector<1x1xi32>
    %reduce_sum3A_10 = vector.extract %reduce_sum3A_9[0, 0] : i32 from vector<1x1xi32>
    %reduce_max3A = vector.shape_cast %get3A_0 : vector<512xf32> to vector<1x512xf32>
    %reduce_max3A_11 = arith.constant dense<0xFF800000> : vector<1xf32>
    %reduce_max3A_12 = vector.multi_reduction <maximumf>, %reduce_max3A, %reduce_max3A_11 [1] : vector<1x512xf32> to vector<1xf32>
    %reduce_max3A_13 = vector.shape_cast %reduce_max3A_12 : vector<1xf32> to vector<1x1xf32>
    %reduce_max3A_14 = vector.extract %reduce_max3A_13[0, 0] : f32 from vector<1x1xf32>
    %eq3A = vector.broadcast %reduce_max3A_14 : f32 to vector<512xf32>
    %eq3A_15 = arith.cmpf oeq, %get3A_0, %eq3A : vector<512xf32>
    %jit3A = arith.constant 2147483647 : i32
    %broadcast_in_dim3A = vector.broadcast %jit3A : i32 to vector<512xi32>
    %select_n3A = arith.select %eq3A_15, %get3A_2, %broadcast_in_dim3A : vector<512xi1>, vector<512xi32>
    %reduce_min3A = vector.shape_cast %select_n3A : vector<512xi32> to vector<1x512xi32>
    %reduce_min3A_16 = arith.constant dense<2147483647> : vector<1xi32>
    %reduce_min3A_17 = vector.multi_reduction <minsi>, %reduce_min3A, %reduce_min3A_16 [1] : vector<1x512xi32> to vector<1xi32>
    %reduce_min3A_18 = vector.shape_cast %reduce_min3A_17 : vector<1xi32> to vector<1x1xi32>
    %reduce_min3A_19 = vector.extract %reduce_min3A_18[0, 0] : i32 from vector<1x1xi32>
    %eq3A_20 = vector.broadcast %reduce_min3A_19 : i32 to vector<512xi32>
    %eq3A_21 = arith.cmpi eq, %get3A_2, %eq3A_20 : vector<512xi32>
    %jit3A_22 = arith.constant 2147483647 : i32
    %broadcast_in_dim3A_23 = vector.broadcast %jit3A_22 : i32 to vector<512xi32>
    %select_n3A_24 = arith.select %eq3A_21, %get3A_4, %broadcast_in_dim3A_23 : vector<512xi1>, vector<512xi32>
    %reduce_min3A_25 = vector.shape_cast %select_n3A_24 : vector<512xi32> to vector<1x512xi32>
    %reduce_min3A_26 = arith.constant dense<2147483647> : vector<1xi32>
    %reduce_min3A_27 = vector.multi_reduction <minsi>, %reduce_min3A_25, %reduce_min3A_26 [1] : vector<1x512xi32> to vector<1xi32>
    %reduce_min3A_28 = vector.shape_cast %reduce_min3A_27 : vector<1xi32> to vector<1x1xi32>
    %reduce_min3A_29 = vector.extract %reduce_min3A_28[0, 0] : i32 from vector<1x1xi32>
    %eq3A_30 = vector.broadcast %reduce_min3A_19 : i32 to vector<512xi32>
    %eq3A_31 = arith.cmpi eq, %get3A_2, %eq3A_30 : vector<512xi32>
    %jit3A_32 = arith.constant 0xFF800000 : f32
    %broadcast_in_dim3A_33 = vector.broadcast %jit3A_32 : f32 to vector<512xf32>
    %select_n3A_34 = arith.select %eq3A_31, %broadcast_in_dim3A_33, %get3A_0 : vector<512xi1>, vector<512xf32>
    %jit3A_35 = arith.constant 2147483647 : i32
    %broadcast_in_dim3A_36 = vector.broadcast %jit3A_35 : i32 to vector<512xi32>
    %select_n3A_37 = arith.select %eq3A_31, %broadcast_in_dim3A_36, %get3A_2 : vector<512xi1>, vector<512xi32>
    %reduce_max3A_38 = vector.shape_cast %select_n3A_34 : vector<512xf32> to vector<1x512xf32>
    %reduce_max3A_39 = arith.constant dense<0xFF800000> : vector<1xf32>
    %reduce_max3A_40 = vector.multi_reduction <maximumf>, %reduce_max3A_38, %reduce_max3A_39 [1] : vector<1x512xf32> to vector<1xf32>
    %reduce_max3A_41 = vector.shape_cast %reduce_max3A_40 : vector<1xf32> to vector<1x1xf32>
    %reduce_max3A_42 = vector.extract %reduce_max3A_41[0, 0] : f32 from vector<1x1xf32>
    %eq3A_43 = vector.broadcast %reduce_max3A_42 : f32 to vector<512xf32>
    %eq3A_44 = arith.cmpf oeq, %select_n3A_34, %eq3A_43 : vector<512xf32>
    %jit3A_45 = arith.constant 2147483647 : i32
    %broadcast_in_dim3A_46 = vector.broadcast %jit3A_45 : i32 to vector<512xi32>
    %select_n3A_47 = arith.select %eq3A_44, %select_n3A_37, %broadcast_in_dim3A_46 : vector<512xi1>, vector<512xi32>
    %reduce_min3A_48 = vector.shape_cast %select_n3A_47 : vector<512xi32> to vector<1x512xi32>
    %reduce_min3A_49 = arith.constant dense<2147483647> : vector<1xi32>
    %reduce_min3A_50 = vector.multi_reduction <minsi>, %reduce_min3A_48, %reduce_min3A_49 [1] : vector<1x512xi32> to vector<1xi32>
    %reduce_min3A_51 = vector.shape_cast %reduce_min3A_50 : vector<1xi32> to vector<1x1xi32>
    %reduce_min3A_52 = vector.extract %reduce_min3A_51[0, 0] : i32 from vector<1x1xi32>
    %eq3A_53 = vector.broadcast %reduce_min3A_52 : i32 to vector<512xi32>
    %eq3A_54 = arith.cmpi eq, %select_n3A_37, %eq3A_53 : vector<512xi32>
    %jit3A_55 = arith.constant 2147483647 : i32
    %broadcast_in_dim3A_56 = vector.broadcast %jit3A_55 : i32 to vector<512xi32>
    %select_n3A_57 = arith.select %eq3A_54, %get3A_4, %broadcast_in_dim3A_56 : vector<512xi1>, vector<512xi32>
    %reduce_min3A_58 = vector.shape_cast %select_n3A_57 : vector<512xi32> to vector<1x512xi32>
    %reduce_min3A_59 = arith.constant dense<2147483647> : vector<1xi32>
    %reduce_min3A_60 = vector.multi_reduction <minsi>, %reduce_min3A_58, %reduce_min3A_59 [1] : vector<1x512xi32> to vector<1xi32>
    %reduce_min3A_61 = vector.shape_cast %reduce_min3A_60 : vector<1xi32> to vector<1x1xi32>
    %reduce_min3A_62 = vector.extract %reduce_min3A_61[0, 0] : i32 from vector<1x1xi32>
    %eq3A_63 = vector.broadcast %reduce_min3A_52 : i32 to vector<512xi32>
    %eq3A_64 = arith.cmpi eq, %select_n3A_37, %eq3A_63 : vector<512xi32>
    %jit3A_65 = arith.constant 0xFF800000 : f32
    %broadcast_in_dim3A_66 = vector.broadcast %jit3A_65 : f32 to vector<512xf32>
    %select_n3A_67 = arith.select %eq3A_64, %broadcast_in_dim3A_66, %select_n3A_34 : vector<512xi1>, vector<512xf32>
    %jit3A_68 = arith.constant 2147483647 : i32
    %broadcast_in_dim3A_69 = vector.broadcast %jit3A_68 : i32 to vector<512xi32>
    %select_n3A_70 = arith.select %eq3A_64, %broadcast_in_dim3A_69, %select_n3A_37 : vector<512xi1>, vector<512xi32>
    %reduce_max3A_71 = vector.shape_cast %select_n3A_67 : vector<512xf32> to vector<1x512xf32>
    %reduce_max3A_72 = arith.constant dense<0xFF800000> : vector<1xf32>
    %reduce_max3A_73 = vector.multi_reduction <maximumf>, %reduce_max3A_71, %reduce_max3A_72 [1] : vector<1x512xf32> to vector<1xf32>
    %reduce_max3A_74 = vector.shape_cast %reduce_max3A_73 : vector<1xf32> to vector<1x1xf32>
    %reduce_max3A_75 = vector.extract %reduce_max3A_74[0, 0] : f32 from vector<1x1xf32>
    %eq3A_76 = vector.broadcast %reduce_max3A_75 : f32 to vector<512xf32>
    %eq3A_77 = arith.cmpf oeq, %select_n3A_67, %eq3A_76 : vector<512xf32>
    %jit3A_78 = arith.constant 2147483647 : i32
    %broadcast_in_dim3A_79 = vector.broadcast %jit3A_78 : i32 to vector<512xi32>
    %select_n3A_80 = arith.select %eq3A_77, %select_n3A_70, %broadcast_in_dim3A_79 : vector<512xi1>, vector<512xi32>
    %reduce_min3A_81 = vector.shape_cast %select_n3A_80 : vector<512xi32> to vector<1x512xi32>
    %reduce_min3A_82 = arith.constant dense<2147483647> : vector<1xi32>
    %reduce_min3A_83 = vector.multi_reduction <minsi>, %reduce_min3A_81, %reduce_min3A_82 [1] : vector<1x512xi32> to vector<1xi32>
    %reduce_min3A_84 = vector.shape_cast %reduce_min3A_83 : vector<1xi32> to vector<1x1xi32>
    %reduce_min3A_85 = vector.extract %reduce_min3A_84[0, 0] : i32 from vector<1x1xi32>
    %eq3A_86 = vector.broadcast %reduce_min3A_85 : i32 to vector<512xi32>
    %eq3A_87 = arith.cmpi eq, %select_n3A_70, %eq3A_86 : vector<512xi32>
    %jit3A_88 = arith.constant 2147483647 : i32
    %broadcast_in_dim3A_89 = vector.broadcast %jit3A_88 : i32 to vector<512xi32>
    %select_n3A_90 = arith.select %eq3A_87, %get3A_4, %broadcast_in_dim3A_89 : vector<512xi1>, vector<512xi32>
    %reduce_min3A_91 = vector.shape_cast %select_n3A_90 : vector<512xi32> to vector<1x512xi32>
    %reduce_min3A_92 = arith.constant dense<2147483647> : vector<1xi32>
    %reduce_min3A_93 = vector.multi_reduction <minsi>, %reduce_min3A_91, %reduce_min3A_92 [1] : vector<1x512xi32> to vector<1xi32>
    %reduce_min3A_94 = vector.shape_cast %reduce_min3A_93 : vector<1xi32> to vector<1x1xi32>
    %reduce_min3A_95 = vector.extract %reduce_min3A_94[0, 0] : i32 from vector<1x1xi32>
    %rem3A = arith.constant 128 : i32
    %rem3A_96 = arith.remsi %reduce_min3A_19, %rem3A : i32
    %sub3A = arith.subi %reduce_min3A_19, %rem3A_96 : i32
    %multiple_of3A = tpu.assume_multiple %sub3A, 128 : i32
    %dma_start3A = arith.constant 0 : i32
    %dma_start3A_97 = tpu.memref_slice %arg4[%dma_start3A, %multiple_of3A] : memref<81x200000xf32, #tpu.memory_space<any>> -> memref<81x128xf32, #tpu.memory_space<any>>
    tpu.enqueue_dma source(%dma_start3A_97 : memref<81x128xf32, #tpu.memory_space<any>>) target(%arg6 : memref<81x128xf32, #tpu.memory_space<vmem>>) target_semaphore(%arg9 : memref<!tpu.dma_semaphore, #tpu.memory_space<semaphore_mem>>)
    %rem3A_98 = arith.constant 128 : i32
    %rem3A_99 = arith.remsi %reduce_min3A_52, %rem3A_98 : i32
    %sub3A_100 = arith.subi %reduce_min3A_52, %rem3A_99 : i32
    %multiple_of3A_101 = tpu.assume_multiple %sub3A_100, 128 : i32
    %dma_start3A_102 = arith.constant 0 : i32
    %dma_start3A_103 = tpu.memref_slice %arg4[%dma_start3A_102, %multiple_of3A_101] : memref<81x200000xf32, #tpu.memory_space<any>> -> memref<81x128xf32, #tpu.memory_space<any>>
    tpu.enqueue_dma source(%dma_start3A_103 : memref<81x128xf32, #tpu.memory_space<any>>) target(%arg7 : memref<81x128xf32, #tpu.memory_space<vmem>>) target_semaphore(%arg9 : memref<!tpu.dma_semaphore, #tpu.memory_space<semaphore_mem>>)
    %rem3A_104 = arith.constant 128 : i32
    %rem3A_105 = arith.remsi %reduce_min3A_85, %rem3A_104 : i32
    %sub3A_106 = arith.subi %reduce_min3A_85, %rem3A_105 : i32
    %multiple_of3A_107 = tpu.assume_multiple %sub3A_106, 128 : i32
    %dma_start3A_108 = arith.constant 0 : i32
    %dma_start3A_109 = tpu.memref_slice %arg4[%dma_start3A_108, %multiple_of3A_107] : memref<81x200000xf32, #tpu.memory_space<any>> -> memref<81x128xf32, #tpu.memory_space<any>>
    tpu.enqueue_dma source(%dma_start3A_109 : memref<81x128xf32, #tpu.memory_space<any>>) target(%arg8 : memref<81x128xf32, #tpu.memory_space<vmem>>) target_semaphore(%arg9 : memref<!tpu.dma_semaphore, #tpu.memory_space<semaphore_mem>>)
    %dma_wait3A = arith.constant 0 : i32
    %dma_wait3A_110 = tpu.memref_slice %arg4[%dma_wait3A, %multiple_of3A] : memref<81x200000xf32, #tpu.memory_space<any>> -> memref<81x128xf32, #tpu.memory_space<any>>
    tpu.wait_dma2 semaphore(%arg9 : memref<!tpu.dma_semaphore, #tpu.memory_space<semaphore_mem>>) src(%dma_wait3A_110 : memref<81x128xf32, #tpu.memory_space<any>>) dst(%arg6 : memref<81x128xf32, #tpu.memory_space<vmem>>)
    %dma_wait3A_111 = arith.constant 0 : i32
    %dma_wait3A_112 = tpu.memref_slice %arg4[%dma_wait3A_111, %multiple_of3A_101] : memref<81x200000xf32, #tpu.memory_space<any>> -> memref<81x128xf32, #tpu.memory_space<any>>
    tpu.wait_dma2 semaphore(%arg9 : memref<!tpu.dma_semaphore, #tpu.memory_space<semaphore_mem>>) src(%dma_wait3A_112 : memref<81x128xf32, #tpu.memory_space<any>>) dst(%arg7 : memref<81x128xf32, #tpu.memory_space<vmem>>)
    %dma_wait3A_113 = arith.constant 0 : i32
    %dma_wait3A_114 = tpu.memref_slice %arg4[%dma_wait3A_113, %multiple_of3A_107] : memref<81x200000xf32, #tpu.memory_space<any>> -> memref<81x128xf32, #tpu.memory_space<any>>
    tpu.wait_dma2 semaphore(%arg9 : memref<!tpu.dma_semaphore, #tpu.memory_space<semaphore_mem>>) src(%dma_wait3A_114 : memref<81x128xf32, #tpu.memory_space<any>>) dst(%arg8 : memref<81x128xf32, #tpu.memory_space<vmem>>)
    %iota3A = tpu.iota {dimensions = array<i32: 0>} : vector<81x1xi32>
    %iota3A_115 = tpu.iota {dimensions = array<i32: 1>} : vector<81x128xi32>
    %sub3A_116 = arith.subi %reduce_min3A_19, %multiple_of3A : i32
    %eq3A_117 = vector.broadcast %sub3A_116 : i32 to vector<81x128xi32>
    %eq3A_118 = arith.cmpi eq, %iota3A_115, %eq3A_117 : vector<81x128xi32>
    %get3A_119 = arith.constant 0 : index
    %get3A_120 = arith.constant 0 : index
    %get3A_121 = vector.load %arg6[%get3A_119, %get3A_120] : memref<81x128xf32, #tpu.memory_space<vmem>>, vector<81x128xf32>
    %jit3A_122 = arith.constant 0.000000e+00 : f32
    %broadcast_in_dim3A_123 = vector.broadcast %jit3A_122 : f32 to vector<81x128xf32>
    %select_n3A_124 = arith.select %eq3A_118, %get3A_121, %broadcast_in_dim3A_123 : vector<81x128xi1>, vector<81x128xf32>
    %reduce_sum3A_125 = arith.constant dense<0.000000e+00> : vector<81xf32>
    %reduce_sum3A_126 = vector.multi_reduction <add>, %select_n3A_124, %reduce_sum3A_125 [1] : vector<81x128xf32> to vector<81xf32>
    %broadcast_in_dim3A_127 = vector.shape_cast %reduce_sum3A_126 : vector<81xf32> to vector<81x1xf32>
    %eq3A_128 = vector.broadcast %reduce_min3A_29 : i32 to vector<81x1xi32>
    %eq3A_129 = arith.cmpi eq, %iota3A, %eq3A_128 : vector<81x1xi32>
    %reduce_max3A_130 = vector.shape_cast %broadcast_in_dim3A_127 : vector<81x1xf32> to vector<1x81x1xf32>
    %reduce_max3A_131 = arith.constant dense<0xFF800000> : vector<1xf32>
    %reduce_max3A_132 = vector.multi_reduction <maximumf>, %reduce_max3A_130, %reduce_max3A_131 [1, 2] : vector<1x81x1xf32> to vector<1xf32>
    %reduce_max3A_133 = vector.shape_cast %reduce_max3A_132 : vector<1xf32> to vector<1x1x1xf32>
    %reduce_max3A_134 = vector.extract %reduce_max3A_133[0, 0, 0] : f32 from vector<1x1x1xf32>
    %sub3A_135 = vector.broadcast %reduce_max3A_134 : f32 to vector<81x1xf32>
    %sub3A_136 = arith.subf %broadcast_in_dim3A_127, %sub3A_135 : vector<81x1xf32>
    %exp3A = math.exp %sub3A_136 : vector<81x1xf32>
    %jit3A_137 = arith.constant 0.000000e+00 : f32
    %broadcast_in_dim3A_138 = vector.broadcast %jit3A_137 : f32 to vector<81x1xf32>
    %select_n3A_139 = arith.select %eq3A_129, %exp3A, %broadcast_in_dim3A_138 : vector<81x1xi1>, vector<81x1xf32>
    %reduce_sum3A_140 = vector.shape_cast %select_n3A_139 : vector<81x1xf32> to vector<1x81x1xf32>
    %reduce_sum3A_141 = arith.constant dense<0.000000e+00> : vector<1xf32>
    %reduce_sum3A_142 = vector.multi_reduction <add>, %reduce_sum3A_140, %reduce_sum3A_141 [1, 2] : vector<1x81x1xf32> to vector<1xf32>
    %reduce_sum3A_143 = vector.shape_cast %reduce_sum3A_142 : vector<1xf32> to vector<1x1x1xf32>
    %reduce_sum3A_144 = vector.extract %reduce_sum3A_143[0, 0, 0] : f32 from vector<1x1x1xf32>
    %reduce_sum3A_145 = vector.shape_cast %exp3A : vector<81x1xf32> to vector<1x81x1xf32>
    %reduce_sum3A_146 = arith.constant dense<0.000000e+00> : vector<1xf32>
    %reduce_sum3A_147 = vector.multi_reduction <add>, %reduce_sum3A_145, %reduce_sum3A_146 [1, 2] : vector<1x81x1xf32> to vector<1xf32>
    %reduce_sum3A_148 = vector.shape_cast %reduce_sum3A_147 : vector<1xf32> to vector<1x1x1xf32>
    %reduce_sum3A_149 = vector.extract %reduce_sum3A_148[0, 0, 0] : f32 from vector<1x1x1xf32>
    %div3A = arith.divf %reduce_sum3A_144, %reduce_sum3A_149 : f32
    %sub3A_150 = arith.constant 1.000000e+00 : f32
    %sub3A_151 = arith.subf %sub3A_150, %div3A : f32
    %mul3A = arith.mulf %div3A, %sub3A_151 : f32
    %jit3A_152 = arith.constant 0xFF800000 : f32
    %broadcast_in_dim3A_153 = vector.broadcast %jit3A_152 : f32 to vector<81x1xf32>
    %select_n3A_154 = arith.select %eq3A_129, %broadcast_in_dim3A_153, %broadcast_in_dim3A_127 : vector<81x1xi1>, vector<81x1xf32>
    %reduce_max3A_155 = vector.shape_cast %select_n3A_154 : vector<81x1xf32> to vector<1x81x1xf32>
    %reduce_max3A_156 = arith.constant dense<0xFF800000> : vector<1xf32>
    %reduce_max3A_157 = vector.multi_reduction <maximumf>, %reduce_max3A_155, %reduce_max3A_156 [1, 2] : vector<1x81x1xf32> to vector<1xf32>
    %reduce_max3A_158 = vector.shape_cast %reduce_max3A_157 : vector<1xf32> to vector<1x1x1xf32>
    %reduce_max3A_159 = vector.extract %reduce_max3A_158[0, 0, 0] : f32 from vector<1x1x1xf32>
    %sub3A_160 = vector.broadcast %reduce_max3A_159 : f32 to vector<81x1xf32>
    %sub3A_161 = arith.subf %select_n3A_154, %sub3A_160 : vector<81x1xf32>
    %exp3A_162 = math.exp %sub3A_161 : vector<81x1xf32>
    %reduce_sum3A_163 = vector.shape_cast %exp3A_162 : vector<81x1xf32> to vector<1x81x1xf32>
    %reduce_sum3A_164 = arith.constant dense<0.000000e+00> : vector<1xf32>
    %reduce_sum3A_165 = vector.multi_reduction <add>, %reduce_sum3A_163, %reduce_sum3A_164 [1, 2] : vector<1x81x1xf32> to vector<1xf32>
    %reduce_sum3A_166 = vector.shape_cast %reduce_sum3A_165 : vector<1xf32> to vector<1x1x1xf32>
    %reduce_sum3A_167 = vector.extract %reduce_sum3A_166[0, 0, 0] : f32 from vector<1x1x1xf32>
    %log3A = math.log %reduce_sum3A_167 : f32
    %add3A = arith.addf %reduce_max3A_159, %log3A : f32
    %le3A = arith.constant 78 : i32
    %le3A_168 = arith.cmpi sle, %reduce_min3A_29, %le3A : i32
    %jit3A_169 = arith.constant 79 : i32
    %jit3A_170 = arith.constant 78 : i32
    %select_n3A_171 = arith.select %le3A_168, %jit3A_169, %jit3A_170 : i32
    %eq3A_172 = vector.broadcast %select_n3A_171 : i32 to vector<81x1xi32>
    %eq3A_173 = arith.cmpi eq, %iota3A, %eq3A_172 : vector<81x1xi32>
    %jit3A_174 = arith.constant 0.000000e+00 : f32
    %broadcast_in_dim3A_175 = vector.broadcast %jit3A_174 : f32 to vector<81x1xf32>
    %select_n3A_176 = arith.select %eq3A_173, %broadcast_in_dim3A_127, %broadcast_in_dim3A_175 : vector<81x1xi1>, vector<81x1xf32>
    %reduce_sum3A_177 = vector.shape_cast %select_n3A_176 : vector<81x1xf32> to vector<1x81x1xf32>
    %reduce_sum3A_178 = arith.constant dense<0.000000e+00> : vector<1xf32>
    %reduce_sum3A_179 = vector.multi_reduction <add>, %reduce_sum3A_177, %reduce_sum3A_178 [1, 2] : vector<1x81x1xf32> to vector<1xf32>
    %reduce_sum3A_180 = vector.shape_cast %reduce_sum3A_179 : vector<1xf32> to vector<1x1x1xf32>
    %reduce_sum3A_181 = vector.extract %reduce_sum3A_180[0, 0, 0] : f32 from vector<1x1x1xf32>
    %sub3A_182 = arith.subf %reduce_sum3A_181, %add3A : f32
    %ne3A = arith.constant 80 : i32
    %ne3A_183 = arith.cmpi ne, %reduce_min3A_29, %ne3A : i32
    %convert_element_type3A = arith.extui %ne3A_183 : i1 to i32
    %convert_element_type3A_184 = arith.sitofp %convert_element_type3A : i32 to f32
    %neg3A = arith.constant 0.000000e+00 : f32
    %neg3A_185 = arith.subf %neg3A, %mul3A : f32
    %mul3A_186 = arith.mulf %neg3A_185, %sub3A_182 : f32
    %mul3A_187 = arith.mulf %mul3A_186, %convert_element_type3A_184 : f32
    %add3A_188 = arith.constant 0.000000e+00 : f32
    %add3A_189 = arith.addf %add3A_188, %mul3A_187 : f32
    %sub3A_190 = arith.subi %reduce_min3A_52, %multiple_of3A_101 : i32
    %eq3A_191 = vector.broadcast %sub3A_190 : i32 to vector<81x128xi32>
    %eq3A_192 = arith.cmpi eq, %iota3A_115, %eq3A_191 : vector<81x128xi32>
    %get3A_193 = arith.constant 0 : index
    %get3A_194 = arith.constant 0 : index
    %get3A_195 = vector.load %arg7[%get3A_193, %get3A_194] : memref<81x128xf32, #tpu.memory_space<vmem>>, vector<81x128xf32>
    %jit3A_196 = arith.constant 0.000000e+00 : f32
    %broadcast_in_dim3A_197 = vector.broadcast %jit3A_196 : f32 to vector<81x128xf32>
    %select_n3A_198 = arith.select %eq3A_192, %get3A_195, %broadcast_in_dim3A_197 : vector<81x128xi1>, vector<81x128xf32>
    %reduce_sum3A_199 = arith.constant dense<0.000000e+00> : vector<81xf32>
    %reduce_sum3A_200 = vector.multi_reduction <add>, %select_n3A_198, %reduce_sum3A_199 [1] : vector<81x128xf32> to vector<81xf32>
    %broadcast_in_dim3A_201 = vector.shape_cast %reduce_sum3A_200 : vector<81xf32> to vector<81x1xf32>
    %eq3A_202 = vector.broadcast %reduce_min3A_62 : i32 to vector<81x1xi32>
    %eq3A_203 = arith.cmpi eq, %iota3A, %eq3A_202 : vector<81x1xi32>
    %reduce_max3A_204 = vector.shape_cast %broadcast_in_dim3A_201 : vector<81x1xf32> to vector<1x81x1xf32>
    %reduce_max3A_205 = arith.constant dense<0xFF800000> : vector<1xf32>
    %reduce_max3A_206 = vector.multi_reduction <maximumf>, %reduce_max3A_204, %reduce_max3A_205 [1, 2] : vector<1x81x1xf32> to vector<1xf32>
    %reduce_max3A_207 = vector.shape_cast %reduce_max3A_206 : vector<1xf32> to vector<1x1x1xf32>
    %reduce_max3A_208 = vector.extract %reduce_max3A_207[0, 0, 0] : f32 from vector<1x1x1xf32>
    %sub3A_209 = vector.broadcast %reduce_max3A_208 : f32 to vector<81x1xf32>
    %sub3A_210 = arith.subf %broadcast_in_dim3A_201, %sub3A_209 : vector<81x1xf32>
    %exp3A_211 = math.exp %sub3A_210 : vector<81x1xf32>
    %jit3A_212 = arith.constant 0.000000e+00 : f32
    %broadcast_in_dim3A_213 = vector.broadcast %jit3A_212 : f32 to vector<81x1xf32>
    %select_n3A_214 = arith.select %eq3A_203, %exp3A_211, %broadcast_in_dim3A_213 : vector<81x1xi1>, vector<81x1xf32>
    %reduce_sum3A_215 = vector.shape_cast %select_n3A_214 : vector<81x1xf32> to vector<1x81x1xf32>
    %reduce_sum3A_216 = arith.constant dense<0.000000e+00> : vector<1xf32>
    %reduce_sum3A_217 = vector.multi_reduction <add>, %reduce_sum3A_215, %reduce_sum3A_216 [1, 2] : vector<1x81x1xf32> to vector<1xf32>
    %reduce_sum3A_218 = vector.shape_cast %reduce_sum3A_217 : vector<1xf32> to vector<1x1x1xf32>
    %reduce_sum3A_219 = vector.extract %reduce_sum3A_218[0, 0, 0] : f32 from vector<1x1x1xf32>
    %reduce_sum3A_220 = vector.shape_cast %exp3A_211 : vector<81x1xf32> to vector<1x81x1xf32>
    %reduce_sum3A_221 = arith.constant dense<0.000000e+00> : vector<1xf32>
    %reduce_sum3A_222 = vector.multi_reduction <add>, %reduce_sum3A_220, %reduce_sum3A_221 [1, 2] : vector<1x81x1xf32> to vector<1xf32>
    %reduce_sum3A_223 = vector.shape_cast %reduce_sum3A_222 : vector<1xf32> to vector<1x1x1xf32>
    %reduce_sum3A_224 = vector.extract %reduce_sum3A_223[0, 0, 0] : f32 from vector<1x1x1xf32>
    %div3A_225 = arith.divf %reduce_sum3A_219, %reduce_sum3A_224 : f32
    %sub3A_226 = arith.constant 1.000000e+00 : f32
    %sub3A_227 = arith.subf %sub3A_226, %div3A_225 : f32
    %mul3A_228 = arith.mulf %div3A_225, %sub3A_227 : f32
    %jit3A_229 = arith.constant 0xFF800000 : f32
    %broadcast_in_dim3A_230 = vector.broadcast %jit3A_229 : f32 to vector<81x1xf32>
    %select_n3A_231 = arith.select %eq3A_203, %broadcast_in_dim3A_230, %broadcast_in_dim3A_201 : vector<81x1xi1>, vector<81x1xf32>
    %reduce_max3A_232 = vector.shape_cast %select_n3A_231 : vector<81x1xf32> to vector<1x81x1xf32>
    %reduce_max3A_233 = arith.constant dense<0xFF800000> : vector<1xf32>
    %reduce_max3A_234 = vector.multi_reduction <maximumf>, %reduce_max3A_232, %reduce_max3A_233 [1, 2] : vector<1x81x1xf32> to vector<1xf32>
    %reduce_max3A_235 = vector.shape_cast %reduce_max3A_234 : vector<1xf32> to vector<1x1x1xf32>
    %reduce_max3A_236 = vector.extract %reduce_max3A_235[0, 0, 0] : f32 from vector<1x1x1xf32>
    %sub3A_237 = vector.broadcast %reduce_max3A_236 : f32 to vector<81x1xf32>
    %sub3A_238 = arith.subf %select_n3A_231, %sub3A_237 : vector<81x1xf32>
    %exp3A_239 = math.exp %sub3A_238 : vector<81x1xf32>
    %reduce_sum3A_240 = vector.shape_cast %exp3A_239 : vector<81x1xf32> to vector<1x81x1xf32>
    %reduce_sum3A_241 = arith.constant dense<0.000000e+00> : vector<1xf32>
    %reduce_sum3A_242 = vector.multi_reduction <add>, %reduce_sum3A_240, %reduce_sum3A_241 [1, 2] : vector<1x81x1xf32> to vector<1xf32>
    %reduce_sum3A_243 = vector.shape_cast %reduce_sum3A_242 : vector<1xf32> to vector<1x1x1xf32>
    %reduce_sum3A_244 = vector.extract %reduce_sum3A_243[0, 0, 0] : f32 from vector<1x1x1xf32>
    %log3A_245 = math.log %reduce_sum3A_244 : f32
    %add3A_246 = arith.addf %reduce_max3A_236, %log3A_245 : f32
    %le3A_247 = arith.constant 78 : i32
    %le3A_248 = arith.cmpi sle, %reduce_min3A_62, %le3A_247 : i32
    %jit3A_249 = arith.constant 79 : i32
    %jit3A_250 = arith.constant 78 : i32
    %select_n3A_251 = arith.select %le3A_248, %jit3A_249, %jit3A_250 : i32
    %eq3A_252 = vector.broadcast %select_n3A_251 : i32 to vector<81x1xi32>
    %eq3A_253 = arith.cmpi eq, %iota3A, %eq3A_252 : vector<81x1xi32>
    %jit3A_254 = arith.constant 0.000000e+00 : f32
    %broadcast_in_dim3A_255 = vector.broadcast %jit3A_254 : f32 to vector<81x1xf32>
    %select_n3A_256 = arith.select %eq3A_253, %broadcast_in_dim3A_201, %broadcast_in_dim3A_255 : vector<81x1xi1>, vector<81x1xf32>
    %reduce_sum3A_257 = vector.shape_cast %select_n3A_256 : vector<81x1xf32> to vector<1x81x1xf32>
    %reduce_sum3A_258 = arith.constant dense<0.000000e+00> : vector<1xf32>
    %reduce_sum3A_259 = vector.multi_reduction <add>, %reduce_sum3A_257, %reduce_sum3A_258 [1, 2] : vector<1x81x1xf32> to vector<1xf32>
    %reduce_sum3A_260 = vector.shape_cast %reduce_sum3A_259 : vector<1xf32> to vector<1x1x1xf32>
    %reduce_sum3A_261 = vector.extract %reduce_sum3A_260[0, 0, 0] : f32 from vector<1x1x1xf32>
    %sub3A_262 = arith.subf %reduce_sum3A_261, %add3A_246 : f32
    %ne3A_263 = arith.constant 80 : i32
    %ne3A_264 = arith.cmpi ne, %reduce_min3A_62, %ne3A_263 : i32
    %convert_element_type3A_265 = arith.extui %ne3A_264 : i1 to i32
    %convert_element_type3A_266 = arith.sitofp %convert_element_type3A_265 : i32 to f32
    %neg3A_267 = arith.constant 0.000000e+00 : f32
    %neg3A_268 = arith.subf %neg3A_267, %mul3A_228 : f32
    %mul3A_269 = arith.mulf %neg3A_268, %sub3A_262 : f32
    %mul3A_270 = arith.mulf %mul3A_269, %convert_element_type3A_266 : f32
    %add3A_271 = arith.addf %add3A_189, %mul3A_270 : f32
    %sub3A_272 = arith.subi %reduce_min3A_85, %multiple_of3A_107 : i32
    %eq3A_273 = vector.broadcast %sub3A_272 : i32 to vector<81x128xi32>
    %eq3A_274 = arith.cmpi eq, %iota3A_115, %eq3A_273 : vector<81x128xi32>
    %get3A_275 = arith.constant 0 : index
    %get3A_276 = arith.constant 0 : index
    %get3A_277 = vector.load %arg8[%get3A_275, %get3A_276] : memref<81x128xf32, #tpu.memory_space<vmem>>, vector<81x128xf32>
    %jit3A_278 = arith.constant 0.000000e+00 : f32
    %broadcast_in_dim3A_279 = vector.broadcast %jit3A_278 : f32 to vector<81x128xf32>
    %select_n3A_280 = arith.select %eq3A_274, %get3A_277, %broadcast_in_dim3A_279 : vector<81x128xi1>, vector<81x128xf32>
    %reduce_sum3A_281 = arith.constant dense<0.000000e+00> : vector<81xf32>
    %reduce_sum3A_282 = vector.multi_reduction <add>, %select_n3A_280, %reduce_sum3A_281 [1] : vector<81x128xf32> to vector<81xf32>
    %broadcast_in_dim3A_283 = vector.shape_cast %reduce_sum3A_282 : vector<81xf32> to vector<81x1xf32>
    %eq3A_284 = vector.broadcast %reduce_min3A_95 : i32 to vector<81x1xi32>
    %eq3A_285 = arith.cmpi eq, %iota3A, %eq3A_284 : vector<81x1xi32>
    %reduce_max3A_286 = vector.shape_cast %broadcast_in_dim3A_283 : vector<81x1xf32> to vector<1x81x1xf32>
    %reduce_max3A_287 = arith.constant dense<0xFF800000> : vector<1xf32>
    %reduce_max3A_288 = vector.multi_reduction <maximumf>, %reduce_max3A_286, %reduce_max3A_287 [1, 2] : vector<1x81x1xf32> to vector<1xf32>
    %reduce_max3A_289 = vector.shape_cast %reduce_max3A_288 : vector<1xf32> to vector<1x1x1xf32>
    %reduce_max3A_290 = vector.extract %reduce_max3A_289[0, 0, 0] : f32 from vector<1x1x1xf32>
    %sub3A_291 = vector.broadcast %reduce_max3A_290 : f32 to vector<81x1xf32>
    %sub3A_292 = arith.subf %broadcast_in_dim3A_283, %sub3A_291 : vector<81x1xf32>
    %exp3A_293 = math.exp %sub3A_292 : vector<81x1xf32>
    %jit3A_294 = arith.constant 0.000000e+00 : f32
    %broadcast_in_dim3A_295 = vector.broadcast %jit3A_294 : f32 to vector<81x1xf32>
    %select_n3A_296 = arith.select %eq3A_285, %exp3A_293, %broadcast_in_dim3A_295 : vector<81x1xi1>, vector<81x1xf32>
    %reduce_sum3A_297 = vector.shape_cast %select_n3A_296 : vector<81x1xf32> to vector<1x81x1xf32>
    %reduce_sum3A_298 = arith.constant dense<0.000000e+00> : vector<1xf32>
    %reduce_sum3A_299 = vector.multi_reduction <add>, %reduce_sum3A_297, %reduce_sum3A_298 [1, 2] : vector<1x81x1xf32> to vector<1xf32>
    %reduce_sum3A_300 = vector.shape_cast %reduce_sum3A_299 : vector<1xf32> to vector<1x1x1xf32>
    %reduce_sum3A_301 = vector.extract %reduce_sum3A_300[0, 0, 0] : f32 from vector<1x1x1xf32>
    %reduce_sum3A_302 = vector.shape_cast %exp3A_293 : vector<81x1xf32> to vector<1x81x1xf32>
    %reduce_sum3A_303 = arith.constant dense<0.000000e+00> : vector<1xf32>
    %reduce_sum3A_304 = vector.multi_reduction <add>, %reduce_sum3A_302, %reduce_sum3A_303 [1, 2] : vector<1x81x1xf32> to vector<1xf32>
    %reduce_sum3A_305 = vector.shape_cast %reduce_sum3A_304 : vector<1xf32> to vector<1x1x1xf32>
    %reduce_sum3A_306 = vector.extract %reduce_sum3A_305[0, 0, 0] : f32 from vector<1x1x1xf32>
    %div3A_307 = arith.divf %reduce_sum3A_301, %reduce_sum3A_306 : f32
    %sub3A_308 = arith.constant 1.000000e+00 : f32
    %sub3A_309 = arith.subf %sub3A_308, %div3A_307 : f32
    %mul3A_310 = arith.mulf %div3A_307, %sub3A_309 : f32
    %jit3A_311 = arith.constant 0xFF800000 : f32
    %broadcast_in_dim3A_312 = vector.broadcast %jit3A_311 : f32 to vector<81x1xf32>
    %select_n3A_313 = arith.select %eq3A_285, %broadcast_in_dim3A_312, %broadcast_in_dim3A_283 : vector<81x1xi1>, vector<81x1xf32>
    %reduce_max3A_314 = vector.shape_cast %select_n3A_313 : vector<81x1xf32> to vector<1x81x1xf32>
    %reduce_max3A_315 = arith.constant dense<0xFF800000> : vector<1xf32>
    %reduce_max3A_316 = vector.multi_reduction <maximumf>, %reduce_max3A_314, %reduce_max3A_315 [1, 2] : vector<1x81x1xf32> to vector<1xf32>
    %reduce_max3A_317 = vector.shape_cast %reduce_max3A_316 : vector<1xf32> to vector<1x1x1xf32>
    %reduce_max3A_318 = vector.extract %reduce_max3A_317[0, 0, 0] : f32 from vector<1x1x1xf32>
    %sub3A_319 = vector.broadcast %reduce_max3A_318 : f32 to vector<81x1xf32>
    %sub3A_320 = arith.subf %select_n3A_313, %sub3A_319 : vector<81x1xf32>
    %exp3A_321 = math.exp %sub3A_320 : vector<81x1xf32>
    %reduce_sum3A_322 = vector.shape_cast %exp3A_321 : vector<81x1xf32> to vector<1x81x1xf32>
    %reduce_sum3A_323 = arith.constant dense<0.000000e+00> : vector<1xf32>
    %reduce_sum3A_324 = vector.multi_reduction <add>, %reduce_sum3A_322, %reduce_sum3A_323 [1, 2] : vector<1x81x1xf32> to vector<1xf32>
    %reduce_sum3A_325 = vector.shape_cast %reduce_sum3A_324 : vector<1xf32> to vector<1x1x1xf32>
    %reduce_sum3A_326 = vector.extract %reduce_sum3A_325[0, 0, 0] : f32 from vector<1x1x1xf32>
    %log3A_327 = math.log %reduce_sum3A_326 : f32
    %add3A_328 = arith.addf %reduce_max3A_318, %log3A_327 : f32
    %le3A_329 = arith.constant 78 : i32
    %le3A_330 = arith.cmpi sle, %reduce_min3A_95, %le3A_329 : i32
    %jit3A_331 = arith.constant 79 : i32
    %jit3A_332 = arith.constant 78 : i32
    %select_n3A_333 = arith.select %le3A_330, %jit3A_331, %jit3A_332 : i32
    %eq3A_334 = vector.broadcast %select_n3A_333 : i32 to vector<81x1xi32>
    %eq3A_335 = arith.cmpi eq, %iota3A, %eq3A_334 : vector<81x1xi32>
    %jit3A_336 = arith.constant 0.000000e+00 : f32
    %broadcast_in_dim3A_337 = vector.broadcast %jit3A_336 : f32 to vector<81x1xf32>
    %select_n3A_338 = arith.select %eq3A_335, %broadcast_in_dim3A_283, %broadcast_in_dim3A_337 : vector<81x1xi1>, vector<81x1xf32>
    %reduce_sum3A_339 = vector.shape_cast %select_n3A_338 : vector<81x1xf32> to vector<1x81x1xf32>
    %reduce_sum3A_340 = arith.constant dense<0.000000e+00> : vector<1xf32>
    %reduce_sum3A_341 = vector.multi_reduction <add>, %reduce_sum3A_339, %reduce_sum3A_340 [1, 2] : vector<1x81x1xf32> to vector<1xf32>
    %reduce_sum3A_342 = vector.shape_cast %reduce_sum3A_341 : vector<1xf32> to vector<1x1x1xf32>
    %reduce_sum3A_343 = vector.extract %reduce_sum3A_342[0, 0, 0] : f32 from vector<1x1x1xf32>
    %sub3A_344 = arith.subf %reduce_sum3A_343, %add3A_328 : f32
    %ne3A_345 = arith.constant 80 : i32
    %ne3A_346 = arith.cmpi ne, %reduce_min3A_95, %ne3A_345 : i32
    %convert_element_type3A_347 = arith.extui %ne3A_346 : i1 to i32
    %convert_element_type3A_348 = arith.sitofp %convert_element_type3A_347 : i32 to f32
    %neg3A_349 = arith.constant 0.000000e+00 : f32
    %neg3A_350 = arith.subf %neg3A_349, %mul3A_310 : f32
    %mul3A_351 = arith.mulf %neg3A_350, %sub3A_344 : f32
    %mul3A_352 = arith.mulf %mul3A_351, %convert_element_type3A_348 : f32
    %add3A_353 = arith.addf %add3A_271, %mul3A_352 : f32
    %min3A = arith.constant 3 : i32
    %min3A_354 = arith.minsi %reduce_sum3A_10, %min3A : i32
    %convert_element_type3A_355 = arith.sitofp %min3A_354 : i32 to f32
    %div3A_356 = arith.divf %add3A_353, %convert_element_type3A_355 : f32
    %swap3A = arith.constant 0 : index
    %swap3A_357 = arith.constant 0 : index
    %swap3A_358 = memref.load %arg5[%swap3A, %swap3A_357] : memref<1x1xf32, #tpu.memory_space<smem>>
    memref.store %div3A_356, %arg5[%swap3A, %swap3A_357] : memref<1x1xf32, #tpu.memory_space<smem>>
    return
  }
}

</mosaic_0001>

<sc_bundles>
// kernel: kernel.4.cloned.1.call-start
scs
__scs_entry_jumppad:
0x0: {  	(pc) =	sbr.rel $0x88, $3  }
0x1: {  	(tag) =	ssettag $0x0;
	lr =	simm.s32 $0x1  }
0x2: {  	[smem:$0x3F9F] =	sst lr;
	_ =	strace $0xD0000000  }
0x3: {  	_ = 	snop  }
0x4: {  	_ = 	snop  }
0x5: {  	_ = 	snop  }
0x6: {  	_ = 	snop  }
0x7: {  	_ = 	snop  }
__scs_overlays_trampoline_lowered:
0x8: {  	[smem:$0x3FAE] =	sst s0  }
0x9: {  	[smem:$0x3FAF] =	sst s1  }
0xa: {  	[smem:$0x3FB0] =	sst s2  }
0xb: {  	[smem:$0x3FB1] =	sst s3  }
0xc: {  	[smem:$0x3FB2] =	sst s4  }
0xd: {  	[smem:$0x3FB3] =	sst s5  }
0xe: {  	[smem:$0x3FB4] =	sst s6  }
0xf: {  	[smem:$0x3FB5] =	sst s7  }
0x10: {  	[smem:$0x3FB6] =	sst s8  }
0x11: {  	[smem:$0x3FB7] =	sst s9;
	s0 =	simm.s32 @!p0 $0x0  }
0x12: {  	s1 =	sld [smem:$0x3F9D];
	s0 =	simm.s32 @p0 $0x1  }
0x13: {  	[smem:$0x3FB8] =	sst s0;
	s0 =	simm.s32 @!p1 $0x0  }
0x14: {  	s2 =	sld [smem:$0x3F9C];
	s0 =	simm.s32 @p1 $0x1  }
0x15: {  	[smem:$0x3FB9] =	sst s0;
	s0 =	simm.s32 @!p2 $0x0  }
0x16: {  	s3 =	sld [smem:$0x3FDB];
	s0 =	simm.s32 @p2 $0x1  }
0x17: {  	s4 =	simm.s32 $0x1BF5;
	[smem:$0x3FBB] =	sst s0  }
0x18: {  	s0 =	sld [smem:$0x3F9E];
	_ =	swait.ge [sflag:s4], $0x0  }
0x19: {  	s7 =	sld [smem:$0x3F9F]  }
0x1a: {  	s8 =	sadd.s32 $0xFFFFE003, lr  }
0x1b: {  	s9 =	sadd.s32 $0xFFFFFEF7, lr;
	s5 =	simm.s32 $0xFFFFFFFF;
	p2 =	slt.u32 s8, $0xFFFFF086  }
0x1c: {  	p1 =	slt.u32 s9, $0xF7A;
	s5 =	simm.s32 @!p2 $0x0  }
0x1d: {  	s5 =	simm.s32 @p1 $0x1;
	p0 =	seq.s32 s7, s2  }
0x1e: {  	s7 =	smul.u32 @!p0 $0xF7A, s2;
	p2 =	seq.s32 @!p0 s5, $0x0  }
0x1f: {  	s9 =	smul.u32 $0xF7A, s1;
	s8 =	simm.s32 @!p0 $0x1BF5;
	p2 =	por !p2, p0  }
0x20: {  	[sflag:s8] =	ssyncset.s32 @!p0 $0xFFFFF086;
	s6 =	sadd.s32 @!p0 s3, s7;
	s7 =	simm.s32 @!p0 $0x108  }
0x21: {  	s3 =	sadd.s32 s3, s9;
	s6 =	sadd.s32 @!p0 $0x88, s6;
	s7 =	simm.s32 @p2 $0x1082  }
0x22: {  	[simem:s7], [sflag:s8] =	dma.local @!p0 [hbm:s6], $0xF7A  }
0x23: {  	s9 =	sor.u32 $0xD0000000, s2;
	s6 =	simm.s32 $0x108;
	_ =	swait.ge @!p0 [sflag:s8], $0x0  }
0x24: {  	s3 =	sadd.s32 $0x88, s3;
	s6 =	simm.s32 @!p1 $0x1082;
	[sflag:s4] =	ssyncset.s32 $0xFFFFF086  }
0x25: {  	[simem:s6], [sflag:s4] =	dma.local [hbm:s3], $0xF7A  }
0x26: {  	[smem:$0x3F9F] =	sst s1;
	(tag) =	ssettag s2;
	_ =	strace s9  }
0x27: {  	s1 =	sld [smem:$0x3FAF]  }
0x28: {  	s2 =	sld [smem:$0x3FB0]  }
0x29: {  	s4 =	sld [smem:$0x3FB2]  }
0x2a: {  	p0 =	seq.s32 s5, $0x0;
	s5 =	sld [smem:$0x3FB3]  }
0x2b: {  	s6 =	sld [smem:$0x3FB4]  }
0x2c: {  	s7 =	sld [smem:$0x3FB5]  }
0x2d: {  	s3 =	simm.s32 $0x108;
	s8 =	sld [smem:$0x3FB6]  }
0x2e: {  	s3 =	simm.s32 @!p0 $0x1082;
	s9 =	sld [smem:$0x3FB7]  }
0x2f: {  	lr =	sadd.s32 s0, s3;
	s0 =	sld [smem:$0x3FAE]  }
0x30: {  	s3 =	sld [smem:$0x3FB1]  }
0x31: {  	[smem:$0x3FBA] =	sst s10  }
0x32: {  	s10 =	sld [smem:$0x3FB8];
	_ =	sdelay $0x3  }
0x33: {  	p0 =	seq.s32 s10, $0x1;
	s10 =	sld [smem:$0x3FBA];
	_ =	sdelay $0x3  }
0x34: {  	[smem:$0x3FBA] =	sst s10  }
0x35: {  	s10 =	sld [smem:$0x3FB9];
	_ =	sdelay $0x3  }
0x36: {  	p1 =	seq.s32 s10, $0x1;
	s10 =	sld [smem:$0x3FBA];
	_ =	sdelay $0x3  }
0x37: {  	[smem:$0x3FBA] =	sst s10  }
0x38: {  	s10 =	sld [smem:$0x3FBB]  }
0x39: {  	_ = 	snop;
	(pc) =	sbr.ind lr, $3  }
0x3a: {  	_ = 	snop  }
0x3b: {  	_ = 	snop  }
0x3c: {  	p2 =	seq.s32 s10, $0x1;
	s10 =	sld [smem:$0x3FBA]  }
0x3d: {  	_ =	shalt  }
0x3e: {  	_ =	shalt  }
0x3f: {  	_ =	shalt  }
0x40: {  	_ =	shalt  }
0x41: {  	_ =	shalt  }
0x42: {  	_ =	shalt  }
0x43: {  	_ =	shalt  }
0x44: {  	_ =	shalt  }
0x45: {  	_ =	shalt  }
0x46: {  	_ =	shalt  }
0x47: {  	_ =	shalt  }
0x48: {  	_ =	shalt  }
0x49: {  	_ =	shalt  }
0x4a: {  	_ =	shalt  }
0x4b: {  	_ =	shalt  }
0x4c: {  	_ =	shalt  }
0x4d: {  	_ =	shalt  }
0x4e: {  	_ =	shalt  }
0x4f: {  	_ =	shalt  }
0x50: {  	_ =	shalt  }
0x51: {  	_ =	shalt  }
0x52: {  	_ =	shalt  }
0x53: {  	_ =	shalt  }
0x54: {  	_ =	shalt  }
0x55: {  	_ =	shalt  }
0x56: {  	_ =	shalt  }
0x57: {  	_ =	shalt  }
0x58: {  	_ =	shalt  }
0x59: {  	_ =	shalt  }
0x5a: {  	_ =	shalt  }
0x5b: {  	_ =	shalt  }
0x5c: {  	_ =	shalt  }
0x5d: {  	_ =	shalt  }
0x5e: {  	_ =	shalt  }
0x5f: {  	_ =	shalt  }
0x60: {  	_ =	shalt  }
0x61: {  	_ =	shalt  }
0x62: {  	_ =	shalt  }
0x63: {  	_ =	shalt  }
0x64: {  	_ =	shalt  }
0x65: {  	_ =	shalt  }
0x66: {  	_ =	shalt  }
0x67: {  	_ =	shalt  }
0x68: {  	_ =	shalt  }
0x69: {  	_ =	shalt  }
0x6a: {  	_ =	shalt  }
0x6b: {  	_ =	shalt  }
0x6c: {  	_ =	shalt  }
0x6d: {  	_ =	shalt  }
0x6e: {  	_ =	shalt  }
0x6f: {  	_ =	shalt  }
0x70: {  	_ =	shalt  }
0x71: {  	_ =	shalt  }
0x72: {  	_ =	shalt  }
0x73: {  	_ =	shalt  }
0x74: {  	_ =	shalt  }
0x75: {  	_ =	shalt  }
0x76: {  	_ =	shalt  }
0x77: {  	_ =	shalt  }
0x78: {  	_ =	shalt  }
0x79: {  	_ =	shalt  }
0x7a: {  	_ =	shalt  }
0x7b: {  	_ =	shalt  }
0x7c: {  	_ =	shalt  }
0x7d: {  	_ =	shalt  }
0x7e: {  	_ =	shalt  }
0x7f: {  	_ =	shalt  }
0x80: {  	_ =	shalt  }
0x81: {  	_ =	shalt  }
0x82: {  	_ =	shalt  }
0x83: {  	_ =	shalt  }
0x84: {  	_ =	shalt  }
0x85: {  	_ =	shalt  }
0x86: {  	_ =	shalt  }
0x87: {  	_ =	shalt  }
.Lfunc_end0:
.L_simem_size_0:
called_computation_lowered:
.L_overlay_start_0:
0x88: {  	s2 =	sld [smem:$0x3FD9]  }
0x89: {  	s3 =	sld [smem:$0x3FFE];
	_ =	sdelay $0x1  }
0x8a: {  	s1 =	srdreg.scid  }
0x8b: {  	s0 =	sand.u32 $0x1, s1  }
0x8c: {  	s17 =	sshll.u32 s0, $0xA;
	s2 =	sadd.s32 s3, s2  }
0x8d: {  	s2 =	sadd.s32 s2, s17  }
0x8e: {  	[smem:$0x3FC6] =	sst s2  }
0x8f: {  	_ = 	snop  }
0x90: {  	s2 =	sld [smem:$0x3FC9]  }
0x91: {  	s18 =	sld [smem:$0x3FC8];
	(tm) =	ssettm $0x1  }
0x92: {  	s4 =	sld [smem:$0x3FFB];
	_ =	sdelay $0x3  }
0x93: {  	_ =	strace s4  }
0x94: {  	s4 =	sld [smem:$0x3FFC];
	_ =	sdelay $0x3  }
0x95: {  	_ =	strace s4  }
0x96: {  	s4 =	sld [smem:$0x3FFD];
	_ =	sdelay $0x3  }
0x97: {  	_ =	strace s4  }
0x98: {  	_ =	strace $0x8FFFFFFF  }
0x99: {  	s19 =	sld [smem:$0x3FDB];
	_ =	sdelay $0x1  }
0x9a: {  	s5 =	simm.s32 $_scs_section_size  }
0x9b: {  	s6 =	simm.s32 $_size__tile_overlayer_lowered;
	s7 =	simm.s32 $_tile_overlayer_lowered  }
0x9c: {  	s22 =	simm.s32 $0x1BFF;
	s21 =	sshll.u32 s7, $0x1;
	s4 =	sadd.s32 s5, s19  }
0x9d: {  	s8 =	simm.s32 $0x0;
	s20 =	sshll.u32 s6, $0x1;
	s6 =	sadd.s32 s21, s4  }
0x9e: {  	[timem:s8], [sflag:s22] =	dma.local [hbm:s6], s20  }
0x9f: {  	_ =	swait.ge [sflag:s22], s20  }
0xa0: {  	s5 =	ssub.s32 $0x0, s20;
	[sflag:s22] =	ssyncset.done $0x0  }
0xa1: {  	[sflag:s22] =	ssyncadd.s32 s5;
	_ =	sdelay $0x1  }
0xa2: {  	s23 =	simm.s32 $0x1B8B  }
0xa3: {  	_ =	swait.ge [sflag:s23], $0x1  }
0xa4: {  	[sflag:s23] =	ssyncset.done $0x0  }
0xa5: {  	s25 =	simm.s32 $0x1B8E;
	s24 =	sld [smem:$0x3FFE];
	[sflag:s23] =	ssyncadd.s32 $0xFFFFFFFF  }
0xa6: {  	s26 =	simm.s32 $execute0_lowered;
	[smem:$0x3FD2] =	sst s25  }
0xa7: {  	s6 =	sshll.u32 s26, $0x1;
	_ =	strace $0x80000046;
	[dreg:$0x1] =	wrdreg $0xFFFFFFFF  }
0xa8: {  	s28 =	simm.s32 $_size_execute0_lowered;
	s4 =	sadd.s32 s4, s6;
	[dreg:$0x0] =	wrdreg $0x0  }
0xa9: {  	s6 =	sshll.u32 s28, $0x1;
	[dreg:$0x2] =	wrdreg s4  }
0xaa: {  	[dreg:$0x3] =	wrdreg s6  }
0xab: {  	[dreg:$0x4] =	wrdreg $0xC0  }
0xac: {  	_ =	task [dreg:s8], $0x5FFFF  }
0xad: {  	[dreg:$0x1] =	wrdreg $0xFFFFFFFF  }
0xae: {  	[dreg:$0x0] =	wrdreg $0x60  }
0xaf: {  	[dreg:$0x2] =	wrdreg s2  }
0xb0: {  	[dreg:$0x3] =	wrdreg s18  }
0xb1: {  	[dreg:$0x4] =	wrdreg s24  }
0xb2: {  	[dreg:$0x5] =	wrdreg $0x9  }
0xb3: {  	_ =	task.clear_ibuf [dreg:s8], $0x6FFFF;
	_ =	strace $0x90000046  }
0xb4: {  	s29 =	simm.s32 $0x9;
	_ =	strace $0x80000048  }
0xb5: {  	_ =	swait.ge [sflag:s29], $0x1  }
0xb6: {  	[sflag:s29] =	ssyncadd.s32 $0xFFFFFFFF  }
0xb7: {  	_ =	strace $0x90000048  }
0xb8: {  	_ =	sfence  }
0xb9: {  	s30 =	sld [smem:$0x0];
	_ =	sdelay $0x2  }
0xba: {  	s31 =	sshll.u32 s1, $0xD;
	s1 =	sshrl.u32 s1, $0x2  }
0xbb: {  	s3 =	sand.u32 $0x4000, s31;
	s1 =	sadd.s32 s1, s30  }
0xbc: {  	s0 =	sor.u32 s3, s0;
	s1 =	sshll.u32 s1, $0x11  }
0xbd: {  	s0 =	sor.u32 s1, s0  }
0xbe: {  	s0 =	sadd.s32 $0x8F2B, s0  }
0xbf: {  	[sflag:s0] =	ssyncadd.remote.s32 $0x1  }
0xc0: {  	_ =	sfence.sel $0xFFFF  }
0xc1: {  	[dreg:$0x0] =	wrdreg $0xFFFFFFFF;
	(pc) =	sbr.abs _section_cstart, $3  }
0xc2: {  	[dreg:$0x1] =	wrdreg $0xFFFFFFFF  }
0xc3: {  	_ =	task.clear_ibuf [dreg:s8], $0x2FFFF;
	_ =	strace $0x9FFFFFFF  }
0xc4: {  	(tm) =	ssettm $0x7FFFFFFF  }
0xc5: {  	_ =	shalt  }
tec
execute0_lowered:
.L_overlay_start_1:
0x0: {  	(tag) =	ssettag $0x1  }
0x1: {  	s1 =	rddreg [dreg:$0x0]  }
0x2: {  	s0 =	rddreg [dreg:$0x1];
	s2 =	simm.s32 $0x0  }
0x3: {  	[smem:$0x7FF] =	sst s2  }
0x4: {  	s3 =	rddreg [dreg:$0x2];
	v0 =	vimm.f32 $-Inf;
	_ =	strace $0x80000047  }
0x5: {  	(xrf0) =	vmax.scan.msk.f32 $0xffff, v0;
	v0 =	vimm.s32 $0xFFFFFFFF  }
0x6: {  	(xrf0) =	vmin.scan.msk.u32 $0xffff, v0;
	_ =	sdelay $0x4  }
0x7: {  	v0, _, _ =	vpop (xrf0)  }
0x8: {  	(v2sf) =	vpush v0, $0xF;
	v0, _, _ =	vpop (xrf0)  }
0x9: {  	(v2sf) =	vpush v0, $0xF;
	_ =	sdelay $0x2  }
0xa: {  	s4 =	srdreg.scid;
	s9 =	stileid.u32  }
0xb: {  	s16 =	simm.s32 $0x1400;
	s17 =	simm.s32 $0x186C00;
	s19 =	simm.s32 $0x3  }
0xc: {  	s20 =	simm.s32 $0x1;
	s6 =	sand.u32 $0x1, s4;
	s23 =	sshll.u32 s9, $0x1  }
0xd: {  	s21 =	simm.s32 $0xDC00;
	s29 =	smul.u32 $0x30D4, s9;
	s5 =	sor.u32 s6, s23  }
0xe: {  	s28 =	simm.s32 $0x0;
	s7 =	ssub.s32 $0x2, s6;
	s18 =	smul.u32 $0x186A, s5  }
0xf: {  	s6 =	smul.u32 $0x186A, s6;
	s5 =	sshll.u32 s5, $0x1;
	s24 =	sshrl.u32 s7, $0x1  }
0x10: {  	s3 =	sadd.s32 s5, s3;
	s14 =	ssub.s32 s7, s24;
	s8 =	sshrl.u32 s18, $0x3  }
0x11: {  	s5 =	sand.u32 $0x3FF80, s18;
	s22 =	sadd.s32 $0x186A, s18;
	s31 =	sadd.s32 $0x1000, s3  }
0x12: {  	s11 =	sadd.s32 $0x1200, s3;
	s12 =	sadd.s32 $0x1400, s3;
	s13 =	sadd.s32 $0x1600, s3  }
0x13: {  	s14 =	smax.u32 s14, $0x1;
	s3 =	simm.s32 $0x1B800;
	s25 =	sand.u32 $0x7FF0, s8  }
0x14: {  	s26 =	sadd.s32 s1, s5;
	s8 =	sadd.s32 $0x500, s18;
	[dreg:$0x6] =	wrdreg s31  }
0x15: {  	v1 =	vmov s22;
	s22 =	simm.s32 $0x2;
	s0 =	sadd.s32 s0, s25;
	s4 =	spop (v2sf)  }
0x16: {  	v3 =	vlaneseq.u32;
	v4 =	vimm.s32 $0x0;
	v2 =	vmov s5;
	[dreg:$0x5] =	wrdreg s0;
	s0 =	sadd.s32 s6, s29;
	s30 =	spop (v2sf)  }
0x17: {  	vm0 =	vcmask $0x704;
	vm1 =	vcmask $0x70C;
	[dreg:$0x4] =	wrdreg s26;
	[tilespmem:$0x1FFF0] =	vst v2;
	s15 =	sand.u32 $0x7FF80, s0;
	v0 =	vmov s18;
	s9 =	sxor.u32 $0x80000000, s30  }
.LBB2_1:
0x18: {  	s0 =	rddreg [dreg:$0x4]  }
0x19: {  	[tilespmem:s2], [sflag:$0x1] =	stream.strided.gather [hbm4b:s0+s16], $0xDC00, s17, s16, $0x38;
	[tilespmem:$0x1D300] =	vst v63  }
0x1a: {  	s26 =	rddreg [dreg:$0x5]  }
0x1b: {  	[tilespmem:s3], [sflag:$0x3] =	stream.linear.gather [hbm4b:s26+s2], $0x1900, $0x38;
	[tilespmem:$0x1D300] =	vst v63  }
0x1c: {  	v6 =	vimm.s32 $0x7FFFFFFF;
	_ =	swait.ge [sflag:s19], $0x1900  }
0x1d: {  	v5 =	vimm.s32 $0x0;
	v7 =	vimm.f32 $-Inf;
	v8 =	vimm.s32 $0x7FFFFFFF;
	s29 =	simm.s32 $0x280;
	[sflag:s19] =	ssyncset.done $0x0  }
0x1e: {  	s30 =	simm.s32 $0x0;
	v9 =	vimm.f32 $-Inf;
	v10 =	vimm.s32 $0x7FFFFFFF;
	v11 =	vimm.f32 $-Inf;
	s31 =	simm.s32 $0x0;
	[sflag:s19] =	ssyncadd.s32 $0xFFFFE700  }
.LBB2_2:
0x1f: {  	s3 =	smul.u32 $0x500, s31;
	_ =	sdelay $0x1  }
0x20: {  	_ =	swait.ge [sflag:s20], $0xDC00;
	s0 =	sadd.s32 s5, s3  }
0x21: {  	[sflag:s20] =	ssyncset.done $0x0;
	s0 =	sadd.s32 s1, s0  }
0x22: {  	[sflag:s20] =	ssyncadd.s32 $0xFFFF2400;
	s0 =	sadd.s32 $0x280, s0  }
0x23: {  	[tilespmem:s21], [sflag:$0x2] =	stream.strided.gather [hbm4b:s0+s16], $0xDC00, s17, s16, $0x38;
	[tilespmem:$0x1D300] =	vst v63  }
0x24: {  	s0 =	simm.s32 $0x0  }
0x25: {  	s6 =	sand.u32 $0x70, s0;
	s18 =	sand.u32 $0x1C00, s0  }
0x26: {  	s18 =	sor.u32 s6, s18  }
0x27: {  	v2 =	vld [tilespmem:s18+$0x0]  }
0x28: {  	v14 =	vld [tilespmem:s18+$0x80]  }
0x29: {  	v15 =	vld [tilespmem:s18+$0x100]  }
0x2a: {  	v17 =	vld [tilespmem:s18+$0x180]  }
0x2b: {  	s23 =	sadd.s32 $0x0, s30;
	v18 =	vld [tilespmem:s18+$0x200]  }
0x2c: {  	s23 =	sand.u32 $0x7F80, s23;
	v19 =	vld [tilespmem:s18+$0x280]  }
0x2d: {  	s6 =	sor.u32 s6, s23;
	v13 =	vld [tilespmem:s18+$0xC800]  }
0x2e: {  	v12 =	vld [tilespmem:s6+$0x1B800]  }
0x2f: {  	s26 =	sor.u32 s0, s0;
	v16 =	vld [tilespmem:s18+$0xB700]  }
0x30: {  	s6 =	sor.u32 $0x380, s26;
	v2 =	vmax.f32 v2, v14;
	v14 =	vld [tilespmem:s18+$0x300]  }
0x31: {  	v2 =	vmax.f32 v2, v15;
	v15 =	vld [tilespmem:s6+$0x0]  }
0x32: {  	v2 =	vmax.f32 v2, v17;
	v17 =	vld [tilespmem:s18+$0x1400]  }
0x33: {  	v2 =	vmax.f32 v2, v18;
	v18 =	vld [tilespmem:s18+$0x1480]  }
0x34: {  	v2 =	vmax.f32 v2, v19;
	v19 =	vld [tilespmem:s18+$0x1500]  }
0x35: {  	v2 =	vmax.f32 v2, v14;
	v14 =	vld [tilespmem:s18+$0x1580]  }
0x36: {  	v2 =	vmax.f32 v2, v15;
	v15 =	vld [tilespmem:s18+$0x1600]  }
0x37: {  	v2 =	vmax.f32 v2, v17;
	v17 =	vld [tilespmem:s18+$0x1680]  }
0x38: {  	v2 =	vmax.f32 v2, v18;
	v18 =	vld [tilespmem:s18+$0x1700]  }
0x39: {  	v2 =	vmax.f32 v2, v19;
	v19 =	vld [tilespmem:s18+$0x1780]  }
0x3a: {  	v2 =	vmax.f32 v2, v14;
	v14 =	vld [tilespmem:s18+$0x2800]  }
0x3b: {  	v2 =	vmax.f32 v2, v15;
	v15 =	vld [tilespmem:s18+$0x2880]  }
0x3c: {  	v2 =	vmax.f32 v2, v17;
	v17 =	vld [tilespmem:s18+$0x2900]  }
0x3d: {  	v2 =	vmax.f32 v2, v18;
	v18 =	vld [tilespmem:s18+$0x2980]  }
0x3e: {  	v2 =	vmax.f32 v2, v19;
	v19 =	vld [tilespmem:s18+$0x2A00]  }
0x3f: {  	v2 =	vmax.f32 v2, v14;
	v14 =	vld [tilespmem:s18+$0x2A80]  }
0x40: {  	v2 =	vmax.f32 v2, v15;
	v15 =	vld [tilespmem:s18+$0x2B00]  }
0x41: {  	v2 =	vmax.f32 v2, v17;
	v17 =	vld [tilespmem:s18+$0x2B80]  }
0x42: {  	v2 =	vmax.f32 v2, v18;
	v18 =	vld [tilespmem:s18+$0x3C00]  }
0x43: {  	v2 =	vmax.f32 v2, v19;
	v19 =	vld [tilespmem:s18+$0x3C80]  }
0x44: {  	v2 =	vmax.f32 v2, v14;
	v14 =	vld [tilespmem:s18+$0x3D00]  }
0x45: {  	v2 =	vmax.f32 v2, v15;
	v15 =	vld [tilespmem:s18+$0x3D80]  }
0x46: {  	v2 =	vmax.f32 v2, v17;
	v17 =	vld [tilespmem:s18+$0x3E00]  }
0x47: {  	v2 =	vmax.f32 v2, v18;
	v18 =	vld [tilespmem:s18+$0x3E80]  }
0x48: {  	v2 =	vmax.f32 v2, v19;
	v19 =	vld [tilespmem:s18+$0x3F00]  }
0x49: {  	v2 =	vmax.f32 v2, v14;
	v14 =	vld [tilespmem:s18+$0x3F80]  }
0x4a: {  	v2 =	vmax.f32 v2, v15;
	v15 =	vld [tilespmem:s18+$0x5000]  }
0x4b: {  	v2 =	vmax.f32 v2, v17;
	v17 =	vld [tilespmem:s18+$0x5080]  }
0x4c: {  	v2 =	vmax.f32 v2, v18;
	v18 =	vld [tilespmem:s18+$0x5100]  }
0x4d: {  	v2 =	vmax.f32 v2, v19;
	v19 =	vld [tilespmem:s18+$0x5180]  }
0x4e: {  	v2 =	vmax.f32 v2, v14;
	v14 =	vld [tilespmem:s18+$0x5200]  }
0x4f: {  	v2 =	vmax.f32 v2, v15;
	v15 =	vld [tilespmem:s18+$0x5280]  }
0x50: {  	v2 =	vmax.f32 v2, v17;
	v17 =	vld [tilespmem:s18+$0x5300]  }
0x51: {  	v2 =	vmax.f32 v2, v18;
	v18 =	vld [tilespmem:s18+$0x5380]  }
0x52: {  	v2 =	vmax.f32 v2, v19;
	v19 =	vld [tilespmem:s18+$0x6400]  }
0x53: {  	v2 =	vmax.f32 v2, v14;
	v14 =	vld [tilespmem:s18+$0x6480]  }
0x54: {  	v2 =	vmax.f32 v2, v15;
	v15 =	vld [tilespmem:s18+$0x6500]  }
0x55: {  	v2 =	vmax.f32 v2, v17;
	v17 =	vld [tilespmem:s18+$0x6580]  }
0x56: {  	v2 =	vmax.f32 v2, v18;
	v18 =	vld [tilespmem:s18+$0x6600]  }
0x57: {  	v2 =	vmax.f32 v2, v19;
	v19 =	vld [tilespmem:s18+$0x6680]  }
0x58: {  	v2 =	vmax.f32 v2, v14;
	v14 =	vld [tilespmem:s18+$0x6700]  }
0x59: {  	v2 =	vmax.f32 v2, v15;
	v15 =	vld [tilespmem:s18+$0x6780]  }
0x5a: {  	v2 =	vmax.f32 v2, v17;
	v17 =	vld [tilespmem:s18+$0x7800]  }
0x5b: {  	v2 =	vmax.f32 v2, v18;
	v18 =	vld [tilespmem:s18+$0x7880]  }
0x5c: {  	v2 =	vmax.f32 v2, v19;
	v19 =	vld [tilespmem:s18+$0x7900]  }
0x5d: {  	v2 =	vmax.f32 v2, v14;
	v14 =	vld [tilespmem:s18+$0x7980]  }
0x5e: {  	v2 =	vmax.f32 v2, v15;
	v15 =	vld [tilespmem:s18+$0x7A00]  }
0x5f: {  	v2 =	vmax.f32 v2, v17;
	v17 =	vld [tilespmem:s18+$0x7A80]  }
0x60: {  	v2 =	vmax.f32 v2, v18;
	v18 =	vld [tilespmem:s18+$0x7B00]  }
0x61: {  	v2 =	vmax.f32 v2, v19;
	v19 =	vld [tilespmem:s18+$0x7B80]  }
0x62: {  	v2 =	vmax.f32 v2, v14;
	v14 =	vld [tilespmem:s18+$0x8C00]  }
0x63: {  	v2 =	vmax.f32 v2, v15;
	v15 =	vld [tilespmem:s18+$0x8C80]  }
0x64: {  	v2 =	vmax.f32 v2, v17;
	v17 =	vld [tilespmem:s18+$0x8D00]  }
0x65: {  	v2 =	vmax.f32 v2, v18;
	v18 =	vld [tilespmem:s18+$0x8D80]  }
0x66: {  	v2 =	vmax.f32 v2, v19;
	v19 =	vld [tilespmem:s18+$0x8E00]  }
0x67: {  	v2 =	vmax.f32 v2, v14;
	v14 =	vld [tilespmem:s18+$0x8E80]  }
0x68: {  	v2 =	vmax.f32 v2, v15;
	v15 =	vld [tilespmem:s18+$0x8F00]  }
0x69: {  	v2 =	vmax.f32 v2, v17;
	v17 =	vld [tilespmem:s18+$0x8F80]  }
0x6a: {  	v2 =	vmax.f32 v2, v18;
	v18 =	vld [tilespmem:s18+$0xA000]  }
0x6b: {  	v2 =	vmax.f32 v2, v19;
	v19 =	vld [tilespmem:s18+$0xA080]  }
0x6c: {  	v2 =	vmax.f32 v2, v14;
	v14 =	vld [tilespmem:s18+$0xA100]  }
0x6d: {  	v2 =	vmax.f32 v2, v15;
	v15 =	vld [tilespmem:s18+$0xA180]  }
0x6e: {  	v2 =	vmax.f32 v2, v17;
	v17 =	vld [tilespmem:s18+$0xA200]  }
0x6f: {  	v2 =	vmax.f32 v2, v18;
	v18 =	vld [tilespmem:s18+$0xA280]  }
0x70: {  	v2 =	vmax.f32 v2, v19;
	v19 =	vld [tilespmem:s18+$0xA300]  }
0x71: {  	v2 =	vmax.f32 v2, v14;
	v14 =	vld [tilespmem:s18+$0xA380]  }
0x72: {  	v2 =	vmax.f32 v2, v15;
	v15 =	vld [tilespmem:s18+$0xB400]  }
0x73: {  	v2 =	vmax.f32 v2, v17;
	v17 =	vld [tilespmem:s18+$0xB480]  }
0x74: {  	v2 =	vmax.f32 v2, v18;
	v18 =	vld [tilespmem:s18+$0xB500]  }
0x75: {  	s23 =	simm.s32 $0x10;
	s26 =	simm.s32 $0x80;
	v2 =	vmax.f32 v2, v19;
	v19 =	vld [tilespmem:s18+$0xB580]  }
0x76: {  	v22 =	vld [tilespmem:s18+$0xB600];
	s24 =	sand.u32 $0x1C00, s26;
	s6 =	sand.u32 $0x70, s23;
	v2 =	vmax.f32 v2, v14  }
0x77: {  	v21 =	vld [tilespmem:s18+$0xB680];
	s25 =	sor.u32 s6, s24;
	v2 =	vmax.f32 v2, v15  }
0x78: {  	v14 =	vld [tilespmem:s25+$0x0];
	v2 =	vmax.f32 v2, v17  }
0x79: {  	v17 =	vld [tilespmem:s25+$0x80];
	v2 =	vmax.f32 v2, v18  }
0x7a: {  	s24 =	sadd.s32 s30, s15;
	s18 =	simm.s32 $0x20;
	v15 =	vld [tilespmem:s25+$0x100];
	v23 =	vmax.f32 v2, v19  }
.LBB2_3:
0x7b: {  	p0 =	sne.s32 s18, $0x270;
	v2 =	vld [tilespmem:s25+$0x180];
	v18 =	vmax.f32 v23, v22;
	s7 =	sadd.s32 s0, s24;
	s0 =	smov.u32 s23  }
0x7c: {  	s23 =	smov.u32 s18;
	v19 =	vld [tilespmem:s25+$0x200];
	s10 =	sadd.s32 s0, s30;
	v18 =	vmax.f32 v18, v21;
	v20 =	vor.u32 s7, v3  }
0x7d: {  	v21 =	vld [tilespmem:s25+$0x280];
	s7 =	sand.u32 $0x7F80, s10;
	v16 =	vmax.f32 v18, v16;
	vm2 =	vge.u32 v20, v0;
	vm3 =	vlt.u32 v20, v1  }
0x7e: {  	v14 =	vmax.f32 v14, v17;
	s6 =	sor.u32 s6, s7;
	v16 =	vmax.f32 v16, v13;
	v13 =	vld [tilespmem:s25+$0xC800];
	vm3 =	vmand vm2, vm3  }
0x7f: {  	vm2 =	vne.s32 v12, $0x50;
	v14 =	vmax.f32 v14, v15;
	v12 =	vld [tilespmem:s6+$0x1B800];
	v15 =	vsub.f32 $0.0e+00, v16  }
0x80: {  	s6 =	sor.u32 s26, s0;
	vm2 =	vmand vm3, vm2;
	v2 =	vmax.f32 v14, v2;
	v16 =	vld [tilespmem:s25+$0xB700]  }
0x81: {  	v17 =	vnsel vm3, $0x7FFFFFFF, v20;
	s6 =	sor.u32 $0x380, s6;
	v2 =	vmax.f32 v2, v19;
	v14 =	vld [tilespmem:s25+$0x300];
	v15 =	vnsel vm2, $0xFF800000, v15  }
0x82: {  	v2 =	vmax.f32 v2, v21;
	v18 =	vld [tilespmem:s6+$0x0];
	vm3 =	vgt.f32 v15, v11;
	vm4 =	vgt.f32 v15, v7  }
0x83: {  	vm5 =	vgt.f32 v15, v9;
	v19 =	vld [tilespmem:s25+$0x1400];
	v7 =	vsel vm4, v15, v7;
	v6 =	vsel vm4, v17, v6  }
0x84: {  	v21 =	vsel vm5, v17, v8;
	v20 =	vld [tilespmem:s25+$0x1480];
	v7 =	vsel vm5, v9, v7;
	v9 =	vsel vm5, v15, v9  }
0x85: {  	v6 =	vsel vm5, v8, v6;
	v8 =	vsel vm3, v10, v21;
	v22 =	vld [tilespmem:s25+$0x1500];
	v9 =	vsel vm3, v11, v9  }
0x86: {  	v10 =	vsel vm3, v17, v10;
	v11 =	vsel vm3, v15, v11;
	v2 =	vmax.f32 v2, v14;
	v14 =	vld [tilespmem:s25+$0x1580]  }
0x87: {  	v17 =	vsel vm2, $0x1, v4;
	v2 =	vmax.f32 v2, v18;
	v15 =	vld [tilespmem:s25+$0x1600]  }
0x88: {  	v5 =	vadd.s32 v17, v5;
	v2 =	vmax.f32 v2, v19;
	v18 =	vld [tilespmem:s25+$0x1680]  }
0x89: {  	v2 =	vmax.f32 v2, v20;
	v17 =	vld [tilespmem:s25+$0x1700]  }
0x8a: {  	v2 =	vmax.f32 v2, v22;
	v19 =	vld [tilespmem:s25+$0x1780]  }
0x8b: {  	v2 =	vmax.f32 v2, v14;
	v14 =	vld [tilespmem:s25+$0x2800]  }
0x8c: {  	v2 =	vmax.f32 v2, v15;
	v15 =	vld [tilespmem:s25+$0x2880]  }
0x8d: {  	v2 =	vmax.f32 v2, v18;
	v18 =	vld [tilespmem:s25+$0x2900]  }
0x8e: {  	v2 =	vmax.f32 v2, v17;
	v17 =	vld [tilespmem:s25+$0x2980]  }
0x8f: {  	v2 =	vmax.f32 v2, v19;
	v19 =	vld [tilespmem:s25+$0x2A00]  }
0x90: {  	v2 =	vmax.f32 v2, v14;
	v14 =	vld [tilespmem:s25+$0x2A80]  }
0x91: {  	v2 =	vmax.f32 v2, v15;
	v15 =	vld [tilespmem:s25+$0x2B00]  }
0x92: {  	v2 =	vmax.f32 v2, v18;
	v18 =	vld [tilespmem:s25+$0x2B80]  }
0x93: {  	v2 =	vmax.f32 v2, v17;
	v17 =	vld [tilespmem:s25+$0x3C00]  }
0x94: {  	v2 =	vmax.f32 v2, v19;
	v19 =	vld [tilespmem:s25+$0x3C80]  }
0x95: {  	v2 =	vmax.f32 v2, v14;
	v14 =	vld [tilespmem:s25+$0x3D00]  }
0x96: {  	v2 =	vmax.f32 v2, v15;
	v15 =	vld [tilespmem:s25+$0x3D80]  }
0x97: {  	v2 =	vmax.f32 v2, v18;
	v18 =	vld [tilespmem:s25+$0x3E00]  }
0x98: {  	v2 =	vmax.f32 v2, v17;
	v17 =	vld [tilespmem:s25+$0x3E80]  }
0x99: {  	v2 =	vmax.f32 v2, v19;
	v19 =	vld [tilespmem:s25+$0x3F00]  }
0x9a: {  	v2 =	vmax.f32 v2, v14;
	v14 =	vld [tilespmem:s25+$0x3F80]  }
0x9b: {  	v2 =	vmax.f32 v2, v15;
	v15 =	vld [tilespmem:s25+$0x5000]  }
0x9c: {  	v2 =	vmax.f32 v2, v18;
	v18 =	vld [tilespmem:s25+$0x5080]  }
0x9d: {  	v2 =	vmax.f32 v2, v17;
	v17 =	vld [tilespmem:s25+$0x5100]  }
0x9e: {  	v2 =	vmax.f32 v2, v19;
	v19 =	vld [tilespmem:s25+$0x5180]  }
0x9f: {  	v2 =	vmax.f32 v2, v14;
	v14 =	vld [tilespmem:s25+$0x5200]  }
0xa0: {  	v2 =	vmax.f32 v2, v15;
	v15 =	vld [tilespmem:s25+$0x5280]  }
0xa1: {  	v2 =	vmax.f32 v2, v18;
	v18 =	vld [tilespmem:s25+$0x5300]  }
0xa2: {  	v2 =	vmax.f32 v2, v17;
	v17 =	vld [tilespmem:s25+$0x5380]  }
0xa3: {  	v2 =	vmax.f32 v2, v19;
	v19 =	vld [tilespmem:s25+$0x6400]  }
0xa4: {  	v2 =	vmax.f32 v2, v14;
	v14 =	vld [tilespmem:s25+$0x6480]  }
0xa5: {  	v2 =	vmax.f32 v2, v15;
	v15 =	vld [tilespmem:s25+$0x6500]  }
0xa6: {  	v2 =	vmax.f32 v2, v18;
	v18 =	vld [tilespmem:s25+$0x6580]  }
0xa7: {  	v2 =	vmax.f32 v2, v17;
	v17 =	vld [tilespmem:s25+$0x6600]  }
0xa8: {  	v2 =	vmax.f32 v2, v19;
	v19 =	vld [tilespmem:s25+$0x6680]  }
0xa9: {  	v2 =	vmax.f32 v2, v14;
	v14 =	vld [tilespmem:s25+$0x6700]  }
0xaa: {  	v2 =	vmax.f32 v2, v15;
	v15 =	vld [tilespmem:s25+$0x6780]  }
0xab: {  	v2 =	vmax.f32 v2, v18;
	v18 =	vld [tilespmem:s25+$0x7800]  }
0xac: {  	v2 =	vmax.f32 v2, v17;
	v17 =	vld [tilespmem:s25+$0x7880]  }
0xad: {  	v2 =	vmax.f32 v2, v19;
	v19 =	vld [tilespmem:s25+$0x7900]  }
0xae: {  	v2 =	vmax.f32 v2, v14;
	v14 =	vld [tilespmem:s25+$0x7980]  }
0xaf: {  	v2 =	vmax.f32 v2, v15;
	v15 =	vld [tilespmem:s25+$0x7A00]  }
0xb0: {  	v2 =	vmax.f32 v2, v18;
	v18 =	vld [tilespmem:s25+$0x7A80]  }
0xb1: {  	v2 =	vmax.f32 v2, v17;
	v17 =	vld [tilespmem:s25+$0x7B00]  }
0xb2: {  	v2 =	vmax.f32 v2, v19;
	v19 =	vld [tilespmem:s25+$0x7B80]  }
0xb3: {  	v2 =	vmax.f32 v2, v14;
	v14 =	vld [tilespmem:s25+$0x8C00]  }
0xb4: {  	v2 =	vmax.f32 v2, v15;
	v15 =	vld [tilespmem:s25+$0x8C80]  }
0xb5: {  	v2 =	vmax.f32 v2, v18;
	v18 =	vld [tilespmem:s25+$0x8D00]  }
0xb6: {  	v2 =	vmax.f32 v2, v17;
	v17 =	vld [tilespmem:s25+$0x8D80]  }
0xb7: {  	v2 =	vmax.f32 v2, v19;
	v19 =	vld [tilespmem:s25+$0x8E00]  }
0xb8: {  	v2 =	vmax.f32 v2, v14;
	v14 =	vld [tilespmem:s25+$0x8E80]  }
0xb9: {  	v2 =	vmax.f32 v2, v15;
	v15 =	vld [tilespmem:s25+$0x8F00]  }
0xba: {  	v2 =	vmax.f32 v2, v18;
	v18 =	vld [tilespmem:s25+$0x8F80]  }
0xbb: {  	v2 =	vmax.f32 v2, v17;
	v17 =	vld [tilespmem:s25+$0xA000]  }
0xbc: {  	v2 =	vmax.f32 v2, v19;
	v19 =	vld [tilespmem:s25+$0xA080]  }
0xbd: {  	v2 =	vmax.f32 v2, v14;
	v14 =	vld [tilespmem:s25+$0xA100]  }
0xbe: {  	v2 =	vmax.f32 v2, v15;
	v15 =	vld [tilespmem:s25+$0xA180]  }
0xbf: {  	v2 =	vmax.f32 v2, v18;
	v18 =	vld [tilespmem:s25+$0xA200]  }
0xc0: {  	v2 =	vmax.f32 v2, v17;
	v17 =	vld [tilespmem:s25+$0xA280]  }
0xc1: {  	v2 =	vmax.f32 v2, v19;
	v19 =	vld [tilespmem:s25+$0xA300]  }
0xc2: {  	v2 =	vmax.f32 v2, v14;
	v14 =	vld [tilespmem:s25+$0xA380]  }
0xc3: {  	v2 =	vmax.f32 v2, v15;
	v15 =	vld [tilespmem:s25+$0xB400]  }
0xc4: {  	v2 =	vmax.f32 v2, v18;
	v18 =	vld [tilespmem:s25+$0xB480]  }
0xc5: {  	v2 =	vmax.f32 v2, v17;
	v20 =	vld [tilespmem:s25+$0xB500]  }
0xc6: {  	s26 =	sadd.s32 $0x80, s26;
	v2 =	vmax.f32 v2, v19;
	v19 =	vld [tilespmem:s25+$0xB580]  }
.Ltmp0:
0xc7: {  	s7 =	sand.u32 $0x1C00, s26;
	s6 =	sand.u32 $0x70, s18;
	v2 =	vmax.f32 v2, v14;
	v22 =	vld [tilespmem:s25+$0xB600];
	(pc) =	sbr.rel @p0 .LBB2_3-.Ltmp0, $4  }
0xc8: {  	v2 =	vmax.f32 v2, v15;
	v21 =	vld [tilespmem:s25+$0xB680];
	s25 =	sor.u32 s6, s7  }
0xc9: {  	v14 =	vld [tilespmem:s25+$0x0];
	v2 =	vmax.f32 v2, v18  }
0xca: {  	v17 =	vld [tilespmem:s25+$0x80];
	v2 =	vmax.f32 v2, v20  }
0xcb: {  	s18 =	sadd.s32 $0x10, s18;
	v15 =	vld [tilespmem:s25+$0x100];
	v23 =	vmax.f32 v2, v19  }
0xcc: {  	v55 =	vld [tilespmem:s25+$0x6700];
	_ =	sdelay $0x4  }
0xcd: {  	[tilespmem:$0x1FE00] =	vst v55;
	v55 =	vld [tilespmem:s25+$0x6780];
	_ =	sdelay $0x4  }
0xce: {  	[tilespmem:$0x1FE10] =	vst v55;
	v55 =	vld [tilespmem:s25+$0x7800];
	_ =	sdelay $0x4  }
0xcf: {  	[tilespmem:$0x1FE20] =	vst v55;
	v55 =	vld [tilespmem:s25+$0x7880];
	_ =	sdelay $0x4  }
0xd0: {  	[tilespmem:$0x1FE30] =	vst v55;
	v55 =	vld [tilespmem:s25+$0x7900];
	_ =	sdelay $0x4  }
0xd1: {  	[tilespmem:$0x1FE40] =	vst v55;
	v55 =	vld [tilespmem:s25+$0x7980];
	_ =	sdelay $0x4  }
0xd2: {  	[tilespmem:$0x1FE50] =	vst v55;
	v55 =	vld [tilespmem:s25+$0x7A00];
	_ =	sdelay $0x4  }
0xd3: {  	[tilespmem:$0x1FE60] =	vst v55;
	v55 =	vld [tilespmem:s25+$0x7A80];
	_ =	sdelay $0x4  }
0xd4: {  	[tilespmem:$0x1FE70] =	vst v55;
	v55 =	vld [tilespmem:s25+$0x7B00];
	_ =	sdelay $0x4  }
0xd5: {  	[tilespmem:$0x1FE80] =	vst v55;
	v55 =	vld [tilespmem:s25+$0x7B80];
	_ =	sdelay $0x4  }
0xd6: {  	[tilespmem:$0x1FE90] =	vst v55;
	v55 =	vld [tilespmem:s25+$0x8C00];
	_ =	sdelay $0x4  }
0xd7: {  	[tilespmem:$0x1FEA0] =	vst v55;
	v55 =	vld [tilespmem:s25+$0x8C80];
	_ =	sdelay $0x4  }
0xd8: {  	[tilespmem:$0x1FEB0] =	vst v55;
	v55 =	vld [tilespmem:s25+$0x8D00];
	_ =	sdelay $0x4  }
0xd9: {  	[tilespmem:$0x1FEC0] =	vst v55;
	v55 =	vld [tilespmem:s25+$0x8D80];
	_ =	sdelay $0x2  }
0xda: {  	v24 =	vld [tilespmem:s25+$0x180]  }
0xdb: {  	v25 =	vld [tilespmem:s25+$0x200]  }
0xdc: {  	[tilespmem:$0x1FED0] =	vst v55;
	v55 =	vld [tilespmem:s25+$0x8E00]  }
0xdd: {  	v20 =	vld [tilespmem:s25+$0x280]  }
0xde: {  	v2 =	vld [tilespmem:s25+$0xC800]  }
0xdf: {  	v19 =	vld [tilespmem:s25+$0x1400]  }
0xe0: {  	v26 =	vld [tilespmem:s25+$0x1480]  }
0xe1: {  	[tilespmem:$0x1FEE0] =	vst v55;
	v55 =	vld [tilespmem:s25+$0x8E80]  }
0xe2: {  	v27 =	vld [tilespmem:s25+$0x1500]  }
0xe3: {  	v28 =	vld [tilespmem:s25+$0x1580]  }
0xe4: {  	v29 =	vld [tilespmem:s25+$0x1600]  }
0xe5: {  	v30 =	vld [tilespmem:s25+$0x1680]  }
0xe6: {  	s7 =	sadd.s32 s23, s30;
	[tilespmem:$0x1FEF0] =	vst v55;
	v55 =	vld [tilespmem:s25+$0x8F00]  }
0xe7: {  	v31 =	vld [tilespmem:s25+$0x1700];
	s7 =	sand.u32 $0x7F80, s7  }
0xe8: {  	v32 =	vld [tilespmem:s25+$0x1780];
	s6 =	sor.u32 s6, s7  }
0xe9: {  	[tilespmem:$0x1FFD0] =	vst v2;
	v2 =	vld [tilespmem:s6+$0x1B800]  }
0xea: {  	v33 =	vld [tilespmem:s25+$0x2800]  }
0xeb: {  	[tilespmem:$0x1FF00] =	vst v55;
	v55 =	vld [tilespmem:s25+$0x8F80]  }
0xec: {  	v34 =	vld [tilespmem:s25+$0x2880]  }
0xed: {  	v35 =	vld [tilespmem:s25+$0x2900]  }
0xee: {  	[tilespmem:$0x1FFE0] =	vst v2;
	v2 =	vld [tilespmem:s25+$0xB700]  }
0xef: {  	v36 =	vld [tilespmem:s25+$0x2980]  }
0xf0: {  	[tilespmem:$0x1FF10] =	vst v55;
	v55 =	vld [tilespmem:s25+$0xA000]  }
0xf1: {  	v37 =	vld [tilespmem:s25+$0x2A00]  }
0xf2: {  	v38 =	vld [tilespmem:s25+$0x2A80];
	s7 =	sor.u32 s26, s23  }
0xf3: {  	v14 =	vmax.f32 v14, v17;
	s6 =	sor.u32 $0x380, s7;
	[tilespmem:$0x1FFC0] =	vst v2;
	v2 =	vld [tilespmem:s25+$0x300]  }
0xf4: {  	v14 =	vmax.f32 v14, v15;
	v18 =	vld [tilespmem:s6+$0x0]  }
0xf5: {  	v14 =	vmax.f32 v14, v24;
	[tilespmem:$0x1FF20] =	vst v55;
	v55 =	vld [tilespmem:s25+$0xA080]  }
0xf6: {  	v39 =	vld [tilespmem:s25+$0x2B00];
	v14 =	vmax.f32 v14, v25  }
0xf7: {  	v40 =	vld [tilespmem:s25+$0x2B80];
	v14 =	vmax.f32 v14, v20  }
0xf8: {  	v41 =	vld [tilespmem:s25+$0x3C00];
	v14 =	vmax.f32 v14, v2  }
0xf9: {  	v42 =	vld [tilespmem:s25+$0x3C80];
	v14 =	vmax.f32 v14, v18  }
0xfa: {  	v14 =	vmax.f32 v14, v19;
	[tilespmem:$0x1FF30] =	vst v55;
	v55 =	vld [tilespmem:s25+$0xA100]  }
0xfb: {  	v43 =	vld [tilespmem:s25+$0x3D00];
	v14 =	vmax.f32 v14, v26  }
0xfc: {  	v44 =	vld [tilespmem:s25+$0x3D80];
	v14 =	vmax.f32 v14, v27  }
0xfd: {  	v45 =	vld [tilespmem:s25+$0x3E00];
	v14 =	vmax.f32 v14, v28  }
0xfe: {  	v46 =	vld [tilespmem:s25+$0x3E80];
	v14 =	vmax.f32 v14, v29  }
0xff: {  	v14 =	vmax.f32 v14, v30;
	[tilespmem:$0x1FF40] =	vst v55;
	v55 =	vld [tilespmem:s25+$0xA180]  }
0x100: {  	v47 =	vld [tilespmem:s25+$0x3F00];
	v14 =	vmax.f32 v14, v31  }
0x101: {  	v48 =	vld [tilespmem:s25+$0x3F80];
	v14 =	vmax.f32 v14, v32  }
0x102: {  	v49 =	vld [tilespmem:s25+$0x5000];
	v14 =	vmax.f32 v14, v33  }
0x103: {  	v17 =	vld [tilespmem:s25+$0xB400];
	v14 =	vmax.f32 v14, v34  }
0x104: {  	v14 =	vmax.f32 v14, v35;
	[tilespmem:$0x1FF50] =	vst v55;
	v55 =	vld [tilespmem:s25+$0xA200]  }
0x105: {  	v50 =	vld [tilespmem:s25+$0x5080];
	v14 =	vmax.f32 v14, v36  }
0x106: {  	v51 =	vld [tilespmem:s25+$0x5100];
	v14 =	vmax.f32 v14, v37  }
0x107: {  	v52 =	vld [tilespmem:s25+$0x5180];
	v14 =	vmax.f32 v14, v38  }
0x108: {  	v53 =	vld [tilespmem:s25+$0x5200];
	[tilespmem:$0x1FFA0] =	vst v17;
	v17 =	vmax.f32 v14, v39  }
0x109: {  	v40 =	vmax.f32 v17, v40;
	[tilespmem:$0x1FF60] =	vst v55;
	v55 =	vld [tilespmem:s25+$0xA280]  }
0x10a: {  	v54 =	vld [tilespmem:s25+$0x5280];
	v30 =	vmax.f32 v40, v41  }
0x10b: {  	v63 =	vld [tilespmem:s25+$0x5300];
	v30 =	vmax.f32 v30, v42  }
0x10c: {  	v62 =	vld [tilespmem:s25+$0x5380];
	v30 =	vmax.f32 v30, v43  }
0x10d: {  	v61 =	vld [tilespmem:s25+$0x6400];
	v30 =	vmax.f32 v30, v44  }
0x10e: {  	v30 =	vmax.f32 v30, v45;
	[tilespmem:$0x1FF70] =	vst v55;
	v55 =	vld [tilespmem:s25+$0xA300]  }
0x10f: {  	v60 =	vld [tilespmem:s25+$0x6480];
	v30 =	vmax.f32 v30, v46  }
0x110: {  	v59 =	vld [tilespmem:s25+$0x6500];
	v30 =	vmax.f32 v30, v47  }
0x111: {  	v58 =	vld [tilespmem:s25+$0x6580];
	v30 =	vmax.f32 v30, v48  }
0x112: {  	v15 =	vld [tilespmem:s25+$0xB480];
	v30 =	vmax.f32 v30, v49  }
0x113: {  	v30 =	vmax.f32 v30, v50;
	[tilespmem:$0x1FF80] =	vst v55;
	v55 =	vld [tilespmem:s25+$0xA380]  }
0x114: {  	v57 =	vld [tilespmem:s25+$0x6600];
	v30 =	vmax.f32 v30, v51  }
0x115: {  	v56 =	vld [tilespmem:s25+$0x6680];
	v30 =	vmax.f32 v30, v52  }
0x116: {  	v24 =	vld [tilespmem:s25+$0xB500];
	v30 =	vmax.f32 v30, v53  }
0x117: {  	v25 =	vld [tilespmem:s25+$0xB580];
	[tilespmem:$0x1FFB0] =	vst v15;
	v30 =	vmax.f32 v30, v54  }
0x118: {  	v20 =	vld [tilespmem:s25+$0xB600];
	v30 =	vmax.f32 v30, v63;
	[tilespmem:$0x1FF90] =	vst v55  }
0x119: {  	v2 =	vld [tilespmem:s25+$0xB680];
	v30 =	vmax.f32 v30, v62;
	_ =	swait.ge [sflag:s22], $0xDC00  }
0x11a: {  	v30 =	vmax.f32 v30, v61;
	v39 =	vld [tilespmem:$0x1FE00]  }
0x11b: {  	p0 =	seq.s32 s31, $0x4;
	v30 =	vmax.f32 v30, v60;
	v41 =	vld [tilespmem:$0x1FE10]  }
0x11c: {  	s3 =	sadd.s32 @!p0 s3, s8;
	v30 =	vmax.f32 v30, v59;
	v46 =	vld [tilespmem:$0x1FE40]  }
0x11d: {  	s3 =	sand.u32 @!p0 $0x7FF80, s3;
	v30 =	vmax.f32 v30, v58;
	v54 =	vld [tilespmem:$0x1FE80]  }
0x11e: {  	s10 =	simm.s32 @!p0 $0x0;
	s3 =	sadd.s32 @!p0 s1, s3;
	v30 =	vmax.f32 v30, v57;
	[sflag:s22] =	ssyncset.done $0x0;
	v57 =	vld [tilespmem:$0x1FEA0]  }
0x11f: {  	v22 =	vmax.f32 v23, v22;
	s7 =	simm.s32 @!p0 $0x186C00;
	s6 =	simm.s32 @!p0 $0x1400;
	v59 =	vld [tilespmem:$0x1FEB0];
	[sflag:s22] =	ssyncadd.s32 $0xFFFF2400  }
0x120: {  	v21 =	vmax.f32 v22, v21;
	v61 =	vld [tilespmem:$0x1FEC0];
	[tilespmem:s10], [sflag:$0x1] =	stream.strided.gather @!p0 [hbm4b:s3+s6], $0xDC00, s7, s6, $0x38  }
0x121: {  	v16 =	vmax.f32 v21, v16;
	v63 =	vld [tilespmem:$0x1FED0];
	s3 =	simm.s32 $0x0  }
0x122: {  	v13 =	vmax.f32 v16, v13;
	v16 =	vld [tilespmem:$0x1FF70];
	s10 =	sand.u32 $0x70, s3;
	s25 =	sand.u32 $0x1C00, s3  }
0x123: {  	vm2 =	vne.s32 v12, $0x50;
	v12 =	vld [tilespmem:$0x1FF80];
	s18 =	sor.u32 s10, s25  }
0x124: {  	v18 =	vld [tilespmem:s18+$0xDC00]  }
0x125: {  	v19 =	vld [tilespmem:s18+$0xDC80]  }
0x126: {  	v34 =	vld [tilespmem:s18+$0xDD00]  }
0x127: {  	s26 =	sadd.s32 $0x0, s29;
	v35 =	vld [tilespmem:s18+$0xDD80]  }
0x128: {  	s7 =	sand.u32 $0xFF80, s26;
	v36 =	vld [tilespmem:s18+$0xDE00]  }
0x129: {  	s6 =	sor.u32 s10, s7;
	v37 =	vld [tilespmem:s18+$0xDE80]  }
0x12a: {  	v14 =	vld [tilespmem:s6+$0x1B800]  }
0x12b: {  	v43 =	vld [tilespmem:s18+$0xF000]  }
0x12c: {  	v44 =	vld [tilespmem:s18+$0xF080]  }
0x12d: {  	v45 =	vld [tilespmem:s18+$0xF100]  }
0x12e: {  	v47 =	vld [tilespmem:s18+$0xF200]  }
0x12f: {  	v48 =	vld [tilespmem:s18+$0xF280]  }
0x130: {  	v49 =	vld [tilespmem:s18+$0xF300]  }
0x131: {  	v50 =	vld [tilespmem:s18+$0xF380]  }
0x132: {  	v52 =	vld [tilespmem:s18+$0x10480]  }
0x133: {  	v53 =	vld [tilespmem:s18+$0x10500]  }
0x134: {  	v55 =	vld [tilespmem:s18+$0x10580]  }
0x135: {  	v33 =	vld [tilespmem:s18+$0x10600]  }
0x136: {  	v38 =	vld [tilespmem:s18+$0x11980]  }
0x137: {  	v40 =	vld [tilespmem:s18+$0x11A00]  }
0x138: {  	v51 =	vld [tilespmem:s18+$0x12D00]  }
0x139: {  	v30 =	vmax.f32 v30, v56;
	v56 =	vld [tilespmem:s18+$0x12E80]  }
0x13a: {  	v58 =	vld [tilespmem:s18+$0x12F00]  }
0x13b: {  	v60 =	vld [tilespmem:s18+$0x12F80]  }
0x13c: {  	s10 =	sor.u32 s3, s3;
	v62 =	vld [tilespmem:s18+$0x14000]  }
0x13d: {  	s6 =	sor.u32 $0x380, s10;
	v18 =	vmax.f32 v18, v19;
	v19 =	vld [tilespmem:s18+$0xDF00]  }
0x13e: {  	v42 =	vld [tilespmem:s6+$0xDC00];
	v18 =	vmax.f32 v18, v34  }
0x13f: {  	v30 =	vmax.f32 v30, v39;
	v39 =	vld [tilespmem:$0x1FF10];
	v18 =	vmax.f32 v18, v35  }
0x140: {  	v30 =	vmax.f32 v30, v41;
	v41 =	vld [tilespmem:$0x1FF20];
	v18 =	vmax.f32 v18, v36  }
0x141: {  	v34 =	vld [tilespmem:s18+$0x10700];
	v18 =	vmax.f32 v18, v37  }
0x142: {  	v18 =	vmax.f32 v18, v19;
	v19 =	vld [tilespmem:s18+$0xF180]  }
0x143: {  	v35 =	vld [tilespmem:s18+$0x10780];
	v18 =	vmax.f32 v18, v42  }
0x144: {  	v36 =	vld [tilespmem:s18+$0x11800];
	v18 =	vmax.f32 v18, v43  }
0x145: {  	v37 =	vld [tilespmem:s18+$0x11880];
	v18 =	vmax.f32 v18, v44  }
0x146: {  	v42 =	vld [tilespmem:s18+$0x11A80];
	v18 =	vmax.f32 v18, v45  }
0x147: {  	v18 =	vmax.f32 v18, v19;
	v19 =	vld [tilespmem:s18+$0x10400]  }
0x148: {  	v43 =	vld [tilespmem:$0x1FE20];
	v18 =	vmax.f32 v18, v47  }
0x149: {  	v44 =	vld [tilespmem:s18+$0x11B00];
	v18 =	vmax.f32 v18, v48  }
0x14a: {  	v45 =	vld [tilespmem:$0x1FE30];
	v18 =	vmax.f32 v18, v49  }
0x14b: {  	v47 =	vld [tilespmem:s18+$0x12C00];
	v18 =	vmax.f32 v18, v50  }
0x14c: {  	v18 =	vmax.f32 v18, v19;
	v19 =	vld [tilespmem:s18+$0x10680]  }
0x14d: {  	v48 =	vld [tilespmem:$0x1FE50];
	v18 =	vmax.f32 v18, v52  }
0x14e: {  	v30 =	vmax.f32 v30, v43;
	v43 =	vld [tilespmem:s18+$0x14380];
	v18 =	vmax.f32 v18, v53  }
0x14f: {  	v49 =	vld [tilespmem:s18+$0x12C80];
	v18 =	vmax.f32 v18, v55  }
0x150: {  	v50 =	vld [tilespmem:$0x1FE60];
	v18 =	vmax.f32 v18, v33  }
0x151: {  	v18 =	vmax.f32 v18, v19;
	v19 =	vld [tilespmem:s18+$0x11900]  }
0x152: {  	v30 =	vmax.f32 v30, v45;
	v45 =	vld [tilespmem:s18+$0x15400];
	v18 =	vmax.f32 v18, v34  }
0x153: {  	v30 =	vmax.f32 v30, v46;
	v46 =	vld [tilespmem:$0x1FF50];
	v18 =	vmax.f32 v18, v35  }
0x154: {  	v52 =	vld [tilespmem:$0x1FE70];
	v18 =	vmax.f32 v18, v36  }
0x155: {  	v53 =	vld [tilespmem:s18+$0x12D80];
	v18 =	vmax.f32 v18, v37  }
0x156: {  	v18 =	vmax.f32 v18, v19;
	v19 =	vld [tilespmem:s18+$0x11B80]  }
0x157: {  	v55 =	vld [tilespmem:$0x1FE90];
	v18 =	vmax.f32 v18, v38  }
0x158: {  	v30 =	vmax.f32 v30, v48;
	v48 =	vld [tilespmem:$0x1FF60];
	v18 =	vmax.f32 v18, v40  }
0x159: {  	v30 =	vmax.f32 v30, v50;
	v33 =	vld [tilespmem:$0x1FEE0];
	v18 =	vmax.f32 v18, v42  }
0x15a: {  	v50 =	vld [tilespmem:$0x1FF90];
	v30 =	vmax.f32 v30, v52;
	v18 =	vmax.f32 v18, v44  }
0x15b: {  	v30 =	vmax.f32 v30, v54;
	v18 =	vmax.f32 v18, v19;
	v19 =	vld [tilespmem:s18+$0x12E00]  }
0x15c: {  	v34 =	vld [tilespmem:s18+$0x14100];
	v30 =	vmax.f32 v30, v55;
	v18 =	vmax.f32 v18, v47  }
0x15d: {  	v35 =	vld [tilespmem:$0x1FEF0];
	v30 =	vmax.f32 v30, v57;
	v18 =	vmax.f32 v18, v49  }
0x15e: {  	v37 =	vld [tilespmem:$0x1FF00];
	v30 =	vmax.f32 v30, v59;
	v18 =	vmax.f32 v18, v51  }
0x15f: {  	v36 =	vld [tilespmem:s18+$0x14180];
	v30 =	vmax.f32 v30, v61;
	v18 =	vmax.f32 v18, v53  }
0x160: {  	v30 =	vmax.f32 v30, v63;
	v18 =	vmax.f32 v18, v19;
	v19 =	vld [tilespmem:s18+$0x14080]  }
0x161: {  	v30 =	vmax.f32 v30, v33;
	v42 =	vld [tilespmem:$0x1FF30];
	v18 =	vmax.f32 v18, v56  }
0x162: {  	v30 =	vmax.f32 v30, v35;
	v44 =	vld [tilespmem:$0x1FF40];
	v18 =	vmax.f32 v18, v58  }
0x163: {  	v38 =	vld [tilespmem:s18+$0x14200];
	v30 =	vmax.f32 v30, v37;
	v18 =	vmax.f32 v18, v60  }
0x164: {  	v40 =	vld [tilespmem:s18+$0x14280];
	v30 =	vmax.f32 v30, v39;
	v18 =	vmax.f32 v18, v62  }
0x165: {  	v30 =	vmax.f32 v30, v41;
	v18 =	vmax.f32 v18, v19;
	v19 =	vld [tilespmem:s18+$0x14300]  }
0x166: {  	v52 =	vld [tilespmem:s18+$0x15680];
	v30 =	vmax.f32 v30, v42;
	v18 =	vmax.f32 v18, v34  }
0x167: {  	v54 =	vld [tilespmem:s18+$0x15780];
	v23 =	vmax.f32 v30, v44;
	v18 =	vmax.f32 v18, v36  }
0x168: {  	s0 =	sadd.s32 s0, s24;
	v47 =	vld [tilespmem:s18+$0x15480];
	v22 =	vmax.f32 v23, v46;
	v18 =	vmax.f32 v18, v38  }
0x169: {  	v49 =	vld [tilespmem:s18+$0x15500];
	v51 =	vor.u32 s0, v3;
	v21 =	vmax.f32 v22, v48;
	v18 =	vmax.f32 v18, v40  }
0x16a: {  	vm3 =	vge.u32 v51, v0;
	v16 =	vmax.f32 v21, v16;
	v18 =	vmax.f32 v18, v19;
	v19 =	vld [tilespmem:s18+$0x15580]  }
0x16b: {  	vm4 =	vlt.u32 v51, v1;
	v12 =	vmax.f32 v16, v12;
	v16 =	vmax.f32 v18, v43;
	v18 =	vld [tilespmem:s18+$0x15600]  }
0x16c: {  	v13 =	vsub.f32 $0.0e+00, v13;
	v55 =	vld [tilespmem:$0x1FFA0];
	vm3 =	vmand vm3, vm4;
	v16 =	vmax.f32 v16, v45  }
0x16d: {  	v53 =	vld [tilespmem:s18+$0x15700];
	vm2 =	vmand vm3, vm2;
	v16 =	vmax.f32 v16, v47  }
0x16e: {  	v59 =	vld [tilespmem:$0x1FFB0];
	v13 =	vnsel vm2, $0xFF800000, v13;
	v16 =	vmax.f32 v16, v49  }
0x16f: {  	v21 =	vnsel vm3, $0x7FFFFFFF, v51;
	vm3 =	vgt.f32 v13, v11;
	v16 =	vmax.f32 v16, v19;
	v19 =	vld [tilespmem:s18+$0x16800]  }
0x170: {  	vm11 =	vgt.f32 v13, v7;
	vm5 =	vgt.f32 v13, v9;
	v16 =	vmax.f32 v16, v18;
	v18 =	vld [tilespmem:s18+$0x16880]  }
0x171: {  	v56 =	vld [tilespmem:s18+$0x16900];
	v12 =	vmax.f32 v12, v50;
	v7 =	vsel vm11, v13, v7;
	v16 =	vmax.f32 v16, v52  }
0x172: {  	v57 =	vld [tilespmem:s18+$0x16980];
	v60 =	vsel vm3, v13, v11;
	v6 =	vsel vm11, v21, v6;
	v16 =	vmax.f32 v16, v53  }
0x173: {  	v58 =	vld [tilespmem:s18+$0x16A00];
	v12 =	vmax.f32 v12, v55;
	v7 =	vsel vm5, v9, v7;
	v16 =	vmax.f32 v16, v54  }
0x174: {  	v9 =	vsel vm5, v13, v9;
	v12 =	vmax.f32 v12, v59;
	v16 =	vmax.f32 v16, v19;
	v19 =	vld [tilespmem:s18+$0x16A80]  }
0x175: {  	v9 =	vsel vm3, v11, v9;
	v11 =	vmax.f32 v12, v24;
	v12 =	vmax.f32 v16, v18  }
0x176: {  	v15 =	vld [tilespmem:s18+$0x1A400];
	v6 =	vsel vm5, v8, v6;
	v11 =	vmax.f32 v11, v25;
	v12 =	vmax.f32 v12, v56  }
0x177: {  	v17 =	vld [tilespmem:s18+$0x19300];
	v8 =	vsel vm5, v21, v8;
	v11 =	vmax.f32 v11, v20;
	v12 =	vmax.f32 v12, v57  }
0x178: {  	v20 =	vsel vm3, v10, v8;
	v2 =	vmax.f32 v11, v2;
	v11 =	vld [tilespmem:$0x1FFC0];
	v8 =	vmax.f32 v12, v58  }
0x179: {  	v8 =	vmax.f32 v8, v19;
	v19 =	vld [tilespmem:$0x1FFD0]  }
0x17a: {  	v13 =	vld [tilespmem:s18+$0x16B00]  }
0x17b: {  	v16 =	vld [tilespmem:s18+$0x16B80]  }
0x17c: {  	v18 =	vld [tilespmem:s18+$0x17C00]  }
0x17d: {  	v2 =	vmax.f32 v2, v11;
	v12 =	vld [tilespmem:s18+$0x17C80]  }
0x17e: {  	v2 =	vmax.f32 v2, v19;
	v19 =	vld [tilespmem:$0x1FFE0]  }
0x17f: {  	s23 =	sadd.s32 s23, s24;
	v21 =	vsel vm3, v21, v10;
	v10 =	vld [tilespmem:s18+$0x17D00]  }
0x180: {  	v11 =	vor.u32 s23, v3;
	v8 =	vmax.f32 v8, v13;
	v13 =	vld [tilespmem:s18+$0x17D80]  }
0x181: {  	vm3 =	vge.u32 v11, v0;
	vm12 =	vlt.u32 v11, v1;
	v8 =	vmax.f32 v8, v16;
	v16 =	vld [tilespmem:s18+$0x17E00]  }
0x182: {  	vm3 =	vmand vm3, vm12;
	v8 =	vmax.f32 v8, v18;
	v18 =	vld [tilespmem:s18+$0x17E80]  }
0x183: {  	v8 =	vmax.f32 v8, v12;
	v12 =	vld [tilespmem:s18+$0x17F00];
	v2 =	vsub.f32 $0.0e+00, v2;
	vm13 =	vne.s32 v19, $0x50  }
0x184: {  	v8 =	vmax.f32 v8, v10;
	v10 =	vld [tilespmem:s18+$0x17F80];
	v19 =	vsel vm2, $0x1, v4;
	vm2 =	vmand vm3, vm13  }
0x185: {  	v61 =	vadd.s32 v19, v5;
	v19 =	vld [tilespmem:s18+$0x19000];
	v5 =	vnsel vm2, $0xFF800000, v2;
	v2 =	vmax.f32 v8, v13  }
0x186: {  	v62 =	vnsel vm3, $0x7FFFFFFF, v11;
	vm3 =	vgt.f32 v5, v60;
	v2 =	vmax.f32 v2, v16;
	v16 =	vld [tilespmem:s18+$0x19080]  }
0x187: {  	vm14 =	vgt.f32 v5, v7;
	vm15 =	vgt.f32 v5, v9;
	v2 =	vmax.f32 v2, v18;
	v18 =	vld [tilespmem:s18+$0x19100]  }
0x188: {  	s25 =	simm.s32 $0x80;
	v63 =	vld [tilespmem:s18+$0x19180];
	s0 =	simm.s32 $0x10;
	v7 =	vsel vm14, v5, v7;
	v6 =	vsel vm14, v62, v6;
	v2 =	vmax.f32 v2, v12  }
0x189: {  	s24 =	sand.u32 $0x1C00, s25;
	s26 =	sand.u32 $0x70, s0;
	v13 =	vld [tilespmem:s18+$0x19200];
	v8 =	vsel vm15, v9, v7;
	v7 =	vsel vm15, v5, v9;
	v2 =	vmax.f32 v2, v10  }
0x18a: {  	s24 =	sor.u32 s26, s24;
	v9 =	vsel vm15, v62, v20;
	v11 =	vsel vm15, v20, v6;
	v12 =	vld [tilespmem:s18+$0x19280];
	v6 =	vmax.f32 v2, v19  }
0x18b: {  	v5 =	vsel vm3, v5, v60;
	v10 =	vsel vm3, v60, v7;
	v2 =	vld [tilespmem:s24+$0xDC00];
	v6 =	vmax.f32 v6, v16  }
0x18c: {  	v9 =	vsel vm3, v21, v9;
	v7 =	vsel vm2, $0x1, v4;
	v19 =	vld [tilespmem:s24+$0xDC80];
	v16 =	vmax.f32 v6, v18  }
0x18d: {  	s23 =	sadd.s32 s29, s15;
	s18 =	simm.s32 $0x20;
	v7 =	vadd.s32 v7, v61;
	v6 =	vsel vm3, v62, v21;
	v18 =	vld [tilespmem:s24+$0xDD00];
	v16 =	vmax.f32 v16, v63  }
.LBB2_5:
0x18e: {  	p0 =	sne.s32 s18, $0x270;
	v20 =	vld [tilespmem:s24+$0xDD80];
	v13 =	vmax.f32 v16, v13;
	s6 =	sadd.s32 s3, s23;
	s3 =	smov.u32 s0  }
0x18f: {  	s0 =	smov.u32 s18;
	v16 =	vld [tilespmem:s24+$0xDE00];
	s7 =	sadd.s32 s3, s29;
	v12 =	vmax.f32 v13, v12;
	v13 =	vor.u32 s6, v3  }
0x190: {  	v21 =	vld [tilespmem:s24+$0xDE80];
	s6 =	sand.u32 $0xFF80, s7;
	v12 =	vmax.f32 v12, v17;
	vm2 =	vge.u32 v13, v0;
	vm3 =	vlt.u32 v13, v1  }
0x191: {  	v2 =	vmax.f32 v2, v19;
	s6 =	sor.u32 s26, s6;
	v12 =	vmax.f32 v12, v15;
	v15 =	vld [tilespmem:s24+$0x1A400];
	vm3 =	vmand vm2, vm3  }
0x192: {  	vm2 =	vne.s32 v14, $0x50;
	v2 =	vmax.f32 v2, v18;
	v14 =	vld [tilespmem:s6+$0x1B800];
	v12 =	vsub.f32 $0.0e+00, v12  }
0x193: {  	s6 =	sor.u32 s25, s3;
	vm2 =	vmand vm3, vm2;
	v2 =	vmax.f32 v2, v20;
	v17 =	vld [tilespmem:s24+$0x19300]  }
0x194: {  	v13 =	vnsel vm3, $0x7FFFFFFF, v13;
	s6 =	sor.u32 $0x380, s6;
	v2 =	vmax.f32 v2, v16;
	v16 =	vld [tilespmem:s24+$0xDF00];
	v12 =	vnsel vm2, $0xFF800000, v12  }
0x195: {  	v2 =	vmax.f32 v2, v21;
	v18 =	vld [tilespmem:s6+$0xDC00];
	vm3 =	vgt.f32 v12, v5;
	vm4 =	vgt.f32 v12, v8  }
0x196: {  	vm5 =	vgt.f32 v12, v10;
	v19 =	vld [tilespmem:s24+$0xF000];
	v8 =	vsel vm4, v12, v8;
	v11 =	vsel vm4, v13, v11  }
0x197: {  	v21 =	vsel vm5, v13, v9;
	v20 =	vld [tilespmem:s24+$0xF080];
	v8 =	vsel vm5, v10, v8;
	v10 =	vsel vm5, v12, v10  }
0x198: {  	v11 =	vsel vm5, v9, v11;
	v9 =	vsel vm3, v6, v21;
	v22 =	vld [tilespmem:s24+$0xF100];
	v10 =	vsel vm3, v5, v10  }
0x199: {  	v6 =	vsel vm3, v13, v6;
	v5 =	vsel vm3, v12, v5;
	v2 =	vmax.f32 v2, v16;
	v16 =	vld [tilespmem:s24+$0xF180]  }
0x19a: {  	v13 =	vsel vm2, $0x1, v4;
	v2 =	vmax.f32 v2, v18;
	v12 =	vld [tilespmem:s24+$0xF200]  }
0x19b: {  	v7 =	vadd.s32 v13, v7;
	v2 =	vmax.f32 v2, v19;
	v18 =	vld [tilespmem:s24+$0xF280]  }
0x19c: {  	v2 =	vmax.f32 v2, v20;
	v13 =	vld [tilespmem:s24+$0xF300]  }
0x19d: {  	v2 =	vmax.f32 v2, v22;
	v19 =	vld [tilespmem:s24+$0xF380]  }
0x19e: {  	v2 =	vmax.f32 v2, v16;
	v16 =	vld [tilespmem:s24+$0x10400]  }
0x19f: {  	v2 =	vmax.f32 v2, v12;
	v12 =	vld [tilespmem:s24+$0x10480]  }
0x1a0: {  	v2 =	vmax.f32 v2, v18;
	v18 =	vld [tilespmem:s24+$0x10500]  }
0x1a1: {  	v2 =	vmax.f32 v2, v13;
	v13 =	vld [tilespmem:s24+$0x10580]  }
0x1a2: {  	v2 =	vmax.f32 v2, v19;
	v19 =	vld [tilespmem:s24+$0x10600]  }
0x1a3: {  	v2 =	vmax.f32 v2, v16;
	v16 =	vld [tilespmem:s24+$0x10680]  }
0x1a4: {  	v2 =	vmax.f32 v2, v12;
	v12 =	vld [tilespmem:s24+$0x10700]  }
0x1a5: {  	v2 =	vmax.f32 v2, v18;
	v18 =	vld [tilespmem:s24+$0x10780]  }
0x1a6: {  	v2 =	vmax.f32 v2, v13;
	v13 =	vld [tilespmem:s24+$0x11800]  }
0x1a7: {  	v2 =	vmax.f32 v2, v19;
	v19 =	vld [tilespmem:s24+$0x11880]  }
0x1a8: {  	v2 =	vmax.f32 v2, v16;
	v16 =	vld [tilespmem:s24+$0x11900]  }
0x1a9: {  	v2 =	vmax.f32 v2, v12;
	v12 =	vld [tilespmem:s24+$0x11980]  }
0x1aa: {  	v2 =	vmax.f32 v2, v18;
	v18 =	vld [tilespmem:s24+$0x11A00]  }
0x1ab: {  	v2 =	vmax.f32 v2, v13;
	v13 =	vld [tilespmem:s24+$0x11A80]  }
0x1ac: {  	v2 =	vmax.f32 v2, v19;
	v19 =	vld [tilespmem:s24+$0x11B00]  }
0x1ad: {  	v2 =	vmax.f32 v2, v16;
	v16 =	vld [tilespmem:s24+$0x11B80]  }
0x1ae: {  	v2 =	vmax.f32 v2, v12;
	v12 =	vld [tilespmem:s24+$0x12C00]  }
0x1af: {  	v2 =	vmax.f32 v2, v18;
	v18 =	vld [tilespmem:s24+$0x12C80]  }
0x1b0: {  	v2 =	vmax.f32 v2, v13;
	v13 =	vld [tilespmem:s24+$0x12D00]  }
0x1b1: {  	v2 =	vmax.f32 v2, v19;
	v19 =	vld [tilespmem:s24+$0x12D80]  }
0x1b2: {  	v2 =	vmax.f32 v2, v16;
	v16 =	vld [tilespmem:s24+$0x12E00]  }
0x1b3: {  	v2 =	vmax.f32 v2, v12;
	v12 =	vld [tilespmem:s24+$0x12E80]  }
0x1b4: {  	v2 =	vmax.f32 v2, v18;
	v18 =	vld [tilespmem:s24+$0x12F00]  }
0x1b5: {  	v2 =	vmax.f32 v2, v13;
	v13 =	vld [tilespmem:s24+$0x12F80]  }
0x1b6: {  	v2 =	vmax.f32 v2, v19;
	v19 =	vld [tilespmem:s24+$0x14000]  }
0x1b7: {  	v2 =	vmax.f32 v2, v16;
	v16 =	vld [tilespmem:s24+$0x14080]  }
0x1b8: {  	v2 =	vmax.f32 v2, v12;
	v12 =	vld [tilespmem:s24+$0x14100]  }
0x1b9: {  	v2 =	vmax.f32 v2, v18;
	v18 =	vld [tilespmem:s24+$0x14180]  }
0x1ba: {  	v2 =	vmax.f32 v2, v13;
	v13 =	vld [tilespmem:s24+$0x14200]  }
0x1bb: {  	v2 =	vmax.f32 v2, v19;
	v19 =	vld [tilespmem:s24+$0x14280]  }
0x1bc: {  	v2 =	vmax.f32 v2, v16;
	v16 =	vld [tilespmem:s24+$0x14300]  }
0x1bd: {  	v2 =	vmax.f32 v2, v12;
	v12 =	vld [tilespmem:s24+$0x14380]  }
0x1be: {  	v2 =	vmax.f32 v2, v18;
	v18 =	vld [tilespmem:s24+$0x15400]  }
0x1bf: {  	v2 =	vmax.f32 v2, v13;
	v13 =	vld [tilespmem:s24+$0x15480]  }
0x1c0: {  	v2 =	vmax.f32 v2, v19;
	v19 =	vld [tilespmem:s24+$0x15500]  }
0x1c1: {  	v2 =	vmax.f32 v2, v16;
	v16 =	vld [tilespmem:s24+$0x15580]  }
0x1c2: {  	v2 =	vmax.f32 v2, v12;
	v12 =	vld [tilespmem:s24+$0x15600]  }
0x1c3: {  	v2 =	vmax.f32 v2, v18;
	v18 =	vld [tilespmem:s24+$0x15680]  }
0x1c4: {  	v2 =	vmax.f32 v2, v13;
	v13 =	vld [tilespmem:s24+$0x15700]  }
0x1c5: {  	v2 =	vmax.f32 v2, v19;
	v19 =	vld [tilespmem:s24+$0x15780]  }
0x1c6: {  	v2 =	vmax.f32 v2, v16;
	v16 =	vld [tilespmem:s24+$0x16800]  }
0x1c7: {  	v2 =	vmax.f32 v2, v12;
	v12 =	vld [tilespmem:s24+$0x16880]  }
0x1c8: {  	v2 =	vmax.f32 v2, v18;
	v18 =	vld [tilespmem:s24+$0x16900]  }
0x1c9: {  	v2 =	vmax.f32 v2, v13;
	v13 =	vld [tilespmem:s24+$0x16980]  }
0x1ca: {  	v2 =	vmax.f32 v2, v19;
	v19 =	vld [tilespmem:s24+$0x16A00]  }
0x1cb: {  	v2 =	vmax.f32 v2, v16;
	v16 =	vld [tilespmem:s24+$0x16A80]  }
0x1cc: {  	v2 =	vmax.f32 v2, v12;
	v12 =	vld [tilespmem:s24+$0x16B00]  }
0x1cd: {  	v2 =	vmax.f32 v2, v18;
	v18 =	vld [tilespmem:s24+$0x16B80]  }
0x1ce: {  	v2 =	vmax.f32 v2, v13;
	v13 =	vld [tilespmem:s24+$0x17C00]  }
0x1cf: {  	v2 =	vmax.f32 v2, v19;
	v19 =	vld [tilespmem:s24+$0x17C80]  }
0x1d0: {  	v2 =	vmax.f32 v2, v16;
	v16 =	vld [tilespmem:s24+$0x17D00]  }
0x1d1: {  	v2 =	vmax.f32 v2, v12;
	v12 =	vld [tilespmem:s24+$0x17D80]  }
0x1d2: {  	v2 =	vmax.f32 v2, v18;
	v18 =	vld [tilespmem:s24+$0x17E00]  }
0x1d3: {  	v2 =	vmax.f32 v2, v13;
	v13 =	vld [tilespmem:s24+$0x17E80]  }
0x1d4: {  	v2 =	vmax.f32 v2, v19;
	v19 =	vld [tilespmem:s24+$0x17F00]  }
0x1d5: {  	v2 =	vmax.f32 v2, v16;
	v16 =	vld [tilespmem:s24+$0x17F80]  }
0x1d6: {  	v2 =	vmax.f32 v2, v12;
	v12 =	vld [tilespmem:s24+$0x19000]  }
0x1d7: {  	v2 =	vmax.f32 v2, v18;
	v18 =	vld [tilespmem:s24+$0x19080]  }
0x1d8: {  	v2 =	vmax.f32 v2, v13;
	v20 =	vld [tilespmem:s24+$0x19100]  }
0x1d9: {  	s25 =	sadd.s32 $0x80, s25;
	v2 =	vmax.f32 v2, v19;
	v21 =	vld [tilespmem:s24+$0x19180]  }
.Ltmp1:
0x1da: {  	s26 =	sand.u32 $0x70, s18;
	s6 =	sand.u32 $0x1C00, s25;
	v2 =	vmax.f32 v2, v16;
	v13 =	vld [tilespmem:s24+$0x19200];
	(pc) =	sbr.rel @p0 .LBB2_5-.Ltmp1, $4  }
0x1db: {  	v16 =	vmax.f32 v2, v12;
	v12 =	vld [tilespmem:s24+$0x19280];
	s24 =	sor.u32 s26, s6  }
0x1dc: {  	v2 =	vld [tilespmem:s24+$0xDC00];
	v16 =	vmax.f32 v16, v18  }
0x1dd: {  	v19 =	vld [tilespmem:s24+$0xDC80];
	v16 =	vmax.f32 v16, v20  }
0x1de: {  	s18 =	sadd.s32 $0x10, s18;
	v18 =	vld [tilespmem:s24+$0xDD00];
	v16 =	vmax.f32 v16, v21  }
0x1df: {  	v20 =	vld [tilespmem:s24+$0xDD80]  }
0x1e0: {  	v21 =	vld [tilespmem:s24+$0xDE00]  }
0x1e1: {  	v22 =	vld [tilespmem:s24+$0xDE80];
	s6 =	sor.u32 s25, s0  }
0x1e2: {  	v62 =	vld [tilespmem:s24+$0xDF00];
	s6 =	sor.u32 $0x380, s6;
	v2 =	vmax.f32 v2, v19  }
0x1e3: {  	v63 =	vld [tilespmem:s6+$0xDC00];
	v2 =	vmax.f32 v2, v18  }
0x1e4: {  	v24 =	vld [tilespmem:s24+$0xF000];
	v2 =	vmax.f32 v2, v20  }
0x1e5: {  	v25 =	vld [tilespmem:s24+$0xF080];
	v2 =	vmax.f32 v2, v21  }
0x1e6: {  	v26 =	vld [tilespmem:s24+$0xF100];
	v2 =	vmax.f32 v2, v22  }
0x1e7: {  	v27 =	vld [tilespmem:s24+$0xF180];
	v2 =	vmax.f32 v2, v62  }
0x1e8: {  	v28 =	vld [tilespmem:s24+$0xF200];
	v2 =	vmax.f32 v2, v63  }
0x1e9: {  	v29 =	vld [tilespmem:s24+$0xF280];
	v2 =	vmax.f32 v2, v24  }
0x1ea: {  	v30 =	vld [tilespmem:s24+$0xF300];
	v2 =	vmax.f32 v2, v25  }
0x1eb: {  	v31 =	vld [tilespmem:s24+$0xF380];
	v2 =	vmax.f32 v2, v26  }
0x1ec: {  	v32 =	vld [tilespmem:s24+$0x10400];
	v2 =	vmax.f32 v2, v27  }
0x1ed: {  	v33 =	vld [tilespmem:s24+$0x10480];
	v2 =	vmax.f32 v2, v28  }
0x1ee: {  	v34 =	vld [tilespmem:s24+$0x10500];
	v2 =	vmax.f32 v2, v29  }
0x1ef: {  	v35 =	vld [tilespmem:s24+$0x10580];
	v2 =	vmax.f32 v2, v30  }
0x1f0: {  	v36 =	vld [tilespmem:s24+$0x10600];
	v2 =	vmax.f32 v2, v31  }
0x1f1: {  	v37 =	vld [tilespmem:s24+$0x10680];
	v2 =	vmax.f32 v2, v32  }
0x1f2: {  	v38 =	vld [tilespmem:s24+$0x10700];
	v2 =	vmax.f32 v2, v33  }
0x1f3: {  	v39 =	vld [tilespmem:s24+$0x10780];
	v2 =	vmax.f32 v2, v34  }
0x1f4: {  	v40 =	vld [tilespmem:s24+$0x11800];
	v2 =	vmax.f32 v2, v35  }
0x1f5: {  	v41 =	vld [tilespmem:s24+$0x11880];
	v2 =	vmax.f32 v2, v36  }
0x1f6: {  	v42 =	vld [tilespmem:s24+$0x11900];
	v2 =	vmax.f32 v2, v37  }
0x1f7: {  	v43 =	vld [tilespmem:s24+$0x11980];
	v2 =	vmax.f32 v2, v38  }
0x1f8: {  	v44 =	vld [tilespmem:s24+$0x11A00];
	v2 =	vmax.f32 v2, v39  }
0x1f9: {  	v45 =	vld [tilespmem:s24+$0x11A80];
	v2 =	vmax.f32 v2, v40  }
0x1fa: {  	v46 =	vld [tilespmem:s24+$0x11B00];
	v2 =	vmax.f32 v2, v41  }
0x1fb: {  	v47 =	vld [tilespmem:s24+$0x11B80];
	v2 =	vmax.f32 v2, v42  }
0x1fc: {  	v48 =	vld [tilespmem:s24+$0x12C00];
	v2 =	vmax.f32 v2, v43  }
0x1fd: {  	v49 =	vld [tilespmem:s24+$0x12C80];
	v2 =	vmax.f32 v2, v44  }
0x1fe: {  	v50 =	vld [tilespmem:s24+$0x12D00];
	v2 =	vmax.f32 v2, v45  }
0x1ff: {  	v51 =	vld [tilespmem:s24+$0x12D80];
	v2 =	vmax.f32 v2, v46  }
0x200: {  	v52 =	vld [tilespmem:s24+$0x12E00];
	v2 =	vmax.f32 v2, v47  }
0x201: {  	v53 =	vld [tilespmem:s24+$0x12E80];
	v2 =	vmax.f32 v2, v48  }
0x202: {  	v54 =	vld [tilespmem:s24+$0x12F00];
	v2 =	vmax.f32 v2, v49  }
0x203: {  	v55 =	vld [tilespmem:s24+$0x12F80];
	v2 =	vmax.f32 v2, v50  }
0x204: {  	v56 =	vld [tilespmem:s24+$0x14000];
	v2 =	vmax.f32 v2, v51  }
0x205: {  	v57 =	vld [tilespmem:s24+$0x14080];
	v2 =	vmax.f32 v2, v52  }
0x206: {  	v58 =	vld [tilespmem:s24+$0x14100];
	v2 =	vmax.f32 v2, v53  }
0x207: {  	v59 =	vld [tilespmem:s24+$0x14180];
	v2 =	vmax.f32 v2, v54  }
0x208: {  	v60 =	vld [tilespmem:s24+$0x14200];
	v2 =	vmax.f32 v2, v55  }
0x209: {  	v61 =	vld [tilespmem:s24+$0x14280];
	v2 =	vmax.f32 v2, v56  }
0x20a: {  	v62 =	vld [tilespmem:s24+$0x14300];
	v2 =	vmax.f32 v2, v57  }
0x20b: {  	v63 =	vld [tilespmem:s24+$0x14380];
	v2 =	vmax.f32 v2, v58  }
0x20c: {  	v24 =	vld [tilespmem:s24+$0x15400];
	v2 =	vmax.f32 v2, v59  }
0x20d: {  	v25 =	vld [tilespmem:s24+$0x15480];
	v2 =	vmax.f32 v2, v60  }
0x20e: {  	v26 =	vld [tilespmem:s24+$0x15500];
	v2 =	vmax.f32 v2, v61  }
0x20f: {  	v27 =	vld [tilespmem:s24+$0x15580];
	v2 =	vmax.f32 v2, v62  }
0x210: {  	v28 =	vld [tilespmem:s24+$0x15600];
	v2 =	vmax.f32 v2, v63  }
0x211: {  	v29 =	vld [tilespmem:s24+$0x15680];
	v2 =	vmax.f32 v2, v24  }
0x212: {  	v30 =	vld [tilespmem:s24+$0x15700];
	v2 =	vmax.f32 v2, v25  }
0x213: {  	v31 =	vld [tilespmem:s24+$0x15780];
	v2 =	vmax.f32 v2, v26  }
0x214: {  	v32 =	vld [tilespmem:s24+$0x16800];
	v2 =	vmax.f32 v2, v27  }
0x215: {  	v33 =	vld [tilespmem:s24+$0x16880];
	v2 =	vmax.f32 v2, v28  }
0x216: {  	v34 =	vld [tilespmem:s24+$0x16900];
	v2 =	vmax.f32 v2, v29  }
0x217: {  	v35 =	vld [tilespmem:s24+$0x16980];
	v2 =	vmax.f32 v2, v30  }
0x218: {  	v36 =	vld [tilespmem:s24+$0x16A00];
	v2 =	vmax.f32 v2, v31  }
0x219: {  	v37 =	vld [tilespmem:s24+$0x16A80];
	v2 =	vmax.f32 v2, v32  }
0x21a: {  	v38 =	vld [tilespmem:s24+$0x16B00];
	v2 =	vmax.f32 v2, v33  }
0x21b: {  	v39 =	vld [tilespmem:s24+$0x16B80];
	v2 =	vmax.f32 v2, v34  }
0x21c: {  	v40 =	vld [tilespmem:s24+$0x17C00];
	v2 =	vmax.f32 v2, v35  }
0x21d: {  	v41 =	vld [tilespmem:s24+$0x17C80];
	v2 =	vmax.f32 v2, v36  }
0x21e: {  	v42 =	vld [tilespmem:s24+$0x17D00];
	v2 =	vmax.f32 v2, v37  }
0x21f: {  	v43 =	vld [tilespmem:s24+$0x17D80];
	v2 =	vmax.f32 v2, v38  }
0x220: {  	v13 =	vmax.f32 v16, v13;
	v44 =	vld [tilespmem:s24+$0x17E00];
	v2 =	vmax.f32 v2, v39  }
0x221: {  	v12 =	vmax.f32 v13, v12;
	v45 =	vld [tilespmem:s24+$0x17E80];
	v2 =	vmax.f32 v2, v40  }
0x222: {  	v12 =	vmax.f32 v12, v17;
	v46 =	vld [tilespmem:s24+$0x17F00];
	v2 =	vmax.f32 v2, v41  }
0x223: {  	s3 =	sadd.s32 s3, s23;
	v12 =	vmax.f32 v12, v15;
	v47 =	vld [tilespmem:s24+$0x17F80];
	v2 =	vmax.f32 v2, v42  }
0x224: {  	v12 =	vsub.f32 $0.0e+00, v12;
	v48 =	vld [tilespmem:s24+$0x19000];
	v49 =	vor.u32 s3, v3;
	v2 =	vmax.f32 v2, v43  }
0x225: {  	v50 =	vld [tilespmem:s24+$0x19080];
	vm2 =	vge.u32 v49, v0;
	vm3 =	vlt.u32 v49, v1;
	v2 =	vmax.f32 v2, v44  }
0x226: {  	v51 =	vld [tilespmem:s24+$0x19100];
	vm3 =	vmand vm2, vm3;
	vm2 =	vne.s32 v14, $0x50;
	v2 =	vmax.f32 v2, v45  }
0x227: {  	v52 =	vld [tilespmem:s24+$0x19180];
	vm2 =	vmand vm3, vm2;
	v2 =	vmax.f32 v2, v46  }
0x228: {  	v53 =	vld [tilespmem:s24+$0x19200];
	v12 =	vnsel vm2, $0xFF800000, v12;
	v2 =	vmax.f32 v2, v47  }
0x229: {  	s25 =	sadd.s32 s0, s29;
	v18 =	vnsel vm3, $0x7FFFFFFF, v49;
	v54 =	vld [tilespmem:s24+$0x19280];
	vm3 =	vgt.f32 v12, v5;
	v2 =	vmax.f32 v2, v48  }
0x22a: {  	s3 =	sand.u32 $0xFF80, s25;
	vm4 =	vgt.f32 v12, v8;
	vm5 =	vgt.f32 v12, v10;
	v55 =	vld [tilespmem:s24+$0x19300];
	v2 =	vmax.f32 v2, v50  }
0x22b: {  	s3 =	sor.u32 s26, s3;
	v8 =	vsel vm4, v12, v8;
	v11 =	vsel vm4, v18, v11;
	v56 =	vld [tilespmem:s24+$0x1A400];
	v2 =	vmax.f32 v2, v51  }
0x22c: {  	v8 =	vsel vm5, v10, v8;
	v10 =	vsel vm5, v12, v10;
	v57 =	vld [tilespmem:s3+$0x1B800];
	v2 =	vmax.f32 v2, v52  }
0x22d: {  	s26 =	sadd.s32 s0, s23;
	v10 =	vsel vm3, v5, v10;
	v58 =	vsel vm5, v18, v9;
	v2 =	vmax.f32 v2, v53  }
0x22e: {  	v9 =	vsel vm5, v9, v11;
	v11 =	vor.u32 s26, v3;
	v2 =	vmax.f32 v2, v54  }
0x22f: {  	v5 =	vsel vm3, v12, v5;
	vm12 =	vge.u32 v11, v0;
	v2 =	vmax.f32 v2, v55  }
0x230: {  	vm13 =	vlt.u32 v11, v1;
	v59 =	vsel vm3, v6, v58;
	v2 =	vmax.f32 v2, v56  }
0x231: {  	vm4 =	vmand vm12, vm13;
	vm14 =	vne.s32 v57, $0x50;
	v2 =	vsub.f32 $0.0e+00, v2  }
0x232: {  	s31 =	sadd.s32 $0x1, s31;
	v60 =	vsel vm2, $0x1, v4;
	v61 =	vsel vm3, v18, v6;
	vm5 =	vmand vm4, vm14  }
0x233: {  	p0 =	sne.s32 s31, $0x5;
	v12 =	vadd.s32 v60, v7;
	v62 =	vnsel vm4, $0x7FFFFFFF, v11;
	v2 =	vnsel vm5, $0xFF800000, v2  }
.Ltmp2:
0x234: {  	v63 =	vsel vm5, $0x1, v4;
	vm2 =	vgt.f32 v2, v8;
	vm3 =	vgt.f32 v2, v10;
	(pc) =	sbr.rel @p0 .LBB2_2-.Ltmp2, $4  }
0x235: {  	vm15 =	vgt.f32 v2, v5;
	v6 =	vsel vm2, v2, v8;
	v8 =	vsel vm2, v62, v9  }
0x236: {  	v9 =	vsel vm3, v2, v10;
	v11 =	vsel vm15, v2, v5;
	v7 =	vsel vm3, v10, v6  }
0x237: {  	v10 =	vsel vm3, v62, v59;
	v6 =	vsel vm3, v59, v8;
	v9 =	vsel vm15, v5, v9  }
0x238: {  	s30 =	sadd.s32 $0x500, s30;
	s29 =	sadd.s32 $0x500, s29;
	v5 =	vadd.s32 v63, v12;
	v8 =	vsel vm15, v61, v10;
	v10 =	vsel vm15, v62, v61  }
0x239: {  	(xrf0) =	vmax.scan.msk.f32 $0xffff, v11;
	_ =	sdelay $0x5  }
0x23a: {  	v2, _, _ =	vpop (xrf0)  }
0x23b: {  	(v2sf) =	vpush v2, $0xF;
	_ =	sdelay $0xe  }
0x23c: {  	s0 =	spop (v2sf)  }
0x23d: {  	s0 =	smax.f32 s4, s0  }
0x23e: {  	v2 =	vxor.u32 $0x80000000, v10;
	vm2 =	veq.f32 v11, s0  }
0x23f: {  	v2 =	vnsel vm2, $0xFFFFFFFF, v2  }
0x240: {  	(xrf0) =	vmin.scan.msk.u32 $0xffff, v2;
	_ =	sdelay $0x5  }
0x241: {  	v2, _, _ =	vpop (xrf0)  }
0x242: {  	(v2sf) =	vpush v2, $0xF;
	_ =	sdelay $0xe  }
0x243: {  	s3 =	spop (v2sf)  }
0x244: {  	s3 =	sxor.u32 $0x80000000, s3  }
0x245: {  	p0 =	slt.s32 s9, s3  }
0x246: {  	s3 =	smov.u32 @p0 s9  }
0x247: {  	vm2 =	veq.s32 v10, s3  }
0x248: {  	v2 =	vsel vm2, $0xFF800000, v11  }
0x249: {  	(xrf0) =	vmax.scan.msk.f32 $0xffff, v2;
	_ =	sdelay $0x5  }
0x24a: {  	v22, _, _ =	vpop (xrf0)  }
0x24b: {  	(v2sf) =	vpush v22, $0xF;
	_ =	sdelay $0xe  }
0x24c: {  	s6 =	spop (v2sf)  }
0x24d: {  	v10 =	vsel vm2, $0x7FFFFFFF, v10;
	s6 =	smax.f32 s4, s6  }
0x24e: {  	v23 =	vxor.u32 $0x80000000, v10;
	vm2 =	veq.f32 v2, s6  }
0x24f: {  	v12 =	vnsel vm2, $0xFFFFFFFF, v23  }
0x250: {  	(xrf0) =	vmin.scan.msk.u32 $0xffff, v12;
	_ =	sdelay $0x5  }
0x251: {  	v12, _, _ =	vpop (xrf0)  }
0x252: {  	(v2sf) =	vpush v12, $0xF;
	_ =	sdelay $0xe  }
0x253: {  	s7 =	spop (v2sf)  }
0x254: {  	s7 =	sxor.u32 $0x80000000, s7  }
0x255: {  	p0 =	slt.s32 s9, s7  }
0x256: {  	s7 =	smov.u32 @p0 s9  }
0x257: {  	vm3 =	vne.s32 v10, s7  }
0x258: {  	v2 =	vnsel vm3, $0xFF800000, v2  }
0x259: {  	(xrf0) =	vmax.scan.msk.f32 $0xffff, v2;
	_ =	sdelay $0x5  }
0x25a: {  	v24, _, _ =	vpop (xrf0)  }
0x25b: {  	(v2sf) =	vpush v24, $0xF;
	_ =	sdelay $0xe  }
0x25c: {  	s10 =	spop (v2sf)  }
0x25d: {  	s10 =	smax.f32 s4, s10  }
0x25e: {  	vm4 =	veq.f32 v2, s10  }
0x25f: {  	vm2 =	veq.s32 v3, $0x0;
	v2 =	vmov s0;
	vm3 =	vmand vm3, vm4  }
0x260: {  	v2 =	vnsel vm2, $0xFF800000, v2;
	v25 =	vnsel vm3, $0xFFFFFFFF, v23  }
0x261: {  	v2 =	vsel vm0, s6, v2;
	(xrf0) =	vmin.scan.msk.u32 $0xffff, v25  }
0x262: {  	v2 =	vnsel vm1, s10, v2  }
0x263: {  	(xrf0) =	vmax.scan.msk.f32 $0xffff, v2  }
0x264: {  	(xrf0) =	vmax.scan.msk.f32 $0xffff, v9;
	_ =	sdelay $0x2  }
0x265: {  	v10, _, _ =	vpop (xrf0)  }
0x266: {  	(v2sf) =	vpush v10, $0xF  }
0x267: {  	v26, _, _ =	vpop (xrf0)  }
0x268: {  	(v2sf) =	vpush v26, $0xF;
	v27, _, _ =	vpop (xrf0)  }
0x269: {  	(v2sf) =	vpush v27, $0xF;
	_ =	sdelay $0xb  }
0x26a: {  	s6 =	spop (v2sf)  }
0x26b: {  	v28 =	vmov s3;
	s0 =	sxor.u32 $0x80000000, s6  }
0x26c: {  	v10 =	vnsel vm2, $0x7FFFFFFF, v28;
	s10 =	spop (v2sf);
	p0 =	slt.s32 s9, s0  }
0x26d: {  	vm3 =	veq.s32 v3, $0x2;
	v10 =	vsel vm0, s7, v10;
	s18 =	spop (v2sf);
	s0 =	smov.u32 @p0 s9  }
0x26e: {  	s3 =	smax.f32 s10, s18;
	v10 =	vsel vm3, s0, v10  }
0x26f: {  	vm14 =	veq.f32 v2, s3;
	v29 =	vxor.u32 $0x80000000, v10  }
0x270: {  	v30 =	vxor.u32 $0x80000000, v8;
	vm15 =	veq.f32 v9, s3;
	v11 =	vnsel vm14, $0xFFFFFFFF, v29  }
0x271: {  	v31 =	vnsel vm15, $0xFFFFFFFF, v30;
	(xrf0) =	vmin.scan.msk.u32 $0xffff, v11  }
0x272: {  	(xrf0) =	vmin.scan.msk.u32 $0xffff, v31;
	_ =	sdelay $0x4  }
0x273: {  	v32, _, _ =	vpop (xrf0)  }
0x274: {  	(v2sf) =	vpush v32, $0xF;
	v33, _, _ =	vpop (xrf0)  }
0x275: {  	(v2sf) =	vpush v33, $0xF;
	_ =	sdelay $0xd  }
0x276: {  	s23 =	spop (v2sf)  }
0x277: {  	s24 =	spop (v2sf)  }
0x278: {  	s7 =	sxor.u32 $0x80000000, s23;
	s0 =	sxor.u32 $0x80000000, s24  }
0x279: {  	p0 =	slt.s32 s7, s0  }
0x27a: {  	s0 =	smov.u32 @p0 s7  }
0x27b: {  	vm8 =	veq.s32 v10, s0  }
0x27c: {  	vm5 =	veq.s32 v8, s0;
	v2 =	vsel vm8, $0xFF800000, v2  }
0x27d: {  	v34 =	vsel vm5, $0xFF800000, v9;
	(xrf0) =	vmax.scan.msk.f32 $0xffff, v2  }
0x27e: {  	(xrf0) =	vmax.scan.msk.f32 $0xffff, v34;
	_ =	sdelay $0x4  }
0x27f: {  	v35, _, _ =	vpop (xrf0)  }
0x280: {  	(v2sf) =	vpush v35, $0xF;
	v36, _, _ =	vpop (xrf0)  }
0x281: {  	(v2sf) =	vpush v36, $0xF;
	_ =	sdelay $0xd  }
0x282: {  	s25 =	spop (v2sf)  }
0x283: {  	s26 =	spop (v2sf)  }
0x284: {  	v10 =	vsel vm8, $0x7FFFFFFF, v10;
	s6 =	smax.f32 s25, s26  }
0x285: {  	v8 =	vsel vm5, $0x7FFFFFFF, v8;
	v37 =	vxor.u32 $0x80000000, v10;
	vm9 =	veq.f32 v2, s6  }
0x286: {  	v13 =	vxor.u32 $0x80000000, v8;
	vm10 =	veq.f32 v34, s6;
	v38 =	vnsel vm9, $0xFFFFFFFF, v37  }
0x287: {  	v39 =	vnsel vm10, $0xFFFFFFFF, v13;
	(xrf0) =	vmin.scan.msk.u32 $0xffff, v38  }
0x288: {  	(xrf0) =	vmin.scan.msk.u32 $0xffff, v39;
	_ =	sdelay $0x4  }
0x289: {  	v40, _, _ =	vpop (xrf0)  }
0x28a: {  	(v2sf) =	vpush v40, $0xF;
	v41, _, _ =	vpop (xrf0)  }
0x28b: {  	(v2sf) =	vpush v41, $0xF;
	_ =	sdelay $0xd  }
0x28c: {  	s29 =	spop (v2sf)  }
0x28d: {  	s30 =	spop (v2sf)  }
0x28e: {  	s7 =	sxor.u32 $0x80000000, s29;
	s10 =	sxor.u32 $0x80000000, s30  }
0x28f: {  	p0 =	slt.s32 s7, s10  }
0x290: {  	s10 =	smov.u32 @p0 s7  }
0x291: {  	vm11 =	vne.s32 v10, s10  }
0x292: {  	vm5 =	vne.s32 v8, s10;
	v2 =	vnsel vm11, $0xFF800000, v2  }
0x293: {  	v8 =	vnsel vm5, $0xFF800000, v34;
	(xrf0) =	vmax.scan.msk.f32 $0xffff, v2  }
0x294: {  	(xrf0) =	vmax.scan.msk.f32 $0xffff, v8;
	_ =	sdelay $0x4  }
0x295: {  	v42, _, _ =	vpop (xrf0)  }
0x296: {  	(v2sf) =	vpush v42, $0xF;
	v43, _, _ =	vpop (xrf0)  }
0x297: {  	(v2sf) =	vpush v43, $0xF;
	_ =	sdelay $0xd  }
0x298: {  	s31 =	spop (v2sf)  }
0x299: {  	s18 =	spop (v2sf)  }
0x29a: {  	s7 =	smax.f32 s31, s18  }
0x29b: {  	vm6 =	veq.f32 v2, s7  }
0x29c: {  	vm12 =	veq.f32 v8, s7;
	vm4 =	vmand vm11, vm6  }
0x29d: {  	v2 =	vmov s3;
	vm13 =	vmand vm5, vm12;
	v44 =	vnsel vm4, $0xFFFFFFFF, v37  }
0x29e: {  	v2 =	vnsel vm2, $0xFF800000, v2;
	v45 =	vnsel vm13, $0xFFFFFFFF, v13;
	(xrf0) =	vmin.scan.msk.u32 $0xffff, v44  }
0x29f: {  	v2 =	vsel vm0, s6, v2;
	(xrf0) =	vmin.scan.msk.u32 $0xffff, v45  }
0x2a0: {  	v2 =	vnsel vm1, s7, v2  }
0x2a1: {  	(xrf0) =	vmax.scan.msk.f32 $0xffff, v2  }
0x2a2: {  	(xrf0) =	vmax.scan.msk.f32 $0xffff, v7;
	_ =	sdelay $0x1  }
0x2a3: {  	v46, _, _ =	vpop (xrf0)  }
0x2a4: {  	v47, _, _ =	vpop (xrf0);
	(v2sf) =	vpush v46, $0xF  }
0x2a5: {  	(v2sf) =	vpush v47, $0xF  }
0x2a6: {  	v48, _, _ =	vpop (xrf0)  }
0x2a7: {  	(v2sf) =	vpush v48, $0xF;
	v49, _, _ =	vpop (xrf0)  }
0x2a8: {  	(v2sf) =	vpush v49, $0xF;
	_ =	sdelay $0xa  }
0x2a9: {  	s6 =	spop (v2sf)  }
0x2aa: {  	s7 =	spop (v2sf)  }
0x2ab: {  	v50 =	vmov s0;
	s0 =	sxor.u32 $0x80000000, s6;
	s3 =	sxor.u32 $0x80000000, s7  }
0x2ac: {  	v8 =	vnsel vm2, $0x7FFFFFFF, v50;
	s18 =	spop (v2sf);
	p0 =	slt.s32 s0, s3  }
0x2ad: {  	v8 =	vsel vm0, s10, v8;
	s23 =	spop (v2sf);
	s3 =	smov.u32 @p0 s0  }
0x2ae: {  	s0 =	smax.f32 s18, s23;
	v8 =	vsel vm3, s3, v8  }
0x2af: {  	vm14 =	veq.f32 v2, s0;
	v51 =	vxor.u32 $0x80000000, v8  }
0x2b0: {  	v52 =	vxor.u32 $0x80000000, v6;
	vm15 =	veq.f32 v7, s0;
	v9 =	vnsel vm14, $0xFFFFFFFF, v51  }
0x2b1: {  	v53 =	vnsel vm15, $0xFFFFFFFF, v52;
	(xrf0) =	vmin.scan.msk.u32 $0xffff, v9  }
0x2b2: {  	(xrf0) =	vmin.scan.msk.u32 $0xffff, v53;
	_ =	sdelay $0x4  }
0x2b3: {  	v54, _, _ =	vpop (xrf0)  }
0x2b4: {  	(v2sf) =	vpush v54, $0xF;
	v55, _, _ =	vpop (xrf0)  }
0x2b5: {  	(v2sf) =	vpush v55, $0xF;
	_ =	sdelay $0xd  }
0x2b6: {  	s24 =	spop (v2sf)  }
0x2b7: {  	s25 =	spop (v2sf)  }
0x2b8: {  	s7 =	sxor.u32 $0x80000000, s24;
	s3 =	sxor.u32 $0x80000000, s25  }
0x2b9: {  	p0 =	slt.s32 s7, s3  }
0x2ba: {  	s3 =	smov.u32 @p0 s7  }
0x2bb: {  	vm8 =	veq.s32 v8, s3  }
0x2bc: {  	vm9 =	veq.s32 v6, s3;
	v2 =	vsel vm8, $0xFF800000, v2  }
0x2bd: {  	v7 =	vsel vm9, $0xFF800000, v7;
	(xrf0) =	vmax.scan.msk.f32 $0xffff, v2  }
0x2be: {  	(xrf0) =	vmax.scan.msk.f32 $0xffff, v7;
	_ =	sdelay $0x4  }
0x2bf: {  	v56, _, _ =	vpop (xrf0)  }
0x2c0: {  	(v2sf) =	vpush v56, $0xF;
	v57, _, _ =	vpop (xrf0)  }
0x2c1: {  	(v2sf) =	vpush v57, $0xF;
	_ =	sdelay $0xd  }
0x2c2: {  	s26 =	spop (v2sf)  }
0x2c3: {  	s29 =	spop (v2sf)  }
0x2c4: {  	v8 =	vsel vm8, $0x7FFFFFFF, v8;
	s6 =	smax.f32 s26, s29  }
0x2c5: {  	v6 =	vsel vm9, $0x7FFFFFFF, v6;
	v58 =	vxor.u32 $0x80000000, v8;
	vm10 =	veq.f32 v2, s6  }
0x2c6: {  	v60 =	vxor.u32 $0x80000000, v6;
	vm11 =	veq.f32 v7, s6;
	v59 =	vnsel vm10, $0xFFFFFFFF, v58  }
0x2c7: {  	v61 =	vnsel vm11, $0xFFFFFFFF, v60;
	(xrf0) =	vmin.scan.msk.u32 $0xffff, v59  }
0x2c8: {  	(xrf0) =	vmin.scan.msk.u32 $0xffff, v61;
	_ =	sdelay $0x4  }
0x2c9: {  	v62, _, _ =	vpop (xrf0)  }
0x2ca: {  	(v2sf) =	vpush v62, $0xF;
	v63, _, _ =	vpop (xrf0)  }
0x2cb: {  	(v2sf) =	vpush v63, $0xF;
	_ =	sdelay $0xd  }
0x2cc: {  	s30 =	spop (v2sf)  }
0x2cd: {  	s31 =	spop (v2sf)  }
0x2ce: {  	s7 =	sxor.u32 $0x80000000, s30;
	s10 =	sxor.u32 $0x80000000, s31  }
0x2cf: {  	p0 =	slt.s32 s7, s10  }
0x2d0: {  	s10 =	smov.u32 @p0 s7  }
0x2d1: {  	vm12 =	vne.s32 v8, s10  }
0x2d2: {  	vm5 =	vne.s32 v6, s10;
	v2 =	vnsel vm12, $0xFF800000, v2  }
0x2d3: {  	v6 =	vnsel vm5, $0xFF800000, v7;
	(xrf0) =	vmax.scan.msk.f32 $0xffff, v2  }
0x2d4: {  	(xrf0) =	vmax.scan.msk.f32 $0xffff, v6;
	_ =	sdelay $0x4  }
0x2d5: {  	v7, _, _ =	vpop (xrf0)  }
0x2d6: {  	(v2sf) =	vpush v7, $0xF;
	v7, _, _ =	vpop (xrf0)  }
0x2d7: {  	(v2sf) =	vpush v7, $0xF;
	_ =	sdelay $0xd  }
0x2d8: {  	s18 =	spop (v2sf)  }
0x2d9: {  	s23 =	spop (v2sf)  }
0x2da: {  	s7 =	smax.f32 s18, s23  }
0x2db: {  	vm13 =	veq.f32 v2, s7  }
0x2dc: {  	vm14 =	veq.f32 v6, s7;
	vm4 =	vmand vm12, vm13  }
0x2dd: {  	vm15 =	vmand vm5, vm14;
	v2 =	vnsel vm4, $0xFFFFFFFF, v58  }
0x2de: {  	(xrf0) =	vmin.scan.msk.u32 $0xffff, v2;
	v2 =	vnsel vm15, $0xFFFFFFFF, v60  }
0x2df: {  	(xrf0) =	vmin.scan.msk.u32 $0xffff, v2;
	_ =	sdelay $0x4  }
0x2e0: {  	v2, _, _ =	vpop (xrf0)  }
0x2e1: {  	(v2sf) =	vpush v2, $0xF;
	v2, _, _ =	vpop (xrf0)  }
0x2e2: {  	(v2sf) =	vpush v2, $0xF;
	_ =	sdelay $0xd  }
0x2e3: {  	s24 =	spop (v2sf)  }
0x2e4: {  	v6 =	vld [tilespmem:$0x1FFF0];
	s23 =	spop (v2sf)  }
0x2e5: {  	v2 =	vmov s3;
	s3 =	sxor.u32 $0x80000000, s24;
	s18 =	sxor.u32 $0x80000000, s23  }
0x2e6: {  	v2 =	vnsel vm2, $0x7FFFFFFF, v2;
	p0 =	slt.s32 s3, s18  }
0x2e7: {  	v2 =	vsel vm0, s10, v2;
	s18 =	smov.u32 @p0 s3  }
0x2e8: {  	v2 =	vsel vm3, s18, v2  }
0x2e9: {  	v6 =	vsub.s32 v2, v6  }
0x2ea: {  	vm3 =	vgt.s32 v6, $0x0  }
0x2eb: {  	v6 =	vnsel vm3, $0x0, v6  }
0x2ec: {  	v6 =	vmin.u32 v6, $0x18FF;
	_ =	sdelay $0x2  }
0x2ed: {  	v7 =	vmov s0  }
0x2ee: {  	v7 =	vnsel vm2, $0xFF800000, v7;
	s3 =	simm.s32 $0x1B800  }
0x2ef: {  	v7 =	vsel vm0, s6, v7;
	v6 =	vld.idx.msk [tilespmem:v6+s3+$0x0], $0xffff  }
0x2f0: {  	v7 =	vnsel vm1, s7, v7  }
0x2f1: {  	[tilespmem:$0x1D100] =	vst v7  }
0x2f2: {  	[tilespmem:$0x1D180] =	vst v2  }
0x2f3: {  	[tilespmem:$0x1D280] =	vst v5  }
0x2f4: {  	s25 =	rddreg [dreg:$0x6];
	s26 =	simm.s32 $0x1D100;
	[tilespmem:$0x1D200] =	vst v6  }
0x2f5: {  	[hbm4b:s25+s2] =	stream.linear.scatter [tilespmem:s26], [sflag:$0x3], $0x10, $0x38;
	[tilespmem:$0x1D300] =	vst v63  }
0x2f6: {  	_ =	swait.ge [sflag:s19], $0x10  }
0x2f7: {  	[sflag:s19] =	ssyncset.done $0x0  }
0x2f8: {  	s29 =	simm.s32 $0x1D180;
	[sflag:s19] =	ssyncadd.s32 $0xFFFFFFF0  }
0x2f9: {  	[hbm4b:s11+s2] =	stream.linear.scatter [tilespmem:s29], [sflag:$0x3], $0x10, $0x38;
	[tilespmem:$0x1D300] =	vst v63  }
0x2fa: {  	_ =	swait.ge [sflag:s19], $0x10  }
0x2fb: {  	[sflag:s19] =	ssyncset.done $0x0  }
0x2fc: {  	s30 =	simm.s32 $0x1D200;
	[sflag:s19] =	ssyncadd.s32 $0xFFFFFFF0  }
0x2fd: {  	[hbm4b:s12+s2] =	stream.linear.scatter [tilespmem:s30], [sflag:$0x3], $0x10, $0x38;
	[tilespmem:$0x1D300] =	vst v63  }
0x2fe: {  	s28 =	sadd.s32 $0x1, s28;
	_ =	swait.ge [sflag:s19], $0x10  }
0x2ff: {  	p0 =	sne.s32 s28, s14;
	[sflag:s19] =	ssyncset.done $0x0  }
.Ltmp3:
0x300: {  	s31 =	simm.s32 $0x1D280;
	[sflag:s19] =	ssyncadd.s32 $0xFFFFFFF0;
	(pc) =	sbr.rel @p0 .LBB2_1-.Ltmp3, $4  }
0x301: {  	[hbm4b:s13+s2] =	stream.linear.scatter [tilespmem:s31], [sflag:$0x3], $0x10, $0x38;
	[tilespmem:$0x1D300] =	vst v63  }
0x302: {  	_ =	swait.ge [sflag:s19], $0x10  }
0x303: {  	[sflag:s19] =	ssyncset.done $0x0  }
0x304: {  	[sflag:s19] =	ssyncadd.s32 $0xFFFFFFF0  }
0x305: {  	_ =	sfence.sel $0x180000  }
0x306: {  	[bflag:$0x0] =	sbarrier.arrive $0xFFFF  }
0x307: {  	_ =	strace $0x90000047  }
0x308: {  	s0 =	stileid.u32;
	[bflag:$0x2] =	sbarrier.arrive $0xFFFF  }
0x309: {  	p0 =	sne.s32 s0, $0x0;
	s0 =	rddreg [dreg:$0x3]  }
0x30a: {  	s0 =	sadd.s32 @!p0 $0x100000, s0  }
0x30b: {  	[sflag:s0] =	ssyncadd.tile.s32 @!p0 $0x1;
	_ =	shalt  }
.Lfunc_end2:
_tile_overlayer_lowered:
.L_overlay_start_2:
0x30c: {  	(tag) =	ssettag $0x2  }
0x30d: {  	s0 =	rddreg [dreg:$0x0];
	s2 =	stileid.u32  }
0x30e: {  	s1 =	rddreg [dreg:$0x1];
	p0 =	sne.s32 s2, $0x0  }
0x30f: {  	s3 =	rddreg [dreg:$0x2];
	[bflag:$0x3] =	sbarrier.arrive $0xFFFF;
	s2 =	simm.s32 @!p0 $0x1C03  }
0x310: {  	[timem:s3], [sflag:s2] =	dma.local @!p0 [hbm:s0], s1  }
0x311: {  	s0 =	simm.s32 @!p0 $0x3  }
0x312: {  	_ =	swait.ge @!p0 [sflag:s0], s1  }
0x313: {  	s1 =	ssub.s32 @!p0 $0x0, s1;
	[sflag:s0] =	ssyncset.done @!p0 $0x0  }
0x314: {  	[sflag:s0] =	ssyncadd.s32 @!p0 s1  }
0x315: {  	[bflag:$0x3] =	sbarrier.arrive $0xFFFF  }
0x316: {  	_ =	shalt  }

</sc_bundles>
